<compile_context>
chip_gen: v7x
topology: tpu7x:2x2x1
jax: 0.10.2.dev20260603
libtpu: 0.0.44.dev20260713+nightly
codegen_flags: <defaults>
</compile_context>

<pallas_src>
import functools

import jax
import jax.numpy as jnp
import numpy as np
from jax import lax
from jax.experimental import pallas as pl
from jax.experimental.pallas import tpu as pltpu
from jax.experimental.pallas import tpu_sc as plsc

_B, _S, _D = 1, 2048, 1024
_E, _K = 8, 2
_NW = 16
_TPW = _S // _NW
_NV = _TPW // 16


def _noise_t():
    g = jax.random.gumbel(jax.random.PRNGKey(0), (_B, _S, _E), jnp.float32)
    return (g * 0.05).reshape(_S, _E).T



def _logits_kernel(x_ref, wr_ref, noise_ref, out_ref):
    logits = jnp.dot(x_ref[...], wr_ref[...],
                     preferred_element_type=jnp.float32)
    out_ref[...] = logits.T + noise_ref[...]



def _route_body(ln_hbm, out_hbm, lnv, wrow, sem):
    wid = lax.axis_index("s")
    base = wid * _TPW
    copies = [
        pltpu.async_copy(ln_hbm.at[e, pl.ds(base, _TPW)],
                         lnv.at[pl.ds(e * _TPW, _TPW)], sem)
        for e in range(_E)
    ]
    for c in copies:
        c.wait()

    acc = [jnp.zeros((16,), jnp.float32) for _ in range(2 * _E)]
    for j in range(_NV):
        lv = [lnv[pl.ds(e * _TPW + 16 * j, 16)] for e in range(_E)]
        m = lv[0]
        for e in range(1, _E):
            m = jnp.maximum(m, lv[e])
        p = [jnp.exp(lv[e] - m) for e in range(_E)]
        denom = p[0]
        for e in range(1, _E):
            denom = denom + p[e]
        probs = [p[e] / denom for e in range(_E)]
        g1 = probs[0]
        i1 = jnp.zeros((16,), jnp.int32)
        for e in range(1, _E):
            gt = probs[e] > g1
            g1 = jnp.where(gt, probs[e], g1)
            i1 = jnp.where(gt, e, i1)
        g2 = jnp.full((16,), -1.0, jnp.float32)
        i2 = jnp.zeros((16,), jnp.int32)
        for e in range(_E):
            cand = jnp.where(i1 == e, -1.0, probs[e])
            gt = cand > g2
            g2 = jnp.where(gt, cand, g2)
            i2 = jnp.where(gt, e, i2)
        for e in range(_E):
            acc[e] = acc[e] + jnp.where(i1 == e, g1, 0.0)
            acc[_E + e] = acc[_E + e] + jnp.where(i2 == e, g2, 0.0)

    for i in range(2 * _E):
        wrow[pl.ds(16 * i, 16)] = acc[i]
    pltpu.sync_copy(wrow, out_hbm.at[wid])


_route = functools.partial(
    pl.kernel,
    out_type=jax.ShapeDtypeStruct((_NW, 2 * _E * 16), jnp.float32),
    mesh=plsc.VectorSubcoreMesh(core_axis_name="c", subcore_axis_name="s",
                                num_cores=1),
    scratch_types=[
        pltpu.VMEM((_E * _TPW,), jnp.float32),
        pltpu.VMEM((2 * _E * 16,), jnp.float32),
        pltpu.SemaphoreType.DMA,
    ],
)(_route_body)



def _combine_kernel(pw_ref, x8_ref, out_ref):
    s = jnp.sum(pw_ref[...], axis=0, keepdims=True)
    x8 = x8_ref[...]
    for k in range(_K):
        o = jnp.zeros((1, _D), jnp.float32)
        for e in range(_E):
            base = (_E * k + e) * 16
            scal = jnp.sum(s[0:1, base:base + 16])
            o = o + scal * x8[e:e + 1, :]
        out_ref[k:k + 1, :] = o


def kernel(inputs, w_router, W1, b1, W2, b2, WO, bO):
    del W1, b1, W2, b2, WO, bO
    x = inputs.reshape(_S, _D).astype(jnp.float32)

    ln = pl.pallas_call(
        _logits_kernel,
        out_shape=jax.ShapeDtypeStruct((_E, _S), jnp.float32),
    )(x, w_router.astype(jnp.float32), _noise_t())

    partials = _route(ln)

    out = pl.pallas_call(
        _combine_kernel,
        out_shape=jax.ShapeDtypeStruct((_K, _D), jnp.float32),
    )(partials, x[:_E])
    return out[None]

# --- scband reference (transcript-rebuilt; emitter-appended) ---
"""Pipeline reference for scband-dariush-mo-elayer-19533511262803 (READ-ONLY COPY).

The authoritative reference and input builder live on the scoring server;
editing this copy changes nothing except your own understanding.
"""

import jax, jax.numpy as jnp
import numpy as np

B, S, D = 1, 2048, 1024
E, K = 8, 2


def setup_inputs(seed: int = 0) -> dict:
    key = jax.random.key(seed)
    ks = jax.random.split(key, 8)
    x = jax.random.normal(ks[0], (B, S, D), dtype=jnp.float32)
    w_router = jax.random.normal(ks[1], (D, E), dtype=jnp.float32) * 0.02
    W1 = jax.random.normal(ks[2], (E, D, D), dtype=jnp.float32) * 0.02
    b1 = jnp.zeros((E, D), dtype=jnp.float32)
    W2 = jax.random.normal(ks[3], (E, D, D), dtype=jnp.float32) * 0.02
    b2 = jnp.zeros((E, D), dtype=jnp.float32)
    WO = jax.random.normal(ks[4], (E, D, D), dtype=jnp.float32) * 0.02
    bO = jnp.zeros((E, D), dtype=jnp.float32)
    return {"inputs": x, "w_router": w_router, "W1": W1, "b1": b1,
            "W2": W2, "b2": b2, "WO": WO, "bO": bO}


def reference(inputs, w_router, W1, b1, W2, b2, WO, bO):
    # Router: logits + fixed Gumbel noise (PRNGKey(0), exactly as in the module)
    logits = jnp.dot(inputs.astype(jnp.float32), w_router)  # [B, S, E]
    noise = jax.random.gumbel(jax.random.PRNGKey(0), logits.shape) * 0.05
    probs = jax.nn.softmax(logits + noise)
    gates, indices = jax.lax.top_k(probs, K)  # [B, S, K]

    # Per-expert SwiGLU FFN (use_swiglu=True branch): w_out(silu(w1(x)) * w2(x)).
    # These outputs are stacked on axis=1 but NEVER consumed by the gather below,
    # exactly as in the original (buggy) module -- kept for compute faithfulness.
    h1 = jnp.einsum('bsd,edh->besh', inputs, W1) + b1[None, :, None, :]
    h2 = jnp.einsum('bsd,edh->besh', inputs, W2) + b2[None, :, None, :]
    expert_outputs = jnp.einsum('besh,ehd->besd', jax.nn.silu(h1) * h2, WO) + bO[None, :, None, :]  # [B, E, S, D]
    del expert_outputs  # computed eagerly, unused downstream (matches original)

    # shard_map body: vmap over batch, gather rows of `inputs` by router indices
    selected = jax.vmap(lambda xb, idx: xb[idx])(inputs, indices)  # [B, S, K, D]

    out = (selected * gates[..., None]).sum(axis=1)  # sums over seq axis -> [B, K, D]
    return out

if __name__ == "__main__":
    import jax
    _d = setup_inputs()
    print(jax.jit(kernel)(*tuple(_d.values())))

</pallas_src>

<mosaic_0001>
#map = affine_map<(d0, d1) -> (0, 0)>
module attributes {stable_mosaic.version = 14 : i64} {
  func.func @_route_body(%arg0: i32, %arg1: i32, %arg2: memref<8x2048xf32, #tpu.memory_space<hbm>>, %arg3: memref<16x256xf32, #tpu.memory_space<hbm>>, %arg4: memref<1024xf32, #tpu.memory_space<vmem>>, %arg5: memref<256xf32, #tpu.memory_space<vmem>>, %arg6: memref<!tpu.dma_semaphore, #tpu.memory_space<semaphore_mem>>) attributes {dimension_semantics = [#tpu.dimension_semantics<core_parallel>, #tpu.dimension_semantics<subcore_parallel>], iteration_bounds = array<i64: 1, 16>, scalar_prefetch = 0 : i64, scratch_operands = 3 : i64, tpu.core_type = #tpu.core_type<sc_vector_subcore>, window_params = [{transform_indices = #map}, {transform_indices = #map}]} {
    %mul3A = arith.constant 128 : i32
    %mul3A_0 = arith.muli %arg1, %mul3A : i32
    %dma_start3A = arith.constant 0 : i32
    %dma_start3A_1 = arith.constant 0 : i32
    %dma_start3A_2 = tpu.memref_slice %arg4[%dma_start3A_1] : memref<1024xf32, #tpu.memory_space<vmem>> -> memref<128xf32, #tpu.memory_space<vmem>>
    %dma_start3A_3 = tpu.memref_slice %arg2[%dma_start3A, %mul3A_0] : memref<8x2048xf32, #tpu.memory_space<hbm>> -> memref<1x128xf32, #tpu.memory_space<hbm>>
    %dma_start3A_4 = tpu.memref_squeeze %dma_start3A_3 : memref<1x128xf32, #tpu.memory_space<hbm>> -> memref<128xf32, #tpu.memory_space<hbm>>
    %dma_start3A_5 = arith.constant 0 : i32
    %dma_start3A_6 = tpu.memref_slice %arg4[%dma_start3A_5] : memref<1024xf32, #tpu.memory_space<vmem>> -> memref<128xf32, #tpu.memory_space<vmem>>
    %dma_start3A_7 = tpu.memref_slice %arg2[%dma_start3A, %mul3A_0] : memref<8x2048xf32, #tpu.memory_space<hbm>> -> memref<1x128xf32, #tpu.memory_space<hbm>>
    %dma_start3A_8 = tpu.memref_squeeze %dma_start3A_7 : memref<1x128xf32, #tpu.memory_space<hbm>> -> memref<128xf32, #tpu.memory_space<hbm>>
    tpu.enqueue_dma source(%dma_start3A_8 : memref<128xf32, #tpu.memory_space<hbm>>) target(%dma_start3A_6 : memref<128xf32, #tpu.memory_space<vmem>>) target_semaphore(%arg6 : memref<!tpu.dma_semaphore, #tpu.memory_space<semaphore_mem>>)
    %dma_start3A_9 = arith.constant 1 : i32
    %dma_start3A_10 = arith.constant 128 : i32
    %dma_start3A_11 = tpu.memref_slice %arg4[%dma_start3A_10] : memref<1024xf32, #tpu.memory_space<vmem>> -> memref<128xf32, #tpu.memory_space<vmem>>
    %dma_start3A_12 = tpu.memref_slice %arg2[%dma_start3A_9, %mul3A_0] : memref<8x2048xf32, #tpu.memory_space<hbm>> -> memref<1x128xf32, #tpu.memory_space<hbm>>
    %dma_start3A_13 = tpu.memref_squeeze %dma_start3A_12 : memref<1x128xf32, #tpu.memory_space<hbm>> -> memref<128xf32, #tpu.memory_space<hbm>>
    %dma_start3A_14 = arith.constant 128 : i32
    %dma_start3A_15 = tpu.memref_slice %arg4[%dma_start3A_14] : memref<1024xf32, #tpu.memory_space<vmem>> -> memref<128xf32, #tpu.memory_space<vmem>>
    %dma_start3A_16 = tpu.memref_slice %arg2[%dma_start3A_9, %mul3A_0] : memref<8x2048xf32, #tpu.memory_space<hbm>> -> memref<1x128xf32, #tpu.memory_space<hbm>>
    %dma_start3A_17 = tpu.memref_squeeze %dma_start3A_16 : memref<1x128xf32, #tpu.memory_space<hbm>> -> memref<128xf32, #tpu.memory_space<hbm>>
    tpu.enqueue_dma source(%dma_start3A_17 : memref<128xf32, #tpu.memory_space<hbm>>) target(%dma_start3A_15 : memref<128xf32, #tpu.memory_space<vmem>>) target_semaphore(%arg6 : memref<!tpu.dma_semaphore, #tpu.memory_space<semaphore_mem>>)
    %dma_start3A_18 = arith.constant 2 : i32
    %dma_start3A_19 = arith.constant 256 : i32
    %dma_start3A_20 = tpu.memref_slice %arg4[%dma_start3A_19] : memref<1024xf32, #tpu.memory_space<vmem>> -> memref<128xf32, #tpu.memory_space<vmem>>
    %dma_start3A_21 = tpu.memref_slice %arg2[%dma_start3A_18, %mul3A_0] : memref<8x2048xf32, #tpu.memory_space<hbm>> -> memref<1x128xf32, #tpu.memory_space<hbm>>
    %dma_start3A_22 = tpu.memref_squeeze %dma_start3A_21 : memref<1x128xf32, #tpu.memory_space<hbm>> -> memref<128xf32, #tpu.memory_space<hbm>>
    %dma_start3A_23 = arith.constant 256 : i32
    %dma_start3A_24 = tpu.memref_slice %arg4[%dma_start3A_23] : memref<1024xf32, #tpu.memory_space<vmem>> -> memref<128xf32, #tpu.memory_space<vmem>>
    %dma_start3A_25 = tpu.memref_slice %arg2[%dma_start3A_18, %mul3A_0] : memref<8x2048xf32, #tpu.memory_space<hbm>> -> memref<1x128xf32, #tpu.memory_space<hbm>>
    %dma_start3A_26 = tpu.memref_squeeze %dma_start3A_25 : memref<1x128xf32, #tpu.memory_space<hbm>> -> memref<128xf32, #tpu.memory_space<hbm>>
    tpu.enqueue_dma source(%dma_start3A_26 : memref<128xf32, #tpu.memory_space<hbm>>) target(%dma_start3A_24 : memref<128xf32, #tpu.memory_space<vmem>>) target_semaphore(%arg6 : memref<!tpu.dma_semaphore, #tpu.memory_space<semaphore_mem>>)
    %dma_start3A_27 = arith.constant 3 : i32
    %dma_start3A_28 = arith.constant 384 : i32
    %dma_start3A_29 = tpu.memref_slice %arg4[%dma_start3A_28] : memref<1024xf32, #tpu.memory_space<vmem>> -> memref<128xf32, #tpu.memory_space<vmem>>
    %dma_start3A_30 = tpu.memref_slice %arg2[%dma_start3A_27, %mul3A_0] : memref<8x2048xf32, #tpu.memory_space<hbm>> -> memref<1x128xf32, #tpu.memory_space<hbm>>
    %dma_start3A_31 = tpu.memref_squeeze %dma_start3A_30 : memref<1x128xf32, #tpu.memory_space<hbm>> -> memref<128xf32, #tpu.memory_space<hbm>>
    %dma_start3A_32 = arith.constant 384 : i32
    %dma_start3A_33 = tpu.memref_slice %arg4[%dma_start3A_32] : memref<1024xf32, #tpu.memory_space<vmem>> -> memref<128xf32, #tpu.memory_space<vmem>>
    %dma_start3A_34 = tpu.memref_slice %arg2[%dma_start3A_27, %mul3A_0] : memref<8x2048xf32, #tpu.memory_space<hbm>> -> memref<1x128xf32, #tpu.memory_space<hbm>>
    %dma_start3A_35 = tpu.memref_squeeze %dma_start3A_34 : memref<1x128xf32, #tpu.memory_space<hbm>> -> memref<128xf32, #tpu.memory_space<hbm>>
    tpu.enqueue_dma source(%dma_start3A_35 : memref<128xf32, #tpu.memory_space<hbm>>) target(%dma_start3A_33 : memref<128xf32, #tpu.memory_space<vmem>>) target_semaphore(%arg6 : memref<!tpu.dma_semaphore, #tpu.memory_space<semaphore_mem>>)
    %dma_start3A_36 = arith.constant 4 : i32
    %dma_start3A_37 = arith.constant 512 : i32
    %dma_start3A_38 = tpu.memref_slice %arg4[%dma_start3A_37] : memref<1024xf32, #tpu.memory_space<vmem>> -> memref<128xf32, #tpu.memory_space<vmem>>
    %dma_start3A_39 = tpu.memref_slice %arg2[%dma_start3A_36, %mul3A_0] : memref<8x2048xf32, #tpu.memory_space<hbm>> -> memref<1x128xf32, #tpu.memory_space<hbm>>
    %dma_start3A_40 = tpu.memref_squeeze %dma_start3A_39 : memref<1x128xf32, #tpu.memory_space<hbm>> -> memref<128xf32, #tpu.memory_space<hbm>>
    %dma_start3A_41 = arith.constant 512 : i32
    %dma_start3A_42 = tpu.memref_slice %arg4[%dma_start3A_41] : memref<1024xf32, #tpu.memory_space<vmem>> -> memref<128xf32, #tpu.memory_space<vmem>>
    %dma_start3A_43 = tpu.memref_slice %arg2[%dma_start3A_36, %mul3A_0] : memref<8x2048xf32, #tpu.memory_space<hbm>> -> memref<1x128xf32, #tpu.memory_space<hbm>>
    %dma_start3A_44 = tpu.memref_squeeze %dma_start3A_43 : memref<1x128xf32, #tpu.memory_space<hbm>> -> memref<128xf32, #tpu.memory_space<hbm>>
    tpu.enqueue_dma source(%dma_start3A_44 : memref<128xf32, #tpu.memory_space<hbm>>) target(%dma_start3A_42 : memref<128xf32, #tpu.memory_space<vmem>>) target_semaphore(%arg6 : memref<!tpu.dma_semaphore, #tpu.memory_space<semaphore_mem>>)
    %dma_start3A_45 = arith.constant 5 : i32
    %dma_start3A_46 = arith.constant 640 : i32
    %dma_start3A_47 = tpu.memref_slice %arg4[%dma_start3A_46] : memref<1024xf32, #tpu.memory_space<vmem>> -> memref<128xf32, #tpu.memory_space<vmem>>
    %dma_start3A_48 = tpu.memref_slice %arg2[%dma_start3A_45, %mul3A_0] : memref<8x2048xf32, #tpu.memory_space<hbm>> -> memref<1x128xf32, #tpu.memory_space<hbm>>
    %dma_start3A_49 = tpu.memref_squeeze %dma_start3A_48 : memref<1x128xf32, #tpu.memory_space<hbm>> -> memref<128xf32, #tpu.memory_space<hbm>>
    %dma_start3A_50 = arith.constant 640 : i32
    %dma_start3A_51 = tpu.memref_slice %arg4[%dma_start3A_50] : memref<1024xf32, #tpu.memory_space<vmem>> -> memref<128xf32, #tpu.memory_space<vmem>>
    %dma_start3A_52 = tpu.memref_slice %arg2[%dma_start3A_45, %mul3A_0] : memref<8x2048xf32, #tpu.memory_space<hbm>> -> memref<1x128xf32, #tpu.memory_space<hbm>>
    %dma_start3A_53 = tpu.memref_squeeze %dma_start3A_52 : memref<1x128xf32, #tpu.memory_space<hbm>> -> memref<128xf32, #tpu.memory_space<hbm>>
    tpu.enqueue_dma source(%dma_start3A_53 : memref<128xf32, #tpu.memory_space<hbm>>) target(%dma_start3A_51 : memref<128xf32, #tpu.memory_space<vmem>>) target_semaphore(%arg6 : memref<!tpu.dma_semaphore, #tpu.memory_space<semaphore_mem>>)
    %dma_start3A_54 = arith.constant 6 : i32
    %dma_start3A_55 = arith.constant 768 : i32
    %dma_start3A_56 = tpu.memref_slice %arg4[%dma_start3A_55] : memref<1024xf32, #tpu.memory_space<vmem>> -> memref<128xf32, #tpu.memory_space<vmem>>
    %dma_start3A_57 = tpu.memref_slice %arg2[%dma_start3A_54, %mul3A_0] : memref<8x2048xf32, #tpu.memory_space<hbm>> -> memref<1x128xf32, #tpu.memory_space<hbm>>
    %dma_start3A_58 = tpu.memref_squeeze %dma_start3A_57 : memref<1x128xf32, #tpu.memory_space<hbm>> -> memref<128xf32, #tpu.memory_space<hbm>>
    %dma_start3A_59 = arith.constant 768 : i32
    %dma_start3A_60 = tpu.memref_slice %arg4[%dma_start3A_59] : memref<1024xf32, #tpu.memory_space<vmem>> -> memref<128xf32, #tpu.memory_space<vmem>>
    %dma_start3A_61 = tpu.memref_slice %arg2[%dma_start3A_54, %mul3A_0] : memref<8x2048xf32, #tpu.memory_space<hbm>> -> memref<1x128xf32, #tpu.memory_space<hbm>>
    %dma_start3A_62 = tpu.memref_squeeze %dma_start3A_61 : memref<1x128xf32, #tpu.memory_space<hbm>> -> memref<128xf32, #tpu.memory_space<hbm>>
    tpu.enqueue_dma source(%dma_start3A_62 : memref<128xf32, #tpu.memory_space<hbm>>) target(%dma_start3A_60 : memref<128xf32, #tpu.memory_space<vmem>>) target_semaphore(%arg6 : memref<!tpu.dma_semaphore, #tpu.memory_space<semaphore_mem>>)
    %dma_start3A_63 = arith.constant 7 : i32
    %dma_start3A_64 = arith.constant 896 : i32
    %dma_start3A_65 = tpu.memref_slice %arg4[%dma_start3A_64] : memref<1024xf32, #tpu.memory_space<vmem>> -> memref<128xf32, #tpu.memory_space<vmem>>
    %dma_start3A_66 = tpu.memref_slice %arg2[%dma_start3A_63, %mul3A_0] : memref<8x2048xf32, #tpu.memory_space<hbm>> -> memref<1x128xf32, #tpu.memory_space<hbm>>
    %dma_start3A_67 = tpu.memref_squeeze %dma_start3A_66 : memref<1x128xf32, #tpu.memory_space<hbm>> -> memref<128xf32, #tpu.memory_space<hbm>>
    %dma_start3A_68 = arith.constant 896 : i32
    %dma_start3A_69 = tpu.memref_slice %arg4[%dma_start3A_68] : memref<1024xf32, #tpu.memory_space<vmem>> -> memref<128xf32, #tpu.memory_space<vmem>>
    %dma_start3A_70 = tpu.memref_slice %arg2[%dma_start3A_63, %mul3A_0] : memref<8x2048xf32, #tpu.memory_space<hbm>> -> memref<1x128xf32, #tpu.memory_space<hbm>>
    %dma_start3A_71 = tpu.memref_squeeze %dma_start3A_70 : memref<1x128xf32, #tpu.memory_space<hbm>> -> memref<128xf32, #tpu.memory_space<hbm>>
    tpu.enqueue_dma source(%dma_start3A_71 : memref<128xf32, #tpu.memory_space<hbm>>) target(%dma_start3A_69 : memref<128xf32, #tpu.memory_space<vmem>>) target_semaphore(%arg6 : memref<!tpu.dma_semaphore, #tpu.memory_space<semaphore_mem>>)
    %dma_wait3A = arith.constant 0 : i32
    %dma_wait3A_72 = arith.constant 0 : i32
    %dma_wait3A_73 = tpu.memref_slice %arg4[%dma_wait3A_72] : memref<1024xf32, #tpu.memory_space<vmem>> -> memref<128xf32, #tpu.memory_space<vmem>>
    %dma_wait3A_74 = tpu.memref_slice %arg2[%dma_wait3A, %mul3A_0] : memref<8x2048xf32, #tpu.memory_space<hbm>> -> memref<1x128xf32, #tpu.memory_space<hbm>>
    %dma_wait3A_75 = tpu.memref_squeeze %dma_wait3A_74 : memref<1x128xf32, #tpu.memory_space<hbm>> -> memref<128xf32, #tpu.memory_space<hbm>>
    %dma_wait3A_76 = arith.constant 0 : i32
    %dma_wait3A_77 = tpu.memref_slice %arg4[%dma_wait3A_76] : memref<1024xf32, #tpu.memory_space<vmem>> -> memref<128xf32, #tpu.memory_space<vmem>>
    %dma_wait3A_78 = tpu.memref_slice %arg2[%dma_wait3A, %mul3A_0] : memref<8x2048xf32, #tpu.memory_space<hbm>> -> memref<1x128xf32, #tpu.memory_space<hbm>>
    %dma_wait3A_79 = tpu.memref_squeeze %dma_wait3A_78 : memref<1x128xf32, #tpu.memory_space<hbm>> -> memref<128xf32, #tpu.memory_space<hbm>>
    tpu.wait_dma2 semaphore(%arg6 : memref<!tpu.dma_semaphore, #tpu.memory_space<semaphore_mem>>) src(%dma_wait3A_79 : memref<128xf32, #tpu.memory_space<hbm>>) dst(%dma_wait3A_77 : memref<128xf32, #tpu.memory_space<vmem>>)
    %dma_wait3A_80 = arith.constant 1 : i32
    %dma_wait3A_81 = arith.constant 128 : i32
    %dma_wait3A_82 = tpu.memref_slice %arg4[%dma_wait3A_81] : memref<1024xf32, #tpu.memory_space<vmem>> -> memref<128xf32, #tpu.memory_space<vmem>>
    %dma_wait3A_83 = tpu.memref_slice %arg2[%dma_wait3A_80, %mul3A_0] : memref<8x2048xf32, #tpu.memory_space<hbm>> -> memref<1x128xf32, #tpu.memory_space<hbm>>
    %dma_wait3A_84 = tpu.memref_squeeze %dma_wait3A_83 : memref<1x128xf32, #tpu.memory_space<hbm>> -> memref<128xf32, #tpu.memory_space<hbm>>
    %dma_wait3A_85 = arith.constant 128 : i32
    %dma_wait3A_86 = tpu.memref_slice %arg4[%dma_wait3A_85] : memref<1024xf32, #tpu.memory_space<vmem>> -> memref<128xf32, #tpu.memory_space<vmem>>
    %dma_wait3A_87 = tpu.memref_slice %arg2[%dma_wait3A_80, %mul3A_0] : memref<8x2048xf32, #tpu.memory_space<hbm>> -> memref<1x128xf32, #tpu.memory_space<hbm>>
    %dma_wait3A_88 = tpu.memref_squeeze %dma_wait3A_87 : memref<1x128xf32, #tpu.memory_space<hbm>> -> memref<128xf32, #tpu.memory_space<hbm>>
    tpu.wait_dma2 semaphore(%arg6 : memref<!tpu.dma_semaphore, #tpu.memory_space<semaphore_mem>>) src(%dma_wait3A_88 : memref<128xf32, #tpu.memory_space<hbm>>) dst(%dma_wait3A_86 : memref<128xf32, #tpu.memory_space<vmem>>)
    %dma_wait3A_89 = arith.constant 2 : i32
    %dma_wait3A_90 = arith.constant 256 : i32
    %dma_wait3A_91 = tpu.memref_slice %arg4[%dma_wait3A_90] : memref<1024xf32, #tpu.memory_space<vmem>> -> memref<128xf32, #tpu.memory_space<vmem>>
    %dma_wait3A_92 = tpu.memref_slice %arg2[%dma_wait3A_89, %mul3A_0] : memref<8x2048xf32, #tpu.memory_space<hbm>> -> memref<1x128xf32, #tpu.memory_space<hbm>>
    %dma_wait3A_93 = tpu.memref_squeeze %dma_wait3A_92 : memref<1x128xf32, #tpu.memory_space<hbm>> -> memref<128xf32, #tpu.memory_space<hbm>>
    %dma_wait3A_94 = arith.constant 256 : i32
    %dma_wait3A_95 = tpu.memref_slice %arg4[%dma_wait3A_94] : memref<1024xf32, #tpu.memory_space<vmem>> -> memref<128xf32, #tpu.memory_space<vmem>>
    %dma_wait3A_96 = tpu.memref_slice %arg2[%dma_wait3A_89, %mul3A_0] : memref<8x2048xf32, #tpu.memory_space<hbm>> -> memref<1x128xf32, #tpu.memory_space<hbm>>
    %dma_wait3A_97 = tpu.memref_squeeze %dma_wait3A_96 : memref<1x128xf32, #tpu.memory_space<hbm>> -> memref<128xf32, #tpu.memory_space<hbm>>
    tpu.wait_dma2 semaphore(%arg6 : memref<!tpu.dma_semaphore, #tpu.memory_space<semaphore_mem>>) src(%dma_wait3A_97 : memref<128xf32, #tpu.memory_space<hbm>>) dst(%dma_wait3A_95 : memref<128xf32, #tpu.memory_space<vmem>>)
    %dma_wait3A_98 = arith.constant 3 : i32
    %dma_wait3A_99 = arith.constant 384 : i32
    %dma_wait3A_100 = tpu.memref_slice %arg4[%dma_wait3A_99] : memref<1024xf32, #tpu.memory_space<vmem>> -> memref<128xf32, #tpu.memory_space<vmem>>
    %dma_wait3A_101 = tpu.memref_slice %arg2[%dma_wait3A_98, %mul3A_0] : memref<8x2048xf32, #tpu.memory_space<hbm>> -> memref<1x128xf32, #tpu.memory_space<hbm>>
    %dma_wait3A_102 = tpu.memref_squeeze %dma_wait3A_101 : memref<1x128xf32, #tpu.memory_space<hbm>> -> memref<128xf32, #tpu.memory_space<hbm>>
    %dma_wait3A_103 = arith.constant 384 : i32
    %dma_wait3A_104 = tpu.memref_slice %arg4[%dma_wait3A_103] : memref<1024xf32, #tpu.memory_space<vmem>> -> memref<128xf32, #tpu.memory_space<vmem>>
    %dma_wait3A_105 = tpu.memref_slice %arg2[%dma_wait3A_98, %mul3A_0] : memref<8x2048xf32, #tpu.memory_space<hbm>> -> memref<1x128xf32, #tpu.memory_space<hbm>>
    %dma_wait3A_106 = tpu.memref_squeeze %dma_wait3A_105 : memref<1x128xf32, #tpu.memory_space<hbm>> -> memref<128xf32, #tpu.memory_space<hbm>>
    tpu.wait_dma2 semaphore(%arg6 : memref<!tpu.dma_semaphore, #tpu.memory_space<semaphore_mem>>) src(%dma_wait3A_106 : memref<128xf32, #tpu.memory_space<hbm>>) dst(%dma_wait3A_104 : memref<128xf32, #tpu.memory_space<vmem>>)
    %dma_wait3A_107 = arith.constant 4 : i32
    %dma_wait3A_108 = arith.constant 512 : i32
    %dma_wait3A_109 = tpu.memref_slice %arg4[%dma_wait3A_108] : memref<1024xf32, #tpu.memory_space<vmem>> -> memref<128xf32, #tpu.memory_space<vmem>>
    %dma_wait3A_110 = tpu.memref_slice %arg2[%dma_wait3A_107, %mul3A_0] : memref<8x2048xf32, #tpu.memory_space<hbm>> -> memref<1x128xf32, #tpu.memory_space<hbm>>
    %dma_wait3A_111 = tpu.memref_squeeze %dma_wait3A_110 : memref<1x128xf32, #tpu.memory_space<hbm>> -> memref<128xf32, #tpu.memory_space<hbm>>
    %dma_wait3A_112 = arith.constant 512 : i32
    %dma_wait3A_113 = tpu.memref_slice %arg4[%dma_wait3A_112] : memref<1024xf32, #tpu.memory_space<vmem>> -> memref<128xf32, #tpu.memory_space<vmem>>
    %dma_wait3A_114 = tpu.memref_slice %arg2[%dma_wait3A_107, %mul3A_0] : memref<8x2048xf32, #tpu.memory_space<hbm>> -> memref<1x128xf32, #tpu.memory_space<hbm>>
    %dma_wait3A_115 = tpu.memref_squeeze %dma_wait3A_114 : memref<1x128xf32, #tpu.memory_space<hbm>> -> memref<128xf32, #tpu.memory_space<hbm>>
    tpu.wait_dma2 semaphore(%arg6 : memref<!tpu.dma_semaphore, #tpu.memory_space<semaphore_mem>>) src(%dma_wait3A_115 : memref<128xf32, #tpu.memory_space<hbm>>) dst(%dma_wait3A_113 : memref<128xf32, #tpu.memory_space<vmem>>)
    %dma_wait3A_116 = arith.constant 5 : i32
    %dma_wait3A_117 = arith.constant 640 : i32
    %dma_wait3A_118 = tpu.memref_slice %arg4[%dma_wait3A_117] : memref<1024xf32, #tpu.memory_space<vmem>> -> memref<128xf32, #tpu.memory_space<vmem>>
    %dma_wait3A_119 = tpu.memref_slice %arg2[%dma_wait3A_116, %mul3A_0] : memref<8x2048xf32, #tpu.memory_space<hbm>> -> memref<1x128xf32, #tpu.memory_space<hbm>>
    %dma_wait3A_120 = tpu.memref_squeeze %dma_wait3A_119 : memref<1x128xf32, #tpu.memory_space<hbm>> -> memref<128xf32, #tpu.memory_space<hbm>>
    %dma_wait3A_121 = arith.constant 640 : i32
    %dma_wait3A_122 = tpu.memref_slice %arg4[%dma_wait3A_121] : memref<1024xf32, #tpu.memory_space<vmem>> -> memref<128xf32, #tpu.memory_space<vmem>>
    %dma_wait3A_123 = tpu.memref_slice %arg2[%dma_wait3A_116, %mul3A_0] : memref<8x2048xf32, #tpu.memory_space<hbm>> -> memref<1x128xf32, #tpu.memory_space<hbm>>
    %dma_wait3A_124 = tpu.memref_squeeze %dma_wait3A_123 : memref<1x128xf32, #tpu.memory_space<hbm>> -> memref<128xf32, #tpu.memory_space<hbm>>
    tpu.wait_dma2 semaphore(%arg6 : memref<!tpu.dma_semaphore, #tpu.memory_space<semaphore_mem>>) src(%dma_wait3A_124 : memref<128xf32, #tpu.memory_space<hbm>>) dst(%dma_wait3A_122 : memref<128xf32, #tpu.memory_space<vmem>>)
    %dma_wait3A_125 = arith.constant 6 : i32
    %dma_wait3A_126 = arith.constant 768 : i32
    %dma_wait3A_127 = tpu.memref_slice %arg4[%dma_wait3A_126] : memref<1024xf32, #tpu.memory_space<vmem>> -> memref<128xf32, #tpu.memory_space<vmem>>
    %dma_wait3A_128 = tpu.memref_slice %arg2[%dma_wait3A_125, %mul3A_0] : memref<8x2048xf32, #tpu.memory_space<hbm>> -> memref<1x128xf32, #tpu.memory_space<hbm>>
    %dma_wait3A_129 = tpu.memref_squeeze %dma_wait3A_128 : memref<1x128xf32, #tpu.memory_space<hbm>> -> memref<128xf32, #tpu.memory_space<hbm>>
    %dma_wait3A_130 = arith.constant 768 : i32
    %dma_wait3A_131 = tpu.memref_slice %arg4[%dma_wait3A_130] : memref<1024xf32, #tpu.memory_space<vmem>> -> memref<128xf32, #tpu.memory_space<vmem>>
    %dma_wait3A_132 = tpu.memref_slice %arg2[%dma_wait3A_125, %mul3A_0] : memref<8x2048xf32, #tpu.memory_space<hbm>> -> memref<1x128xf32, #tpu.memory_space<hbm>>
    %dma_wait3A_133 = tpu.memref_squeeze %dma_wait3A_132 : memref<1x128xf32, #tpu.memory_space<hbm>> -> memref<128xf32, #tpu.memory_space<hbm>>
    tpu.wait_dma2 semaphore(%arg6 : memref<!tpu.dma_semaphore, #tpu.memory_space<semaphore_mem>>) src(%dma_wait3A_133 : memref<128xf32, #tpu.memory_space<hbm>>) dst(%dma_wait3A_131 : memref<128xf32, #tpu.memory_space<vmem>>)
    %dma_wait3A_134 = arith.constant 7 : i32
    %dma_wait3A_135 = arith.constant 896 : i32
    %dma_wait3A_136 = tpu.memref_slice %arg4[%dma_wait3A_135] : memref<1024xf32, #tpu.memory_space<vmem>> -> memref<128xf32, #tpu.memory_space<vmem>>
    %dma_wait3A_137 = tpu.memref_slice %arg2[%dma_wait3A_134, %mul3A_0] : memref<8x2048xf32, #tpu.memory_space<hbm>> -> memref<1x128xf32, #tpu.memory_space<hbm>>
    %dma_wait3A_138 = tpu.memref_squeeze %dma_wait3A_137 : memref<1x128xf32, #tpu.memory_space<hbm>> -> memref<128xf32, #tpu.memory_space<hbm>>
    %dma_wait3A_139 = arith.constant 896 : i32
    %dma_wait3A_140 = tpu.memref_slice %arg4[%dma_wait3A_139] : memref<1024xf32, #tpu.memory_space<vmem>> -> memref<128xf32, #tpu.memory_space<vmem>>
    %dma_wait3A_141 = tpu.memref_slice %arg2[%dma_wait3A_134, %mul3A_0] : memref<8x2048xf32, #tpu.memory_space<hbm>> -> memref<1x128xf32, #tpu.memory_space<hbm>>
    %dma_wait3A_142 = tpu.memref_squeeze %dma_wait3A_141 : memref<1x128xf32, #tpu.memory_space<hbm>> -> memref<128xf32, #tpu.memory_space<hbm>>
    tpu.wait_dma2 semaphore(%arg6 : memref<!tpu.dma_semaphore, #tpu.memory_space<semaphore_mem>>) src(%dma_wait3A_142 : memref<128xf32, #tpu.memory_space<hbm>>) dst(%dma_wait3A_140 : memref<128xf32, #tpu.memory_space<vmem>>)
    %broadcast_in_dim3A = arith.constant 0.000000e+00 : f32
    %broadcast_in_dim3A_143 = vector.broadcast %broadcast_in_dim3A : f32 to vector<16xf32>
    %broadcast_in_dim3A_144 = arith.constant 0.000000e+00 : f32
    %broadcast_in_dim3A_145 = vector.broadcast %broadcast_in_dim3A_144 : f32 to vector<16xf32>
    %broadcast_in_dim3A_146 = arith.constant 0.000000e+00 : f32
    %broadcast_in_dim3A_147 = vector.broadcast %broadcast_in_dim3A_146 : f32 to vector<16xf32>
    %broadcast_in_dim3A_148 = arith.constant 0.000000e+00 : f32
    %broadcast_in_dim3A_149 = vector.broadcast %broadcast_in_dim3A_148 : f32 to vector<16xf32>
    %broadcast_in_dim3A_150 = arith.constant 0.000000e+00 : f32
    %broadcast_in_dim3A_151 = vector.broadcast %broadcast_in_dim3A_150 : f32 to vector<16xf32>
    %broadcast_in_dim3A_152 = arith.constant 0.000000e+00 : f32
    %broadcast_in_dim3A_153 = vector.broadcast %broadcast_in_dim3A_152 : f32 to vector<16xf32>
    %broadcast_in_dim3A_154 = arith.constant 0.000000e+00 : f32
    %broadcast_in_dim3A_155 = vector.broadcast %broadcast_in_dim3A_154 : f32 to vector<16xf32>
    %broadcast_in_dim3A_156 = arith.constant 0.000000e+00 : f32
    %broadcast_in_dim3A_157 = vector.broadcast %broadcast_in_dim3A_156 : f32 to vector<16xf32>
    %broadcast_in_dim3A_158 = arith.constant 0.000000e+00 : f32
    %broadcast_in_dim3A_159 = vector.broadcast %broadcast_in_dim3A_158 : f32 to vector<16xf32>
    %broadcast_in_dim3A_160 = arith.constant 0.000000e+00 : f32
    %broadcast_in_dim3A_161 = vector.broadcast %broadcast_in_dim3A_160 : f32 to vector<16xf32>
    %broadcast_in_dim3A_162 = arith.constant 0.000000e+00 : f32
    %broadcast_in_dim3A_163 = vector.broadcast %broadcast_in_dim3A_162 : f32 to vector<16xf32>
    %broadcast_in_dim3A_164 = arith.constant 0.000000e+00 : f32
    %broadcast_in_dim3A_165 = vector.broadcast %broadcast_in_dim3A_164 : f32 to vector<16xf32>
    %broadcast_in_dim3A_166 = arith.constant 0.000000e+00 : f32
    %broadcast_in_dim3A_167 = vector.broadcast %broadcast_in_dim3A_166 : f32 to vector<16xf32>
    %broadcast_in_dim3A_168 = arith.constant 0.000000e+00 : f32
    %broadcast_in_dim3A_169 = vector.broadcast %broadcast_in_dim3A_168 : f32 to vector<16xf32>
    %broadcast_in_dim3A_170 = arith.constant 0.000000e+00 : f32
    %broadcast_in_dim3A_171 = vector.broadcast %broadcast_in_dim3A_170 : f32 to vector<16xf32>
    %broadcast_in_dim3A_172 = arith.constant 0.000000e+00 : f32
    %broadcast_in_dim3A_173 = vector.broadcast %broadcast_in_dim3A_172 : f32 to vector<16xf32>
    %get3A = arith.constant 0 : index
    %get3A_174 = tpu.vector_load %arg4[%get3A] {strides = array<i32>} : memref<1024xf32, #tpu.memory_space<vmem>>, vector<16xf32>,
    %get3A_175 = vector.shape_cast %get3A_174 : vector<16xf32> to vector<16xf32>
    %get3A_176 = arith.constant 128 : index
    %get3A_177 = tpu.vector_load %arg4[%get3A_176] {strides = array<i32>} : memref<1024xf32, #tpu.memory_space<vmem>>, vector<16xf32>,
    %get3A_178 = vector.shape_cast %get3A_177 : vector<16xf32> to vector<16xf32>
    %get3A_179 = arith.constant 256 : index
    %get3A_180 = tpu.vector_load %arg4[%get3A_179] {strides = array<i32>} : memref<1024xf32, #tpu.memory_space<vmem>>, vector<16xf32>,
    %get3A_181 = vector.shape_cast %get3A_180 : vector<16xf32> to vector<16xf32>
    %get3A_182 = arith.constant 384 : index
    %get3A_183 = tpu.vector_load %arg4[%get3A_182] {strides = array<i32>} : memref<1024xf32, #tpu.memory_space<vmem>>, vector<16xf32>,
    %get3A_184 = vector.shape_cast %get3A_183 : vector<16xf32> to vector<16xf32>
    %get3A_185 = arith.constant 512 : index
    %get3A_186 = tpu.vector_load %arg4[%get3A_185] {strides = array<i32>} : memref<1024xf32, #tpu.memory_space<vmem>>, vector<16xf32>,
    %get3A_187 = vector.shape_cast %get3A_186 : vector<16xf32> to vector<16xf32>
    %get3A_188 = arith.constant 640 : index
    %get3A_189 = tpu.vector_load %arg4[%get3A_188] {strides = array<i32>} : memref<1024xf32, #tpu.memory_space<vmem>>, vector<16xf32>,
    %get3A_190 = vector.shape_cast %get3A_189 : vector<16xf32> to vector<16xf32>
    %get3A_191 = arith.constant 768 : index
    %get3A_192 = tpu.vector_load %arg4[%get3A_191] {strides = array<i32>} : memref<1024xf32, #tpu.memory_space<vmem>>, vector<16xf32>,
    %get3A_193 = vector.shape_cast %get3A_192 : vector<16xf32> to vector<16xf32>
    %get3A_194 = arith.constant 896 : index
    %get3A_195 = tpu.vector_load %arg4[%get3A_194] {strides = array<i32>} : memref<1024xf32, #tpu.memory_space<vmem>>, vector<16xf32>,
    %get3A_196 = vector.shape_cast %get3A_195 : vector<16xf32> to vector<16xf32>
    %max3A = arith.maximumf %get3A_175, %get3A_178 : vector<16xf32>
    %max3A_197 = arith.maximumf %max3A, %get3A_181 : vector<16xf32>
    %max3A_198 = arith.maximumf %max3A_197, %get3A_184 : vector<16xf32>
    %max3A_199 = arith.maximumf %max3A_198, %get3A_187 : vector<16xf32>
    %max3A_200 = arith.maximumf %max3A_199, %get3A_190 : vector<16xf32>
    %max3A_201 = arith.maximumf %max3A_200, %get3A_193 : vector<16xf32>
    %max3A_202 = arith.maximumf %max3A_201, %get3A_196 : vector<16xf32>
    %sub3A = arith.subf %get3A_175, %max3A_202 : vector<16xf32>
    %exp3A = math.exp %sub3A : vector<16xf32>
    %sub3A_203 = arith.subf %get3A_178, %max3A_202 : vector<16xf32>
    %exp3A_204 = math.exp %sub3A_203 : vector<16xf32>
    %sub3A_205 = arith.subf %get3A_181, %max3A_202 : vector<16xf32>
    %exp3A_206 = math.exp %sub3A_205 : vector<16xf32>
    %sub3A_207 = arith.subf %get3A_184, %max3A_202 : vector<16xf32>
    %exp3A_208 = math.exp %sub3A_207 : vector<16xf32>
    %sub3A_209 = arith.subf %get3A_187, %max3A_202 : vector<16xf32>
    %exp3A_210 = math.exp %sub3A_209 : vector<16xf32>
    %sub3A_211 = arith.subf %get3A_190, %max3A_202 : vector<16xf32>
    %exp3A_212 = math.exp %sub3A_211 : vector<16xf32>
    %sub3A_213 = arith.subf %get3A_193, %max3A_202 : vector<16xf32>
    %exp3A_214 = math.exp %sub3A_213 : vector<16xf32>
    %sub3A_215 = arith.subf %get3A_196, %max3A_202 : vector<16xf32>
    %exp3A_216 = math.exp %sub3A_215 : vector<16xf32>
    %add3A = arith.addf %exp3A, %exp3A_204 : vector<16xf32>
    %add3A_217 = arith.addf %add3A, %exp3A_206 : vector<16xf32>
    %add3A_218 = arith.addf %add3A_217, %exp3A_208 : vector<16xf32>
    %add3A_219 = arith.addf %add3A_218, %exp3A_210 : vector<16xf32>
    %add3A_220 = arith.addf %add3A_219, %exp3A_212 : vector<16xf32>
    %add3A_221 = arith.addf %add3A_220, %exp3A_214 : vector<16xf32>
    %add3A_222 = arith.addf %add3A_221, %exp3A_216 : vector<16xf32>
    %div3A = arith.divf %exp3A, %add3A_222 : vector<16xf32>
    %div3A_223 = arith.divf %exp3A_204, %add3A_222 : vector<16xf32>
    %div3A_224 = arith.divf %exp3A_206, %add3A_222 : vector<16xf32>
    %div3A_225 = arith.divf %exp3A_208, %add3A_222 : vector<16xf32>
    %div3A_226 = arith.divf %exp3A_210, %add3A_222 : vector<16xf32>
    %div3A_227 = arith.divf %exp3A_212, %add3A_222 : vector<16xf32>
    %div3A_228 = arith.divf %exp3A_214, %add3A_222 : vector<16xf32>
    %div3A_229 = arith.divf %exp3A_216, %add3A_222 : vector<16xf32>
    %broadcast_in_dim3A_230 = arith.constant 0 : i32
    %broadcast_in_dim3A_231 = vector.broadcast %broadcast_in_dim3A_230 : i32 to vector<16xi32>
    %gt3A = arith.cmpf ogt, %div3A_223, %div3A : vector<16xf32>
    %select_n3A = arith.select %gt3A, %div3A_223, %div3A : vector<16xi1>, vector<16xf32>
    %jit3A = arith.constant 1 : i32
    %broadcast_in_dim3A_232 = vector.broadcast %jit3A : i32 to vector<16xi32>
    %select_n3A_233 = arith.select %gt3A, %broadcast_in_dim3A_232, %broadcast_in_dim3A_231 : vector<16xi1>, vector<16xi32>
    %gt3A_234 = arith.cmpf ogt, %div3A_224, %select_n3A : vector<16xf32>
    %select_n3A_235 = arith.select %gt3A_234, %div3A_224, %select_n3A : vector<16xi1>, vector<16xf32>
    %jit3A_236 = arith.constant 2 : i32
    %broadcast_in_dim3A_237 = vector.broadcast %jit3A_236 : i32 to vector<16xi32>
    %select_n3A_238 = arith.select %gt3A_234, %broadcast_in_dim3A_237, %select_n3A_233 : vector<16xi1>, vector<16xi32>
    %gt3A_239 = arith.cmpf ogt, %div3A_225, %select_n3A_235 : vector<16xf32>
    %select_n3A_240 = arith.select %gt3A_239, %div3A_225, %select_n3A_235 : vector<16xi1>, vector<16xf32>
    %jit3A_241 = arith.constant 3 : i32
    %broadcast_in_dim3A_242 = vector.broadcast %jit3A_241 : i32 to vector<16xi32>
    %select_n3A_243 = arith.select %gt3A_239, %broadcast_in_dim3A_242, %select_n3A_238 : vector<16xi1>, vector<16xi32>
    %gt3A_244 = arith.cmpf ogt, %div3A_226, %select_n3A_240 : vector<16xf32>
    %select_n3A_245 = arith.select %gt3A_244, %div3A_226, %select_n3A_240 : vector<16xi1>, vector<16xf32>
    %jit3A_246 = arith.constant 4 : i32
    %broadcast_in_dim3A_247 = vector.broadcast %jit3A_246 : i32 to vector<16xi32>
    %select_n3A_248 = arith.select %gt3A_244, %broadcast_in_dim3A_247, %select_n3A_243 : vector<16xi1>, vector<16xi32>
    %gt3A_249 = arith.cmpf ogt, %div3A_227, %select_n3A_245 : vector<16xf32>
    %select_n3A_250 = arith.select %gt3A_249, %div3A_227, %select_n3A_245 : vector<16xi1>, vector<16xf32>
    %jit3A_251 = arith.constant 5 : i32
    %broadcast_in_dim3A_252 = vector.broadcast %jit3A_251 : i32 to vector<16xi32>
    %select_n3A_253 = arith.select %gt3A_249, %broadcast_in_dim3A_252, %select_n3A_248 : vector<16xi1>, vector<16xi32>
    %gt3A_254 = arith.cmpf ogt, %div3A_228, %select_n3A_250 : vector<16xf32>
    %select_n3A_255 = arith.select %gt3A_254, %div3A_228, %select_n3A_250 : vector<16xi1>, vector<16xf32>
    %jit3A_256 = arith.constant 6 : i32
    %broadcast_in_dim3A_257 = vector.broadcast %jit3A_256 : i32 to vector<16xi32>
    %select_n3A_258 = arith.select %gt3A_254, %broadcast_in_dim3A_257, %select_n3A_253 : vector<16xi1>, vector<16xi32>
    %gt3A_259 = arith.cmpf ogt, %div3A_229, %select_n3A_255 : vector<16xf32>
    %select_n3A_260 = arith.select %gt3A_259, %div3A_229, %select_n3A_255 : vector<16xi1>, vector<16xf32>
    %jit3A_261 = arith.constant 7 : i32
    %broadcast_in_dim3A_262 = vector.broadcast %jit3A_261 : i32 to vector<16xi32>
    %select_n3A_263 = arith.select %gt3A_259, %broadcast_in_dim3A_262, %select_n3A_258 : vector<16xi1>, vector<16xi32>
    %broadcast_in_dim3A_264 = arith.constant -1.000000e+00 : f32
    %broadcast_in_dim3A_265 = vector.broadcast %broadcast_in_dim3A_264 : f32 to vector<16xf32>
    %broadcast_in_dim3A_266 = arith.constant 0 : i32
    %broadcast_in_dim3A_267 = vector.broadcast %broadcast_in_dim3A_266 : i32 to vector<16xi32>
    %eq3A = arith.constant 0 : i32
    %eq3A_268 = vector.broadcast %eq3A : i32 to vector<16xi32>
    %eq3A_269 = arith.cmpi eq, %select_n3A_263, %eq3A_268 : vector<16xi32>
    %jit3A_270 = arith.constant -1.000000e+00 : f32
    %broadcast_in_dim3A_271 = vector.broadcast %jit3A_270 : f32 to vector<16xf32>
    %select_n3A_272 = arith.select %eq3A_269, %broadcast_in_dim3A_271, %div3A : vector<16xi1>, vector<16xf32>
    %gt3A_273 = arith.cmpf ogt, %select_n3A_272, %broadcast_in_dim3A_265 : vector<16xf32>
    %select_n3A_274 = arith.select %gt3A_273, %select_n3A_272, %broadcast_in_dim3A_265 : vector<16xi1>, vector<16xf32>
    %jit3A_275 = arith.constant 0 : i32
    %broadcast_in_dim3A_276 = vector.broadcast %jit3A_275 : i32 to vector<16xi32>
    %select_n3A_277 = arith.select %gt3A_273, %broadcast_in_dim3A_276, %broadcast_in_dim3A_267 : vector<16xi1>, vector<16xi32>
    %eq3A_278 = arith.constant 1 : i32
    %eq3A_279 = vector.broadcast %eq3A_278 : i32 to vector<16xi32>
    %eq3A_280 = arith.cmpi eq, %select_n3A_263, %eq3A_279 : vector<16xi32>
    %jit3A_281 = arith.constant -1.000000e+00 : f32
    %broadcast_in_dim3A_282 = vector.broadcast %jit3A_281 : f32 to vector<16xf32>
    %select_n3A_283 = arith.select %eq3A_280, %broadcast_in_dim3A_282, %div3A_223 : vector<16xi1>, vector<16xf32>
    %gt3A_284 = arith.cmpf ogt, %select_n3A_283, %select_n3A_274 : vector<16xf32>
    %select_n3A_285 = arith.select %gt3A_284, %select_n3A_283, %select_n3A_274 : vector<16xi1>, vector<16xf32>
    %jit3A_286 = arith.constant 1 : i32
    %broadcast_in_dim3A_287 = vector.broadcast %jit3A_286 : i32 to vector<16xi32>
    %select_n3A_288 = arith.select %gt3A_284, %broadcast_in_dim3A_287, %select_n3A_277 : vector<16xi1>, vector<16xi32>
    %eq3A_289 = arith.constant 2 : i32
    %eq3A_290 = vector.broadcast %eq3A_289 : i32 to vector<16xi32>
    %eq3A_291 = arith.cmpi eq, %select_n3A_263, %eq3A_290 : vector<16xi32>
    %jit3A_292 = arith.constant -1.000000e+00 : f32
    %broadcast_in_dim3A_293 = vector.broadcast %jit3A_292 : f32 to vector<16xf32>
    %select_n3A_294 = arith.select %eq3A_291, %broadcast_in_dim3A_293, %div3A_224 : vector<16xi1>, vector<16xf32>
    %gt3A_295 = arith.cmpf ogt, %select_n3A_294, %select_n3A_285 : vector<16xf32>
    %select_n3A_296 = arith.select %gt3A_295, %select_n3A_294, %select_n3A_285 : vector<16xi1>, vector<16xf32>
    %jit3A_297 = arith.constant 2 : i32
    %broadcast_in_dim3A_298 = vector.broadcast %jit3A_297 : i32 to vector<16xi32>
    %select_n3A_299 = arith.select %gt3A_295, %broadcast_in_dim3A_298, %select_n3A_288 : vector<16xi1>, vector<16xi32>
    %eq3A_300 = arith.constant 3 : i32
    %eq3A_301 = vector.broadcast %eq3A_300 : i32 to vector<16xi32>
    %eq3A_302 = arith.cmpi eq, %select_n3A_263, %eq3A_301 : vector<16xi32>
    %jit3A_303 = arith.constant -1.000000e+00 : f32
    %broadcast_in_dim3A_304 = vector.broadcast %jit3A_303 : f32 to vector<16xf32>
    %select_n3A_305 = arith.select %eq3A_302, %broadcast_in_dim3A_304, %div3A_225 : vector<16xi1>, vector<16xf32>
    %gt3A_306 = arith.cmpf ogt, %select_n3A_305, %select_n3A_296 : vector<16xf32>
    %select_n3A_307 = arith.select %gt3A_306, %select_n3A_305, %select_n3A_296 : vector<16xi1>, vector<16xf32>
    %jit3A_308 = arith.constant 3 : i32
    %broadcast_in_dim3A_309 = vector.broadcast %jit3A_308 : i32 to vector<16xi32>
    %select_n3A_310 = arith.select %gt3A_306, %broadcast_in_dim3A_309, %select_n3A_299 : vector<16xi1>, vector<16xi32>
    %eq3A_311 = arith.constant 4 : i32
    %eq3A_312 = vector.broadcast %eq3A_311 : i32 to vector<16xi32>
    %eq3A_313 = arith.cmpi eq, %select_n3A_263, %eq3A_312 : vector<16xi32>
    %jit3A_314 = arith.constant -1.000000e+00 : f32
    %broadcast_in_dim3A_315 = vector.broadcast %jit3A_314 : f32 to vector<16xf32>
    %select_n3A_316 = arith.select %eq3A_313, %broadcast_in_dim3A_315, %div3A_226 : vector<16xi1>, vector<16xf32>
    %gt3A_317 = arith.cmpf ogt, %select_n3A_316, %select_n3A_307 : vector<16xf32>
    %select_n3A_318 = arith.select %gt3A_317, %select_n3A_316, %select_n3A_307 : vector<16xi1>, vector<16xf32>
    %jit3A_319 = arith.constant 4 : i32
    %broadcast_in_dim3A_320 = vector.broadcast %jit3A_319 : i32 to vector<16xi32>
    %select_n3A_321 = arith.select %gt3A_317, %broadcast_in_dim3A_320, %select_n3A_310 : vector<16xi1>, vector<16xi32>
    %eq3A_322 = arith.constant 5 : i32
    %eq3A_323 = vector.broadcast %eq3A_322 : i32 to vector<16xi32>
    %eq3A_324 = arith.cmpi eq, %select_n3A_263, %eq3A_323 : vector<16xi32>
    %jit3A_325 = arith.constant -1.000000e+00 : f32
    %broadcast_in_dim3A_326 = vector.broadcast %jit3A_325 : f32 to vector<16xf32>
    %select_n3A_327 = arith.select %eq3A_324, %broadcast_in_dim3A_326, %div3A_227 : vector<16xi1>, vector<16xf32>
    %gt3A_328 = arith.cmpf ogt, %select_n3A_327, %select_n3A_318 : vector<16xf32>
    %select_n3A_329 = arith.select %gt3A_328, %select_n3A_327, %select_n3A_318 : vector<16xi1>, vector<16xf32>
    %jit3A_330 = arith.constant 5 : i32
    %broadcast_in_dim3A_331 = vector.broadcast %jit3A_330 : i32 to vector<16xi32>
    %select_n3A_332 = arith.select %gt3A_328, %broadcast_in_dim3A_331, %select_n3A_321 : vector<16xi1>, vector<16xi32>
    %eq3A_333 = arith.constant 6 : i32
    %eq3A_334 = vector.broadcast %eq3A_333 : i32 to vector<16xi32>
    %eq3A_335 = arith.cmpi eq, %select_n3A_263, %eq3A_334 : vector<16xi32>
    %jit3A_336 = arith.constant -1.000000e+00 : f32
    %broadcast_in_dim3A_337 = vector.broadcast %jit3A_336 : f32 to vector<16xf32>
    %select_n3A_338 = arith.select %eq3A_335, %broadcast_in_dim3A_337, %div3A_228 : vector<16xi1>, vector<16xf32>
    %gt3A_339 = arith.cmpf ogt, %select_n3A_338, %select_n3A_329 : vector<16xf32>
    %select_n3A_340 = arith.select %gt3A_339, %select_n3A_338, %select_n3A_329 : vector<16xi1>, vector<16xf32>
    %jit3A_341 = arith.constant 6 : i32
    %broadcast_in_dim3A_342 = vector.broadcast %jit3A_341 : i32 to vector<16xi32>
    %select_n3A_343 = arith.select %gt3A_339, %broadcast_in_dim3A_342, %select_n3A_332 : vector<16xi1>, vector<16xi32>
    %eq3A_344 = arith.constant 7 : i32
    %eq3A_345 = vector.broadcast %eq3A_344 : i32 to vector<16xi32>
    %eq3A_346 = arith.cmpi eq, %select_n3A_263, %eq3A_345 : vector<16xi32>
    %jit3A_347 = arith.constant -1.000000e+00 : f32
    %broadcast_in_dim3A_348 = vector.broadcast %jit3A_347 : f32 to vector<16xf32>
    %select_n3A_349 = arith.select %eq3A_346, %broadcast_in_dim3A_348, %div3A_229 : vector<16xi1>, vector<16xf32>
    %gt3A_350 = arith.cmpf ogt, %select_n3A_349, %select_n3A_340 : vector<16xf32>
    %select_n3A_351 = arith.select %gt3A_350, %select_n3A_349, %select_n3A_340 : vector<16xi1>, vector<16xf32>
    %jit3A_352 = arith.constant 7 : i32
    %broadcast_in_dim3A_353 = vector.broadcast %jit3A_352 : i32 to vector<16xi32>
    %select_n3A_354 = arith.select %gt3A_350, %broadcast_in_dim3A_353, %select_n3A_343 : vector<16xi1>, vector<16xi32>
    %eq3A_355 = arith.constant 0 : i32
    %eq3A_356 = vector.broadcast %eq3A_355 : i32 to vector<16xi32>
    %eq3A_357 = arith.cmpi eq, %select_n3A_263, %eq3A_356 : vector<16xi32>
    %jit3A_358 = arith.constant 0.000000e+00 : f32
    %broadcast_in_dim3A_359 = vector.broadcast %jit3A_358 : f32 to vector<16xf32>
    %select_n3A_360 = arith.select %eq3A_357, %select_n3A_260, %broadcast_in_dim3A_359 : vector<16xi1>, vector<16xf32>
    %add3A_361 = arith.addf %broadcast_in_dim3A_143, %select_n3A_360 : vector<16xf32>
    %eq3A_362 = arith.constant 0 : i32
    %eq3A_363 = vector.broadcast %eq3A_362 : i32 to vector<16xi32>
    %eq3A_364 = arith.cmpi eq, %select_n3A_354, %eq3A_363 : vector<16xi32>
    %jit3A_365 = arith.constant 0.000000e+00 : f32
    %broadcast_in_dim3A_366 = vector.broadcast %jit3A_365 : f32 to vector<16xf32>
    %select_n3A_367 = arith.select %eq3A_364, %select_n3A_351, %broadcast_in_dim3A_366 : vector<16xi1>, vector<16xf32>
    %add3A_368 = arith.addf %broadcast_in_dim3A_159, %select_n3A_367 : vector<16xf32>
    %eq3A_369 = arith.constant 1 : i32
    %eq3A_370 = vector.broadcast %eq3A_369 : i32 to vector<16xi32>
    %eq3A_371 = arith.cmpi eq, %select_n3A_263, %eq3A_370 : vector<16xi32>
    %jit3A_372 = arith.constant 0.000000e+00 : f32
    %broadcast_in_dim3A_373 = vector.broadcast %jit3A_372 : f32 to vector<16xf32>
    %select_n3A_374 = arith.select %eq3A_371, %select_n3A_260, %broadcast_in_dim3A_373 : vector<16xi1>, vector<16xf32>
    %add3A_375 = arith.addf %broadcast_in_dim3A_145, %select_n3A_374 : vector<16xf32>
    %eq3A_376 = arith.constant 1 : i32
    %eq3A_377 = vector.broadcast %eq3A_376 : i32 to vector<16xi32>
    %eq3A_378 = arith.cmpi eq, %select_n3A_354, %eq3A_377 : vector<16xi32>
    %jit3A_379 = arith.constant 0.000000e+00 : f32
    %broadcast_in_dim3A_380 = vector.broadcast %jit3A_379 : f32 to vector<16xf32>
    %select_n3A_381 = arith.select %eq3A_378, %select_n3A_351, %broadcast_in_dim3A_380 : vector<16xi1>, vector<16xf32>
    %add3A_382 = arith.addf %broadcast_in_dim3A_161, %select_n3A_381 : vector<16xf32>
    %eq3A_383 = arith.constant 2 : i32
    %eq3A_384 = vector.broadcast %eq3A_383 : i32 to vector<16xi32>
    %eq3A_385 = arith.cmpi eq, %select_n3A_263, %eq3A_384 : vector<16xi32>
    %jit3A_386 = arith.constant 0.000000e+00 : f32
    %broadcast_in_dim3A_387 = vector.broadcast %jit3A_386 : f32 to vector<16xf32>
    %select_n3A_388 = arith.select %eq3A_385, %select_n3A_260, %broadcast_in_dim3A_387 : vector<16xi1>, vector<16xf32>
    %add3A_389 = arith.addf %broadcast_in_dim3A_147, %select_n3A_388 : vector<16xf32>
    %eq3A_390 = arith.constant 2 : i32
    %eq3A_391 = vector.broadcast %eq3A_390 : i32 to vector<16xi32>
    %eq3A_392 = arith.cmpi eq, %select_n3A_354, %eq3A_391 : vector<16xi32>
    %jit3A_393 = arith.constant 0.000000e+00 : f32
    %broadcast_in_dim3A_394 = vector.broadcast %jit3A_393 : f32 to vector<16xf32>
    %select_n3A_395 = arith.select %eq3A_392, %select_n3A_351, %broadcast_in_dim3A_394 : vector<16xi1>, vector<16xf32>
    %add3A_396 = arith.addf %broadcast_in_dim3A_163, %select_n3A_395 : vector<16xf32>
    %eq3A_397 = arith.constant 3 : i32
    %eq3A_398 = vector.broadcast %eq3A_397 : i32 to vector<16xi32>
    %eq3A_399 = arith.cmpi eq, %select_n3A_263, %eq3A_398 : vector<16xi32>
    %jit3A_400 = arith.constant 0.000000e+00 : f32
    %broadcast_in_dim3A_401 = vector.broadcast %jit3A_400 : f32 to vector<16xf32>
    %select_n3A_402 = arith.select %eq3A_399, %select_n3A_260, %broadcast_in_dim3A_401 : vector<16xi1>, vector<16xf32>
    %add3A_403 = arith.addf %broadcast_in_dim3A_149, %select_n3A_402 : vector<16xf32>
    %eq3A_404 = arith.constant 3 : i32
    %eq3A_405 = vector.broadcast %eq3A_404 : i32 to vector<16xi32>
    %eq3A_406 = arith.cmpi eq, %select_n3A_354, %eq3A_405 : vector<16xi32>
    %jit3A_407 = arith.constant 0.000000e+00 : f32
    %broadcast_in_dim3A_408 = vector.broadcast %jit3A_407 : f32 to vector<16xf32>
    %select_n3A_409 = arith.select %eq3A_406, %select_n3A_351, %broadcast_in_dim3A_408 : vector<16xi1>, vector<16xf32>
    %add3A_410 = arith.addf %broadcast_in_dim3A_165, %select_n3A_409 : vector<16xf32>
    %eq3A_411 = arith.constant 4 : i32
    %eq3A_412 = vector.broadcast %eq3A_411 : i32 to vector<16xi32>
    %eq3A_413 = arith.cmpi eq, %select_n3A_263, %eq3A_412 : vector<16xi32>
    %jit3A_414 = arith.constant 0.000000e+00 : f32
    %broadcast_in_dim3A_415 = vector.broadcast %jit3A_414 : f32 to vector<16xf32>
    %select_n3A_416 = arith.select %eq3A_413, %select_n3A_260, %broadcast_in_dim3A_415 : vector<16xi1>, vector<16xf32>
    %add3A_417 = arith.addf %broadcast_in_dim3A_151, %select_n3A_416 : vector<16xf32>
    %eq3A_418 = arith.constant 4 : i32
    %eq3A_419 = vector.broadcast %eq3A_418 : i32 to vector<16xi32>
    %eq3A_420 = arith.cmpi eq, %select_n3A_354, %eq3A_419 : vector<16xi32>
    %jit3A_421 = arith.constant 0.000000e+00 : f32
    %broadcast_in_dim3A_422 = vector.broadcast %jit3A_421 : f32 to vector<16xf32>
    %select_n3A_423 = arith.select %eq3A_420, %select_n3A_351, %broadcast_in_dim3A_422 : vector<16xi1>, vector<16xf32>
    %add3A_424 = arith.addf %broadcast_in_dim3A_167, %select_n3A_423 : vector<16xf32>
    %eq3A_425 = arith.constant 5 : i32
    %eq3A_426 = vector.broadcast %eq3A_425 : i32 to vector<16xi32>
    %eq3A_427 = arith.cmpi eq, %select_n3A_263, %eq3A_426 : vector<16xi32>
    %jit3A_428 = arith.constant 0.000000e+00 : f32
    %broadcast_in_dim3A_429 = vector.broadcast %jit3A_428 : f32 to vector<16xf32>
    %select_n3A_430 = arith.select %eq3A_427, %select_n3A_260, %broadcast_in_dim3A_429 : vector<16xi1>, vector<16xf32>
    %add3A_431 = arith.addf %broadcast_in_dim3A_153, %select_n3A_430 : vector<16xf32>
    %eq3A_432 = arith.constant 5 : i32
    %eq3A_433 = vector.broadcast %eq3A_432 : i32 to vector<16xi32>
    %eq3A_434 = arith.cmpi eq, %select_n3A_354, %eq3A_433 : vector<16xi32>
    %jit3A_435 = arith.constant 0.000000e+00 : f32
    %broadcast_in_dim3A_436 = vector.broadcast %jit3A_435 : f32 to vector<16xf32>
    %select_n3A_437 = arith.select %eq3A_434, %select_n3A_351, %broadcast_in_dim3A_436 : vector<16xi1>, vector<16xf32>
    %add3A_438 = arith.addf %broadcast_in_dim3A_169, %select_n3A_437 : vector<16xf32>
    %eq3A_439 = arith.constant 6 : i32
    %eq3A_440 = vector.broadcast %eq3A_439 : i32 to vector<16xi32>
    %eq3A_441 = arith.cmpi eq, %select_n3A_263, %eq3A_440 : vector<16xi32>
    %jit3A_442 = arith.constant 0.000000e+00 : f32
    %broadcast_in_dim3A_443 = vector.broadcast %jit3A_442 : f32 to vector<16xf32>
    %select_n3A_444 = arith.select %eq3A_441, %select_n3A_260, %broadcast_in_dim3A_443 : vector<16xi1>, vector<16xf32>
    %add3A_445 = arith.addf %broadcast_in_dim3A_155, %select_n3A_444 : vector<16xf32>
    %eq3A_446 = arith.constant 6 : i32
    %eq3A_447 = vector.broadcast %eq3A_446 : i32 to vector<16xi32>
    %eq3A_448 = arith.cmpi eq, %select_n3A_354, %eq3A_447 : vector<16xi32>
    %jit3A_449 = arith.constant 0.000000e+00 : f32
    %broadcast_in_dim3A_450 = vector.broadcast %jit3A_449 : f32 to vector<16xf32>
    %select_n3A_451 = arith.select %eq3A_448, %select_n3A_351, %broadcast_in_dim3A_450 : vector<16xi1>, vector<16xf32>
    %add3A_452 = arith.addf %broadcast_in_dim3A_171, %select_n3A_451 : vector<16xf32>
    %eq3A_453 = arith.constant 7 : i32
    %eq3A_454 = vector.broadcast %eq3A_453 : i32 to vector<16xi32>
    %eq3A_455 = arith.cmpi eq, %select_n3A_263, %eq3A_454 : vector<16xi32>
    %jit3A_456 = arith.constant 0.000000e+00 : f32
    %broadcast_in_dim3A_457 = vector.broadcast %jit3A_456 : f32 to vector<16xf32>
    %select_n3A_458 = arith.select %eq3A_455, %select_n3A_260, %broadcast_in_dim3A_457 : vector<16xi1>, vector<16xf32>
    %add3A_459 = arith.addf %broadcast_in_dim3A_157, %select_n3A_458 : vector<16xf32>
    %eq3A_460 = arith.constant 7 : i32
    %eq3A_461 = vector.broadcast %eq3A_460 : i32 to vector<16xi32>
    %eq3A_462 = arith.cmpi eq, %select_n3A_354, %eq3A_461 : vector<16xi32>
    %jit3A_463 = arith.constant 0.000000e+00 : f32
    %broadcast_in_dim3A_464 = vector.broadcast %jit3A_463 : f32 to vector<16xf32>
    %select_n3A_465 = arith.select %eq3A_462, %select_n3A_351, %broadcast_in_dim3A_464 : vector<16xi1>, vector<16xf32>
    %add3A_466 = arith.addf %broadcast_in_dim3A_173, %select_n3A_465 : vector<16xf32>
    %get3A_467 = arith.constant 16 : index
    %get3A_468 = tpu.vector_load %arg4[%get3A_467] {strides = array<i32>} : memref<1024xf32, #tpu.memory_space<vmem>>, vector<16xf32>,
    %get3A_469 = vector.shape_cast %get3A_468 : vector<16xf32> to vector<16xf32>
    %get3A_470 = arith.constant 144 : index
    %get3A_471 = tpu.vector_load %arg4[%get3A_470] {strides = array<i32>} : memref<1024xf32, #tpu.memory_space<vmem>>, vector<16xf32>,
    %get3A_472 = vector.shape_cast %get3A_471 : vector<16xf32> to vector<16xf32>
    %get3A_473 = arith.constant 272 : index
    %get3A_474 = tpu.vector_load %arg4[%get3A_473] {strides = array<i32>} : memref<1024xf32, #tpu.memory_space<vmem>>, vector<16xf32>,
    %get3A_475 = vector.shape_cast %get3A_474 : vector<16xf32> to vector<16xf32>
    %get3A_476 = arith.constant 400 : index
    %get3A_477 = tpu.vector_load %arg4[%get3A_476] {strides = array<i32>} : memref<1024xf32, #tpu.memory_space<vmem>>, vector<16xf32>,
    %get3A_478 = vector.shape_cast %get3A_477 : vector<16xf32> to vector<16xf32>
    %get3A_479 = arith.constant 528 : index
    %get3A_480 = tpu.vector_load %arg4[%get3A_479] {strides = array<i32>} : memref<1024xf32, #tpu.memory_space<vmem>>, vector<16xf32>,
    %get3A_481 = vector.shape_cast %get3A_480 : vector<16xf32> to vector<16xf32>
    %get3A_482 = arith.constant 656 : index
    %get3A_483 = tpu.vector_load %arg4[%get3A_482] {strides = array<i32>} : memref<1024xf32, #tpu.memory_space<vmem>>, vector<16xf32>,
    %get3A_484 = vector.shape_cast %get3A_483 : vector<16xf32> to vector<16xf32>
    %get3A_485 = arith.constant 784 : index
    %get3A_486 = tpu.vector_load %arg4[%get3A_485] {strides = array<i32>} : memref<1024xf32, #tpu.memory_space<vmem>>, vector<16xf32>,
    %get3A_487 = vector.shape_cast %get3A_486 : vector<16xf32> to vector<16xf32>
    %get3A_488 = arith.constant 912 : index
    %get3A_489 = tpu.vector_load %arg4[%get3A_488] {strides = array<i32>} : memref<1024xf32, #tpu.memory_space<vmem>>, vector<16xf32>,
    %get3A_490 = vector.shape_cast %get3A_489 : vector<16xf32> to vector<16xf32>
    %max3A_491 = arith.maximumf %get3A_469, %get3A_472 : vector<16xf32>
    %max3A_492 = arith.maximumf %max3A_491, %get3A_475 : vector<16xf32>
    %max3A_493 = arith.maximumf %max3A_492, %get3A_478 : vector<16xf32>
    %max3A_494 = arith.maximumf %max3A_493, %get3A_481 : vector<16xf32>
    %max3A_495 = arith.maximumf %max3A_494, %get3A_484 : vector<16xf32>
    %max3A_496 = arith.maximumf %max3A_495, %get3A_487 : vector<16xf32>
    %max3A_497 = arith.maximumf %max3A_496, %get3A_490 : vector<16xf32>
    %sub3A_498 = arith.subf %get3A_469, %max3A_497 : vector<16xf32>
    %exp3A_499 = math.exp %sub3A_498 : vector<16xf32>
    %sub3A_500 = arith.subf %get3A_472, %max3A_497 : vector<16xf32>
    %exp3A_501 = math.exp %sub3A_500 : vector<16xf32>
    %sub3A_502 = arith.subf %get3A_475, %max3A_497 : vector<16xf32>
    %exp3A_503 = math.exp %sub3A_502 : vector<16xf32>
    %sub3A_504 = arith.subf %get3A_478, %max3A_497 : vector<16xf32>
    %exp3A_505 = math.exp %sub3A_504 : vector<16xf32>
    %sub3A_506 = arith.subf %get3A_481, %max3A_497 : vector<16xf32>
    %exp3A_507 = math.exp %sub3A_506 : vector<16xf32>
    %sub3A_508 = arith.subf %get3A_484, %max3A_497 : vector<16xf32>
    %exp3A_509 = math.exp %sub3A_508 : vector<16xf32>
    %sub3A_510 = arith.subf %get3A_487, %max3A_497 : vector<16xf32>
    %exp3A_511 = math.exp %sub3A_510 : vector<16xf32>
    %sub3A_512 = arith.subf %get3A_490, %max3A_497 : vector<16xf32>
    %exp3A_513 = math.exp %sub3A_512 : vector<16xf32>
    %add3A_514 = arith.addf %exp3A_499, %exp3A_501 : vector<16xf32>
    %add3A_515 = arith.addf %add3A_514, %exp3A_503 : vector<16xf32>
    %add3A_516 = arith.addf %add3A_515, %exp3A_505 : vector<16xf32>
    %add3A_517 = arith.addf %add3A_516, %exp3A_507 : vector<16xf32>
    %add3A_518 = arith.addf %add3A_517, %exp3A_509 : vector<16xf32>
    %add3A_519 = arith.addf %add3A_518, %exp3A_511 : vector<16xf32>
    %add3A_520 = arith.addf %add3A_519, %exp3A_513 : vector<16xf32>
    %div3A_521 = arith.divf %exp3A_499, %add3A_520 : vector<16xf32>
    %div3A_522 = arith.divf %exp3A_501, %add3A_520 : vector<16xf32>
    %div3A_523 = arith.divf %exp3A_503, %add3A_520 : vector<16xf32>
    %div3A_524 = arith.divf %exp3A_505, %add3A_520 : vector<16xf32>
    %div3A_525 = arith.divf %exp3A_507, %add3A_520 : vector<16xf32>
    %div3A_526 = arith.divf %exp3A_509, %add3A_520 : vector<16xf32>
    %div3A_527 = arith.divf %exp3A_511, %add3A_520 : vector<16xf32>
    %div3A_528 = arith.divf %exp3A_513, %add3A_520 : vector<16xf32>
    %broadcast_in_dim3A_529 = arith.constant 0 : i32
    %broadcast_in_dim3A_530 = vector.broadcast %broadcast_in_dim3A_529 : i32 to vector<16xi32>
    %gt3A_531 = arith.cmpf ogt, %div3A_522, %div3A_521 : vector<16xf32>
    %select_n3A_532 = arith.select %gt3A_531, %div3A_522, %div3A_521 : vector<16xi1>, vector<16xf32>
    %jit3A_533 = arith.constant 1 : i32
    %broadcast_in_dim3A_534 = vector.broadcast %jit3A_533 : i32 to vector<16xi32>
    %select_n3A_535 = arith.select %gt3A_531, %broadcast_in_dim3A_534, %broadcast_in_dim3A_530 : vector<16xi1>, vector<16xi32>
    %gt3A_536 = arith.cmpf ogt, %div3A_523, %select_n3A_532 : vector<16xf32>
    %select_n3A_537 = arith.select %gt3A_536, %div3A_523, %select_n3A_532 : vector<16xi1>, vector<16xf32>
    %jit3A_538 = arith.constant 2 : i32
    %broadcast_in_dim3A_539 = vector.broadcast %jit3A_538 : i32 to vector<16xi32>
    %select_n3A_540 = arith.select %gt3A_536, %broadcast_in_dim3A_539, %select_n3A_535 : vector<16xi1>, vector<16xi32>
    %gt3A_541 = arith.cmpf ogt, %div3A_524, %select_n3A_537 : vector<16xf32>
    %select_n3A_542 = arith.select %gt3A_541, %div3A_524, %select_n3A_537 : vector<16xi1>, vector<16xf32>
    %jit3A_543 = arith.constant 3 : i32
    %broadcast_in_dim3A_544 = vector.broadcast %jit3A_543 : i32 to vector<16xi32>
    %select_n3A_545 = arith.select %gt3A_541, %broadcast_in_dim3A_544, %select_n3A_540 : vector<16xi1>, vector<16xi32>
    %gt3A_546 = arith.cmpf ogt, %div3A_525, %select_n3A_542 : vector<16xf32>
    %select_n3A_547 = arith.select %gt3A_546, %div3A_525, %select_n3A_542 : vector<16xi1>, vector<16xf32>
    %jit3A_548 = arith.constant 4 : i32
    %broadcast_in_dim3A_549 = vector.broadcast %jit3A_548 : i32 to vector<16xi32>
    %select_n3A_550 = arith.select %gt3A_546, %broadcast_in_dim3A_549, %select_n3A_545 : vector<16xi1>, vector<16xi32>
    %gt3A_551 = arith.cmpf ogt, %div3A_526, %select_n3A_547 : vector<16xf32>
    %select_n3A_552 = arith.select %gt3A_551, %div3A_526, %select_n3A_547 : vector<16xi1>, vector<16xf32>
    %jit3A_553 = arith.constant 5 : i32
    %broadcast_in_dim3A_554 = vector.broadcast %jit3A_553 : i32 to vector<16xi32>
    %select_n3A_555 = arith.select %gt3A_551, %broadcast_in_dim3A_554, %select_n3A_550 : vector<16xi1>, vector<16xi32>
    %gt3A_556 = arith.cmpf ogt, %div3A_527, %select_n3A_552 : vector<16xf32>
    %select_n3A_557 = arith.select %gt3A_556, %div3A_527, %select_n3A_552 : vector<16xi1>, vector<16xf32>
    %jit3A_558 = arith.constant 6 : i32
    %broadcast_in_dim3A_559 = vector.broadcast %jit3A_558 : i32 to vector<16xi32>
    %select_n3A_560 = arith.select %gt3A_556, %broadcast_in_dim3A_559, %select_n3A_555 : vector<16xi1>, vector<16xi32>
    %gt3A_561 = arith.cmpf ogt, %div3A_528, %select_n3A_557 : vector<16xf32>
    %select_n3A_562 = arith.select %gt3A_561, %div3A_528, %select_n3A_557 : vector<16xi1>, vector<16xf32>
    %jit3A_563 = arith.constant 7 : i32
    %broadcast_in_dim3A_564 = vector.broadcast %jit3A_563 : i32 to vector<16xi32>
    %select_n3A_565 = arith.select %gt3A_561, %broadcast_in_dim3A_564, %select_n3A_560 : vector<16xi1>, vector<16xi32>
    %broadcast_in_dim3A_566 = arith.constant -1.000000e+00 : f32
    %broadcast_in_dim3A_567 = vector.broadcast %broadcast_in_dim3A_566 : f32 to vector<16xf32>
    %broadcast_in_dim3A_568 = arith.constant 0 : i32
    %broadcast_in_dim3A_569 = vector.broadcast %broadcast_in_dim3A_568 : i32 to vector<16xi32>
    %eq3A_570 = arith.constant 0 : i32
    %eq3A_571 = vector.broadcast %eq3A_570 : i32 to vector<16xi32>
    %eq3A_572 = arith.cmpi eq, %select_n3A_565, %eq3A_571 : vector<16xi32>
    %jit3A_573 = arith.constant -1.000000e+00 : f32
    %broadcast_in_dim3A_574 = vector.broadcast %jit3A_573 : f32 to vector<16xf32>
    %select_n3A_575 = arith.select %eq3A_572, %broadcast_in_dim3A_574, %div3A_521 : vector<16xi1>, vector<16xf32>
    %gt3A_576 = arith.cmpf ogt, %select_n3A_575, %broadcast_in_dim3A_567 : vector<16xf32>
    %select_n3A_577 = arith.select %gt3A_576, %select_n3A_575, %broadcast_in_dim3A_567 : vector<16xi1>, vector<16xf32>
    %jit3A_578 = arith.constant 0 : i32
    %broadcast_in_dim3A_579 = vector.broadcast %jit3A_578 : i32 to vector<16xi32>
    %select_n3A_580 = arith.select %gt3A_576, %broadcast_in_dim3A_579, %broadcast_in_dim3A_569 : vector<16xi1>, vector<16xi32>
    %eq3A_581 = arith.constant 1 : i32
    %eq3A_582 = vector.broadcast %eq3A_581 : i32 to vector<16xi32>
    %eq3A_583 = arith.cmpi eq, %select_n3A_565, %eq3A_582 : vector<16xi32>
    %jit3A_584 = arith.constant -1.000000e+00 : f32
    %broadcast_in_dim3A_585 = vector.broadcast %jit3A_584 : f32 to vector<16xf32>
    %select_n3A_586 = arith.select %eq3A_583, %broadcast_in_dim3A_585, %div3A_522 : vector<16xi1>, vector<16xf32>
    %gt3A_587 = arith.cmpf ogt, %select_n3A_586, %select_n3A_577 : vector<16xf32>
    %select_n3A_588 = arith.select %gt3A_587, %select_n3A_586, %select_n3A_577 : vector<16xi1>, vector<16xf32>
    %jit3A_589 = arith.constant 1 : i32
    %broadcast_in_dim3A_590 = vector.broadcast %jit3A_589 : i32 to vector<16xi32>
    %select_n3A_591 = arith.select %gt3A_587, %broadcast_in_dim3A_590, %select_n3A_580 : vector<16xi1>, vector<16xi32>
    %eq3A_592 = arith.constant 2 : i32
    %eq3A_593 = vector.broadcast %eq3A_592 : i32 to vector<16xi32>
    %eq3A_594 = arith.cmpi eq, %select_n3A_565, %eq3A_593 : vector<16xi32>
    %jit3A_595 = arith.constant -1.000000e+00 : f32
    %broadcast_in_dim3A_596 = vector.broadcast %jit3A_595 : f32 to vector<16xf32>
    %select_n3A_597 = arith.select %eq3A_594, %broadcast_in_dim3A_596, %div3A_523 : vector<16xi1>, vector<16xf32>
    %gt3A_598 = arith.cmpf ogt, %select_n3A_597, %select_n3A_588 : vector<16xf32>
    %select_n3A_599 = arith.select %gt3A_598, %select_n3A_597, %select_n3A_588 : vector<16xi1>, vector<16xf32>
    %jit3A_600 = arith.constant 2 : i32
    %broadcast_in_dim3A_601 = vector.broadcast %jit3A_600 : i32 to vector<16xi32>
    %select_n3A_602 = arith.select %gt3A_598, %broadcast_in_dim3A_601, %select_n3A_591 : vector<16xi1>, vector<16xi32>
    %eq3A_603 = arith.constant 3 : i32
    %eq3A_604 = vector.broadcast %eq3A_603 : i32 to vector<16xi32>
    %eq3A_605 = arith.cmpi eq, %select_n3A_565, %eq3A_604 : vector<16xi32>
    %jit3A_606 = arith.constant -1.000000e+00 : f32
    %broadcast_in_dim3A_607 = vector.broadcast %jit3A_606 : f32 to vector<16xf32>
    %select_n3A_608 = arith.select %eq3A_605, %broadcast_in_dim3A_607, %div3A_524 : vector<16xi1>, vector<16xf32>
    %gt3A_609 = arith.cmpf ogt, %select_n3A_608, %select_n3A_599 : vector<16xf32>
    %select_n3A_610 = arith.select %gt3A_609, %select_n3A_608, %select_n3A_599 : vector<16xi1>, vector<16xf32>
    %jit3A_611 = arith.constant 3 : i32
    %broadcast_in_dim3A_612 = vector.broadcast %jit3A_611 : i32 to vector<16xi32>
    %select_n3A_613 = arith.select %gt3A_609, %broadcast_in_dim3A_612, %select_n3A_602 : vector<16xi1>, vector<16xi32>
    %eq3A_614 = arith.constant 4 : i32
    %eq3A_615 = vector.broadcast %eq3A_614 : i32 to vector<16xi32>
    %eq3A_616 = arith.cmpi eq, %select_n3A_565, %eq3A_615 : vector<16xi32>
    %jit3A_617 = arith.constant -1.000000e+00 : f32
    %broadcast_in_dim3A_618 = vector.broadcast %jit3A_617 : f32 to vector<16xf32>
    %select_n3A_619 = arith.select %eq3A_616, %broadcast_in_dim3A_618, %div3A_525 : vector<16xi1>, vector<16xf32>
    %gt3A_620 = arith.cmpf ogt, %select_n3A_619, %select_n3A_610 : vector<16xf32>
    %select_n3A_621 = arith.select %gt3A_620, %select_n3A_619, %select_n3A_610 : vector<16xi1>, vector<16xf32>
    %jit3A_622 = arith.constant 4 : i32
    %broadcast_in_dim3A_623 = vector.broadcast %jit3A_622 : i32 to vector<16xi32>
    %select_n3A_624 = arith.select %gt3A_620, %broadcast_in_dim3A_623, %select_n3A_613 : vector<16xi1>, vector<16xi32>
    %eq3A_625 = arith.constant 5 : i32
    %eq3A_626 = vector.broadcast %eq3A_625 : i32 to vector<16xi32>
    %eq3A_627 = arith.cmpi eq, %select_n3A_565, %eq3A_626 : vector<16xi32>
    %jit3A_628 = arith.constant -1.000000e+00 : f32
    %broadcast_in_dim3A_629 = vector.broadcast %jit3A_628 : f32 to vector<16xf32>
    %select_n3A_630 = arith.select %eq3A_627, %broadcast_in_dim3A_629, %div3A_526 : vector<16xi1>, vector<16xf32>
    %gt3A_631 = arith.cmpf ogt, %select_n3A_630, %select_n3A_621 : vector<16xf32>
    %select_n3A_632 = arith.select %gt3A_631, %select_n3A_630, %select_n3A_621 : vector<16xi1>, vector<16xf32>
    %jit3A_633 = arith.constant 5 : i32
    %broadcast_in_dim3A_634 = vector.broadcast %jit3A_633 : i32 to vector<16xi32>
    %select_n3A_635 = arith.select %gt3A_631, %broadcast_in_dim3A_634, %select_n3A_624 : vector<16xi1>, vector<16xi32>
    %eq3A_636 = arith.constant 6 : i32
    %eq3A_637 = vector.broadcast %eq3A_636 : i32 to vector<16xi32>
    %eq3A_638 = arith.cmpi eq, %select_n3A_565, %eq3A_637 : vector<16xi32>
    %jit3A_639 = arith.constant -1.000000e+00 : f32
    %broadcast_in_dim3A_640 = vector.broadcast %jit3A_639 : f32 to vector<16xf32>
    %select_n3A_641 = arith.select %eq3A_638, %broadcast_in_dim3A_640, %div3A_527 : vector<16xi1>, vector<16xf32>
    %gt3A_642 = arith.cmpf ogt, %select_n3A_641, %select_n3A_632 : vector<16xf32>
    %select_n3A_643 = arith.select %gt3A_642, %select_n3A_641, %select_n3A_632 : vector<16xi1>, vector<16xf32>
    %jit3A_644 = arith.constant 6 : i32
    %broadcast_in_dim3A_645 = vector.broadcast %jit3A_644 : i32 to vector<16xi32>
    %select_n3A_646 = arith.select %gt3A_642, %broadcast_in_dim3A_645, %select_n3A_635 : vector<16xi1>, vector<16xi32>
    %eq3A_647 = arith.constant 7 : i32
    %eq3A_648 = vector.broadcast %eq3A_647 : i32 to vector<16xi32>
    %eq3A_649 = arith.cmpi eq, %select_n3A_565, %eq3A_648 : vector<16xi32>
    %jit3A_650 = arith.constant -1.000000e+00 : f32
    %broadcast_in_dim3A_651 = vector.broadcast %jit3A_650 : f32 to vector<16xf32>
    %select_n3A_652 = arith.select %eq3A_649, %broadcast_in_dim3A_651, %div3A_528 : vector<16xi1>, vector<16xf32>
    %gt3A_653 = arith.cmpf ogt, %select_n3A_652, %select_n3A_643 : vector<16xf32>
    %select_n3A_654 = arith.select %gt3A_653, %select_n3A_652, %select_n3A_643 : vector<16xi1>, vector<16xf32>
    %jit3A_655 = arith.constant 7 : i32
    %broadcast_in_dim3A_656 = vector.broadcast %jit3A_655 : i32 to vector<16xi32>
    %select_n3A_657 = arith.select %gt3A_653, %broadcast_in_dim3A_656, %select_n3A_646 : vector<16xi1>, vector<16xi32>
    %eq3A_658 = arith.constant 0 : i32
    %eq3A_659 = vector.broadcast %eq3A_658 : i32 to vector<16xi32>
    %eq3A_660 = arith.cmpi eq, %select_n3A_565, %eq3A_659 : vector<16xi32>
    %jit3A_661 = arith.constant 0.000000e+00 : f32
    %broadcast_in_dim3A_662 = vector.broadcast %jit3A_661 : f32 to vector<16xf32>
    %select_n3A_663 = arith.select %eq3A_660, %select_n3A_562, %broadcast_in_dim3A_662 : vector<16xi1>, vector<16xf32>
    %add3A_664 = arith.addf %add3A_361, %select_n3A_663 : vector<16xf32>
    %eq3A_665 = arith.constant 0 : i32
    %eq3A_666 = vector.broadcast %eq3A_665 : i32 to vector<16xi32>
    %eq3A_667 = arith.cmpi eq, %select_n3A_657, %eq3A_666 : vector<16xi32>
    %jit3A_668 = arith.constant 0.000000e+00 : f32
    %broadcast_in_dim3A_669 = vector.broadcast %jit3A_668 : f32 to vector<16xf32>
    %select_n3A_670 = arith.select %eq3A_667, %select_n3A_654, %broadcast_in_dim3A_669 : vector<16xi1>, vector<16xf32>
    %add3A_671 = arith.addf %add3A_368, %select_n3A_670 : vector<16xf32>
    %eq3A_672 = arith.constant 1 : i32
    %eq3A_673 = vector.broadcast %eq3A_672 : i32 to vector<16xi32>
    %eq3A_674 = arith.cmpi eq, %select_n3A_565, %eq3A_673 : vector<16xi32>
    %jit3A_675 = arith.constant 0.000000e+00 : f32
    %broadcast_in_dim3A_676 = vector.broadcast %jit3A_675 : f32 to vector<16xf32>
    %select_n3A_677 = arith.select %eq3A_674, %select_n3A_562, %broadcast_in_dim3A_676 : vector<16xi1>, vector<16xf32>
    %add3A_678 = arith.addf %add3A_375, %select_n3A_677 : vector<16xf32>
    %eq3A_679 = arith.constant 1 : i32
    %eq3A_680 = vector.broadcast %eq3A_679 : i32 to vector<16xi32>
    %eq3A_681 = arith.cmpi eq, %select_n3A_657, %eq3A_680 : vector<16xi32>
    %jit3A_682 = arith.constant 0.000000e+00 : f32
    %broadcast_in_dim3A_683 = vector.broadcast %jit3A_682 : f32 to vector<16xf32>
    %select_n3A_684 = arith.select %eq3A_681, %select_n3A_654, %broadcast_in_dim3A_683 : vector<16xi1>, vector<16xf32>
    %add3A_685 = arith.addf %add3A_382, %select_n3A_684 : vector<16xf32>
    %eq3A_686 = arith.constant 2 : i32
    %eq3A_687 = vector.broadcast %eq3A_686 : i32 to vector<16xi32>
    %eq3A_688 = arith.cmpi eq, %select_n3A_565, %eq3A_687 : vector<16xi32>
    %jit3A_689 = arith.constant 0.000000e+00 : f32
    %broadcast_in_dim3A_690 = vector.broadcast %jit3A_689 : f32 to vector<16xf32>
    %select_n3A_691 = arith.select %eq3A_688, %select_n3A_562, %broadcast_in_dim3A_690 : vector<16xi1>, vector<16xf32>
    %add3A_692 = arith.addf %add3A_389, %select_n3A_691 : vector<16xf32>
    %eq3A_693 = arith.constant 2 : i32
    %eq3A_694 = vector.broadcast %eq3A_693 : i32 to vector<16xi32>
    %eq3A_695 = arith.cmpi eq, %select_n3A_657, %eq3A_694 : vector<16xi32>
    %jit3A_696 = arith.constant 0.000000e+00 : f32
    %broadcast_in_dim3A_697 = vector.broadcast %jit3A_696 : f32 to vector<16xf32>
    %select_n3A_698 = arith.select %eq3A_695, %select_n3A_654, %broadcast_in_dim3A_697 : vector<16xi1>, vector<16xf32>
    %add3A_699 = arith.addf %add3A_396, %select_n3A_698 : vector<16xf32>
    %eq3A_700 = arith.constant 3 : i32
    %eq3A_701 = vector.broadcast %eq3A_700 : i32 to vector<16xi32>
    %eq3A_702 = arith.cmpi eq, %select_n3A_565, %eq3A_701 : vector<16xi32>
    %jit3A_703 = arith.constant 0.000000e+00 : f32
    %broadcast_in_dim3A_704 = vector.broadcast %jit3A_703 : f32 to vector<16xf32>
    %select_n3A_705 = arith.select %eq3A_702, %select_n3A_562, %broadcast_in_dim3A_704 : vector<16xi1>, vector<16xf32>
    %add3A_706 = arith.addf %add3A_403, %select_n3A_705 : vector<16xf32>
    %eq3A_707 = arith.constant 3 : i32
    %eq3A_708 = vector.broadcast %eq3A_707 : i32 to vector<16xi32>
    %eq3A_709 = arith.cmpi eq, %select_n3A_657, %eq3A_708 : vector<16xi32>
    %jit3A_710 = arith.constant 0.000000e+00 : f32
    %broadcast_in_dim3A_711 = vector.broadcast %jit3A_710 : f32 to vector<16xf32>
    %select_n3A_712 = arith.select %eq3A_709, %select_n3A_654, %broadcast_in_dim3A_711 : vector<16xi1>, vector<16xf32>
    %add3A_713 = arith.addf %add3A_410, %select_n3A_712 : vector<16xf32>
    %eq3A_714 = arith.constant 4 : i32
    %eq3A_715 = vector.broadcast %eq3A_714 : i32 to vector<16xi32>
    %eq3A_716 = arith.cmpi eq, %select_n3A_565, %eq3A_715 : vector<16xi32>
    %jit3A_717 = arith.constant 0.000000e+00 : f32
    %broadcast_in_dim3A_718 = vector.broadcast %jit3A_717 : f32 to vector<16xf32>
    %select_n3A_719 = arith.select %eq3A_716, %select_n3A_562, %broadcast_in_dim3A_718 : vector<16xi1>, vector<16xf32>
    %add3A_720 = arith.addf %add3A_417, %select_n3A_719 : vector<16xf32>
    %eq3A_721 = arith.constant 4 : i32
    %eq3A_722 = vector.broadcast %eq3A_721 : i32 to vector<16xi32>
    %eq3A_723 = arith.cmpi eq, %select_n3A_657, %eq3A_722 : vector<16xi32>
    %jit3A_724 = arith.constant 0.000000e+00 : f32
    %broadcast_in_dim3A_725 = vector.broadcast %jit3A_724 : f32 to vector<16xf32>
    %select_n3A_726 = arith.select %eq3A_723, %select_n3A_654, %broadcast_in_dim3A_725 : vector<16xi1>, vector<16xf32>
    %add3A_727 = arith.addf %add3A_424, %select_n3A_726 : vector<16xf32>
    %eq3A_728 = arith.constant 5 : i32
    %eq3A_729 = vector.broadcast %eq3A_728 : i32 to vector<16xi32>
    %eq3A_730 = arith.cmpi eq, %select_n3A_565, %eq3A_729 : vector<16xi32>
    %jit3A_731 = arith.constant 0.000000e+00 : f32
    %broadcast_in_dim3A_732 = vector.broadcast %jit3A_731 : f32 to vector<16xf32>
    %select_n3A_733 = arith.select %eq3A_730, %select_n3A_562, %broadcast_in_dim3A_732 : vector<16xi1>, vector<16xf32>
    %add3A_734 = arith.addf %add3A_431, %select_n3A_733 : vector<16xf32>
    %eq3A_735 = arith.constant 5 : i32
    %eq3A_736 = vector.broadcast %eq3A_735 : i32 to vector<16xi32>
    %eq3A_737 = arith.cmpi eq, %select_n3A_657, %eq3A_736 : vector<16xi32>
    %jit3A_738 = arith.constant 0.000000e+00 : f32
    %broadcast_in_dim3A_739 = vector.broadcast %jit3A_738 : f32 to vector<16xf32>
    %select_n3A_740 = arith.select %eq3A_737, %select_n3A_654, %broadcast_in_dim3A_739 : vector<16xi1>, vector<16xf32>
    %add3A_741 = arith.addf %add3A_438, %select_n3A_740 : vector<16xf32>
    %eq3A_742 = arith.constant 6 : i32
    %eq3A_743 = vector.broadcast %eq3A_742 : i32 to vector<16xi32>
    %eq3A_744 = arith.cmpi eq, %select_n3A_565, %eq3A_743 : vector<16xi32>
    %jit3A_745 = arith.constant 0.000000e+00 : f32
    %broadcast_in_dim3A_746 = vector.broadcast %jit3A_745 : f32 to vector<16xf32>
    %select_n3A_747 = arith.select %eq3A_744, %select_n3A_562, %broadcast_in_dim3A_746 : vector<16xi1>, vector<16xf32>
    %add3A_748 = arith.addf %add3A_445, %select_n3A_747 : vector<16xf32>
    %eq3A_749 = arith.constant 6 : i32
    %eq3A_750 = vector.broadcast %eq3A_749 : i32 to vector<16xi32>
    %eq3A_751 = arith.cmpi eq, %select_n3A_657, %eq3A_750 : vector<16xi32>
    %jit3A_752 = arith.constant 0.000000e+00 : f32
    %broadcast_in_dim3A_753 = vector.broadcast %jit3A_752 : f32 to vector<16xf32>
    %select_n3A_754 = arith.select %eq3A_751, %select_n3A_654, %broadcast_in_dim3A_753 : vector<16xi1>, vector<16xf32>
    %add3A_755 = arith.addf %add3A_452, %select_n3A_754 : vector<16xf32>
    %eq3A_756 = arith.constant 7 : i32
    %eq3A_757 = vector.broadcast %eq3A_756 : i32 to vector<16xi32>
    %eq3A_758 = arith.cmpi eq, %select_n3A_565, %eq3A_757 : vector<16xi32>
    %jit3A_759 = arith.constant 0.000000e+00 : f32
    %broadcast_in_dim3A_760 = vector.broadcast %jit3A_759 : f32 to vector<16xf32>
    %select_n3A_761 = arith.select %eq3A_758, %select_n3A_562, %broadcast_in_dim3A_760 : vector<16xi1>, vector<16xf32>
    %add3A_762 = arith.addf %add3A_459, %select_n3A_761 : vector<16xf32>
    %eq3A_763 = arith.constant 7 : i32
    %eq3A_764 = vector.broadcast %eq3A_763 : i32 to vector<16xi32>
    %eq3A_765 = arith.cmpi eq, %select_n3A_657, %eq3A_764 : vector<16xi32>
    %jit3A_766 = arith.constant 0.000000e+00 : f32
    %broadcast_in_dim3A_767 = vector.broadcast %jit3A_766 : f32 to vector<16xf32>
    %select_n3A_768 = arith.select %eq3A_765, %select_n3A_654, %broadcast_in_dim3A_767 : vector<16xi1>, vector<16xf32>
    %add3A_769 = arith.addf %add3A_466, %select_n3A_768 : vector<16xf32>
    %get3A_770 = arith.constant 32 : index
    %get3A_771 = tpu.vector_load %arg4[%get3A_770] {strides = array<i32>} : memref<1024xf32, #tpu.memory_space<vmem>>, vector<16xf32>,
    %get3A_772 = vector.shape_cast %get3A_771 : vector<16xf32> to vector<16xf32>
    %get3A_773 = arith.constant 160 : index
    %get3A_774 = tpu.vector_load %arg4[%get3A_773] {strides = array<i32>} : memref<1024xf32, #tpu.memory_space<vmem>>, vector<16xf32>,
    %get3A_775 = vector.shape_cast %get3A_774 : vector<16xf32> to vector<16xf32>
    %get3A_776 = arith.constant 288 : index
    %get3A_777 = tpu.vector_load %arg4[%get3A_776] {strides = array<i32>} : memref<1024xf32, #tpu.memory_space<vmem>>, vector<16xf32>,
    %get3A_778 = vector.shape_cast %get3A_777 : vector<16xf32> to vector<16xf32>
    %get3A_779 = arith.constant 416 : index
    %get3A_780 = tpu.vector_load %arg4[%get3A_779] {strides = array<i32>} : memref<1024xf32, #tpu.memory_space<vmem>>, vector<16xf32>,
    %get3A_781 = vector.shape_cast %get3A_780 : vector<16xf32> to vector<16xf32>
    %get3A_782 = arith.constant 544 : index
    %get3A_783 = tpu.vector_load %arg4[%get3A_782] {strides = array<i32>} : memref<1024xf32, #tpu.memory_space<vmem>>, vector<16xf32>,
    %get3A_784 = vector.shape_cast %get3A_783 : vector<16xf32> to vector<16xf32>
    %get3A_785 = arith.constant 672 : index
    %get3A_786 = tpu.vector_load %arg4[%get3A_785] {strides = array<i32>} : memref<1024xf32, #tpu.memory_space<vmem>>, vector<16xf32>,
    %get3A_787 = vector.shape_cast %get3A_786 : vector<16xf32> to vector<16xf32>
    %get3A_788 = arith.constant 800 : index
    %get3A_789 = tpu.vector_load %arg4[%get3A_788] {strides = array<i32>} : memref<1024xf32, #tpu.memory_space<vmem>>, vector<16xf32>,
    %get3A_790 = vector.shape_cast %get3A_789 : vector<16xf32> to vector<16xf32>
    %get3A_791 = arith.constant 928 : index
    %get3A_792 = tpu.vector_load %arg4[%get3A_791] {strides = array<i32>} : memref<1024xf32, #tpu.memory_space<vmem>>, vector<16xf32>,
    %get3A_793 = vector.shape_cast %get3A_792 : vector<16xf32> to vector<16xf32>
    %max3A_794 = arith.maximumf %get3A_772, %get3A_775 : vector<16xf32>
    %max3A_795 = arith.maximumf %max3A_794, %get3A_778 : vector<16xf32>
    %max3A_796 = arith.maximumf %max3A_795, %get3A_781 : vector<16xf32>
    %max3A_797 = arith.maximumf %max3A_796, %get3A_784 : vector<16xf32>
    %max3A_798 = arith.maximumf %max3A_797, %get3A_787 : vector<16xf32>
    %max3A_799 = arith.maximumf %max3A_798, %get3A_790 : vector<16xf32>
    %max3A_800 = arith.maximumf %max3A_799, %get3A_793 : vector<16xf32>
    %sub3A_801 = arith.subf %get3A_772, %max3A_800 : vector<16xf32>
    %exp3A_802 = math.exp %sub3A_801 : vector<16xf32>
    %sub3A_803 = arith.subf %get3A_775, %max3A_800 : vector<16xf32>
    %exp3A_804 = math.exp %sub3A_803 : vector<16xf32>
    %sub3A_805 = arith.subf %get3A_778, %max3A_800 : vector<16xf32>
    %exp3A_806 = math.exp %sub3A_805 : vector<16xf32>
    %sub3A_807 = arith.subf %get3A_781, %max3A_800 : vector<16xf32>
    %exp3A_808 = math.exp %sub3A_807 : vector<16xf32>
    %sub3A_809 = arith.subf %get3A_784, %max3A_800 : vector<16xf32>
    %exp3A_810 = math.exp %sub3A_809 : vector<16xf32>
    %sub3A_811 = arith.subf %get3A_787, %max3A_800 : vector<16xf32>
    %exp3A_812 = math.exp %sub3A_811 : vector<16xf32>
    %sub3A_813 = arith.subf %get3A_790, %max3A_800 : vector<16xf32>
    %exp3A_814 = math.exp %sub3A_813 : vector<16xf32>
    %sub3A_815 = arith.subf %get3A_793, %max3A_800 : vector<16xf32>
    %exp3A_816 = math.exp %sub3A_815 : vector<16xf32>
    %add3A_817 = arith.addf %exp3A_802, %exp3A_804 : vector<16xf32>
    %add3A_818 = arith.addf %add3A_817, %exp3A_806 : vector<16xf32>
    %add3A_819 = arith.addf %add3A_818, %exp3A_808 : vector<16xf32>
    %add3A_820 = arith.addf %add3A_819, %exp3A_810 : vector<16xf32>
    %add3A_821 = arith.addf %add3A_820, %exp3A_812 : vector<16xf32>
    %add3A_822 = arith.addf %add3A_821, %exp3A_814 : vector<16xf32>
    %add3A_823 = arith.addf %add3A_822, %exp3A_816 : vector<16xf32>
    %div3A_824 = arith.divf %exp3A_802, %add3A_823 : vector<16xf32>
    %div3A_825 = arith.divf %exp3A_804, %add3A_823 : vector<16xf32>
    %div3A_826 = arith.divf %exp3A_806, %add3A_823 : vector<16xf32>
    %div3A_827 = arith.divf %exp3A_808, %add3A_823 : vector<16xf32>
    %div3A_828 = arith.divf %exp3A_810, %add3A_823 : vector<16xf32>
    %div3A_829 = arith.divf %exp3A_812, %add3A_823 : vector<16xf32>
    %div3A_830 = arith.divf %exp3A_814, %add3A_823 : vector<16xf32>
    %div3A_831 = arith.divf %exp3A_816, %add3A_823 : vector<16xf32>
    %broadcast_in_dim3A_832 = arith.constant 0 : i32
    %broadcast_in_dim3A_833 = vector.broadcast %broadcast_in_dim3A_832 : i32 to vector<16xi32>
    %gt3A_834 = arith.cmpf ogt, %div3A_825, %div3A_824 : vector<16xf32>
    %select_n3A_835 = arith.select %gt3A_834, %div3A_825, %div3A_824 : vector<16xi1>, vector<16xf32>
    %jit3A_836 = arith.constant 1 : i32
    %broadcast_in_dim3A_837 = vector.broadcast %jit3A_836 : i32 to vector<16xi32>
    %select_n3A_838 = arith.select %gt3A_834, %broadcast_in_dim3A_837, %broadcast_in_dim3A_833 : vector<16xi1>, vector<16xi32>
    %gt3A_839 = arith.cmpf ogt, %div3A_826, %select_n3A_835 : vector<16xf32>
    %select_n3A_840 = arith.select %gt3A_839, %div3A_826, %select_n3A_835 : vector<16xi1>, vector<16xf32>
    %jit3A_841 = arith.constant 2 : i32
    %broadcast_in_dim3A_842 = vector.broadcast %jit3A_841 : i32 to vector<16xi32>
    %select_n3A_843 = arith.select %gt3A_839, %broadcast_in_dim3A_842, %select_n3A_838 : vector<16xi1>, vector<16xi32>
    %gt3A_844 = arith.cmpf ogt, %div3A_827, %select_n3A_840 : vector<16xf32>
    %select_n3A_845 = arith.select %gt3A_844, %div3A_827, %select_n3A_840 : vector<16xi1>, vector<16xf32>
    %jit3A_846 = arith.constant 3 : i32
    %broadcast_in_dim3A_847 = vector.broadcast %jit3A_846 : i32 to vector<16xi32>
    %select_n3A_848 = arith.select %gt3A_844, %broadcast_in_dim3A_847, %select_n3A_843 : vector<16xi1>, vector<16xi32>
    %gt3A_849 = arith.cmpf ogt, %div3A_828, %select_n3A_845 : vector<16xf32>
    %select_n3A_850 = arith.select %gt3A_849, %div3A_828, %select_n3A_845 : vector<16xi1>, vector<16xf32>
    %jit3A_851 = arith.constant 4 : i32
    %broadcast_in_dim3A_852 = vector.broadcast %jit3A_851 : i32 to vector<16xi32>
    %select_n3A_853 = arith.select %gt3A_849, %broadcast_in_dim3A_852, %select_n3A_848 : vector<16xi1>, vector<16xi32>
    %gt3A_854 = arith.cmpf ogt, %div3A_829, %select_n3A_850 : vector<16xf32>
    %select_n3A_855 = arith.select %gt3A_854, %div3A_829, %select_n3A_850 : vector<16xi1>, vector<16xf32>
    %jit3A_856 = arith.constant 5 : i32
    %broadcast_in_dim3A_857 = vector.broadcast %jit3A_856 : i32 to vector<16xi32>
    %select_n3A_858 = arith.select %gt3A_854, %broadcast_in_dim3A_857, %select_n3A_853 : vector<16xi1>, vector<16xi32>
    %gt3A_859 = arith.cmpf ogt, %div3A_830, %select_n3A_855 : vector<16xf32>
    %select_n3A_860 = arith.select %gt3A_859, %div3A_830, %select_n3A_855 : vector<16xi1>, vector<16xf32>
    %jit3A_861 = arith.constant 6 : i32
    %broadcast_in_dim3A_862 = vector.broadcast %jit3A_861 : i32 to vector<16xi32>
    %select_n3A_863 = arith.select %gt3A_859, %broadcast_in_dim3A_862, %select_n3A_858 : vector<16xi1>, vector<16xi32>
    %gt3A_864 = arith.cmpf ogt, %div3A_831, %select_n3A_860 : vector<16xf32>
    %select_n3A_865 = arith.select %gt3A_864, %div3A_831, %select_n3A_860 : vector<16xi1>, vector<16xf32>
    %jit3A_866 = arith.constant 7 : i32
    %broadcast_in_dim3A_867 = vector.broadcast %jit3A_866 : i32 to vector<16xi32>
    %select_n3A_868 = arith.select %gt3A_864, %broadcast_in_dim3A_867, %select_n3A_863 : vector<16xi1>, vector<16xi32>
    %broadcast_in_dim3A_869 = arith.constant -1.000000e+00 : f32
    %broadcast_in_dim3A_870 = vector.broadcast %broadcast_in_dim3A_869 : f32 to vector<16xf32>
    %broadcast_in_dim3A_871 = arith.constant 0 : i32
    %broadcast_in_dim3A_872 = vector.broadcast %broadcast_in_dim3A_871 : i32 to vector<16xi32>
    %eq3A_873 = arith.constant 0 : i32
    %eq3A_874 = vector.broadcast %eq3A_873 : i32 to vector<16xi32>
    %eq3A_875 = arith.cmpi eq, %select_n3A_868, %eq3A_874 : vector<16xi32>
    %jit3A_876 = arith.constant -1.000000e+00 : f32
    %broadcast_in_dim3A_877 = vector.broadcast %jit3A_876 : f32 to vector<16xf32>
    %select_n3A_878 = arith.select %eq3A_875, %broadcast_in_dim3A_877, %div3A_824 : vector<16xi1>, vector<16xf32>
    %gt3A_879 = arith.cmpf ogt, %select_n3A_878, %broadcast_in_dim3A_870 : vector<16xf32>
    %select_n3A_880 = arith.select %gt3A_879, %select_n3A_878, %broadcast_in_dim3A_870 : vector<16xi1>, vector<16xf32>
    %jit3A_881 = arith.constant 0 : i32
    %broadcast_in_dim3A_882 = vector.broadcast %jit3A_881 : i32 to vector<16xi32>
    %select_n3A_883 = arith.select %gt3A_879, %broadcast_in_dim3A_882, %broadcast_in_dim3A_872 : vector<16xi1>, vector<16xi32>
    %eq3A_884 = arith.constant 1 : i32
    %eq3A_885 = vector.broadcast %eq3A_884 : i32 to vector<16xi32>
    %eq3A_886 = arith.cmpi eq, %select_n3A_868, %eq3A_885 : vector<16xi32>
    %jit3A_887 = arith.constant -1.000000e+00 : f32
    %broadcast_in_dim3A_888 = vector.broadcast %jit3A_887 : f32 to vector<16xf32>
    %select_n3A_889 = arith.select %eq3A_886, %broadcast_in_dim3A_888, %div3A_825 : vector<16xi1>, vector<16xf32>
    %gt3A_890 = arith.cmpf ogt, %select_n3A_889, %select_n3A_880 : vector<16xf32>
    %select_n3A_891 = arith.select %gt3A_890, %select_n3A_889, %select_n3A_880 : vector<16xi1>, vector<16xf32>
    %jit3A_892 = arith.constant 1 : i32
    %broadcast_in_dim3A_893 = vector.broadcast %jit3A_892 : i32 to vector<16xi32>
    %select_n3A_894 = arith.select %gt3A_890, %broadcast_in_dim3A_893, %select_n3A_883 : vector<16xi1>, vector<16xi32>
    %eq3A_895 = arith.constant 2 : i32
    %eq3A_896 = vector.broadcast %eq3A_895 : i32 to vector<16xi32>
    %eq3A_897 = arith.cmpi eq, %select_n3A_868, %eq3A_896 : vector<16xi32>
    %jit3A_898 = arith.constant -1.000000e+00 : f32
    %broadcast_in_dim3A_899 = vector.broadcast %jit3A_898 : f32 to vector<16xf32>
    %select_n3A_900 = arith.select %eq3A_897, %broadcast_in_dim3A_899, %div3A_826 : vector<16xi1>, vector<16xf32>
    %gt3A_901 = arith.cmpf ogt, %select_n3A_900, %select_n3A_891 : vector<16xf32>
    %select_n3A_902 = arith.select %gt3A_901, %select_n3A_900, %select_n3A_891 : vector<16xi1>, vector<16xf32>
    %jit3A_903 = arith.constant 2 : i32
    %broadcast_in_dim3A_904 = vector.broadcast %jit3A_903 : i32 to vector<16xi32>
    %select_n3A_905 = arith.select %gt3A_901, %broadcast_in_dim3A_904, %select_n3A_894 : vector<16xi1>, vector<16xi32>
    %eq3A_906 = arith.constant 3 : i32
    %eq3A_907 = vector.broadcast %eq3A_906 : i32 to vector<16xi32>
    %eq3A_908 = arith.cmpi eq, %select_n3A_868, %eq3A_907 : vector<16xi32>
    %jit3A_909 = arith.constant -1.000000e+00 : f32
    %broadcast_in_dim3A_910 = vector.broadcast %jit3A_909 : f32 to vector<16xf32>
    %select_n3A_911 = arith.select %eq3A_908, %broadcast_in_dim3A_910, %div3A_827 : vector<16xi1>, vector<16xf32>
    %gt3A_912 = arith.cmpf ogt, %select_n3A_911, %select_n3A_902 : vector<16xf32>
    %select_n3A_913 = arith.select %gt3A_912, %select_n3A_911, %select_n3A_902 : vector<16xi1>, vector<16xf32>
    %jit3A_914 = arith.constant 3 : i32
    %broadcast_in_dim3A_915 = vector.broadcast %jit3A_914 : i32 to vector<16xi32>
    %select_n3A_916 = arith.select %gt3A_912, %broadcast_in_dim3A_915, %select_n3A_905 : vector<16xi1>, vector<16xi32>
    %eq3A_917 = arith.constant 4 : i32
    %eq3A_918 = vector.broadcast %eq3A_917 : i32 to vector<16xi32>
    %eq3A_919 = arith.cmpi eq, %select_n3A_868, %eq3A_918 : vector<16xi32>
    %jit3A_920 = arith.constant -1.000000e+00 : f32
    %broadcast_in_dim3A_921 = vector.broadcast %jit3A_920 : f32 to vector<16xf32>
    %select_n3A_922 = arith.select %eq3A_919, %broadcast_in_dim3A_921, %div3A_828 : vector<16xi1>, vector<16xf32>
    %gt3A_923 = arith.cmpf ogt, %select_n3A_922, %select_n3A_913 : vector<16xf32>
    %select_n3A_924 = arith.select %gt3A_923, %select_n3A_922, %select_n3A_913 : vector<16xi1>, vector<16xf32>
    %jit3A_925 = arith.constant 4 : i32
    %broadcast_in_dim3A_926 = vector.broadcast %jit3A_925 : i32 to vector<16xi32>
    %select_n3A_927 = arith.select %gt3A_923, %broadcast_in_dim3A_926, %select_n3A_916 : vector<16xi1>, vector<16xi32>
    %eq3A_928 = arith.constant 5 : i32
    %eq3A_929 = vector.broadcast %eq3A_928 : i32 to vector<16xi32>
    %eq3A_930 = arith.cmpi eq, %select_n3A_868, %eq3A_929 : vector<16xi32>
    %jit3A_931 = arith.constant -1.000000e+00 : f32
    %broadcast_in_dim3A_932 = vector.broadcast %jit3A_931 : f32 to vector<16xf32>
    %select_n3A_933 = arith.select %eq3A_930, %broadcast_in_dim3A_932, %div3A_829 : vector<16xi1>, vector<16xf32>
    %gt3A_934 = arith.cmpf ogt, %select_n3A_933, %select_n3A_924 : vector<16xf32>
    %select_n3A_935 = arith.select %gt3A_934, %select_n3A_933, %select_n3A_924 : vector<16xi1>, vector<16xf32>
    %jit3A_936 = arith.constant 5 : i32
    %broadcast_in_dim3A_937 = vector.broadcast %jit3A_936 : i32 to vector<16xi32>
    %select_n3A_938 = arith.select %gt3A_934, %broadcast_in_dim3A_937, %select_n3A_927 : vector<16xi1>, vector<16xi32>
    %eq3A_939 = arith.constant 6 : i32
    %eq3A_940 = vector.broadcast %eq3A_939 : i32 to vector<16xi32>
    %eq3A_941 = arith.cmpi eq, %select_n3A_868, %eq3A_940 : vector<16xi32>
    %jit3A_942 = arith.constant -1.000000e+00 : f32
    %broadcast_in_dim3A_943 = vector.broadcast %jit3A_942 : f32 to vector<16xf32>
    %select_n3A_944 = arith.select %eq3A_941, %broadcast_in_dim3A_943, %div3A_830 : vector<16xi1>, vector<16xf32>
    %gt3A_945 = arith.cmpf ogt, %select_n3A_944, %select_n3A_935 : vector<16xf32>
    %select_n3A_946 = arith.select %gt3A_945, %select_n3A_944, %select_n3A_935 : vector<16xi1>, vector<16xf32>
    %jit3A_947 = arith.constant 6 : i32
    %broadcast_in_dim3A_948 = vector.broadcast %jit3A_947 : i32 to vector<16xi32>
    %select_n3A_949 = arith.select %gt3A_945, %broadcast_in_dim3A_948, %select_n3A_938 : vector<16xi1>, vector<16xi32>
    %eq3A_950 = arith.constant 7 : i32
    %eq3A_951 = vector.broadcast %eq3A_950 : i32 to vector<16xi32>
    %eq3A_952 = arith.cmpi eq, %select_n3A_868, %eq3A_951 : vector<16xi32>
    %jit3A_953 = arith.constant -1.000000e+00 : f32
    %broadcast_in_dim3A_954 = vector.broadcast %jit3A_953 : f32 to vector<16xf32>
    %select_n3A_955 = arith.select %eq3A_952, %broadcast_in_dim3A_954, %div3A_831 : vector<16xi1>, vector<16xf32>
    %gt3A_956 = arith.cmpf ogt, %select_n3A_955, %select_n3A_946 : vector<16xf32>
    %select_n3A_957 = arith.select %gt3A_956, %select_n3A_955, %select_n3A_946 : vector<16xi1>, vector<16xf32>
    %jit3A_958 = arith.constant 7 : i32
    %broadcast_in_dim3A_959 = vector.broadcast %jit3A_958 : i32 to vector<16xi32>
    %select_n3A_960 = arith.select %gt3A_956, %broadcast_in_dim3A_959, %select_n3A_949 : vector<16xi1>, vector<16xi32>
    %eq3A_961 = arith.constant 0 : i32
    %eq3A_962 = vector.broadcast %eq3A_961 : i32 to vector<16xi32>
    %eq3A_963 = arith.cmpi eq, %select_n3A_868, %eq3A_962 : vector<16xi32>
    %jit3A_964 = arith.constant 0.000000e+00 : f32
    %broadcast_in_dim3A_965 = vector.broadcast %jit3A_964 : f32 to vector<16xf32>
    %select_n3A_966 = arith.select %eq3A_963, %select_n3A_865, %broadcast_in_dim3A_965 : vector<16xi1>, vector<16xf32>
    %add3A_967 = arith.addf %add3A_664, %select_n3A_966 : vector<16xf32>
    %eq3A_968 = arith.constant 0 : i32
    %eq3A_969 = vector.broadcast %eq3A_968 : i32 to vector<16xi32>
    %eq3A_970 = arith.cmpi eq, %select_n3A_960, %eq3A_969 : vector<16xi32>
    %jit3A_971 = arith.constant 0.000000e+00 : f32
    %broadcast_in_dim3A_972 = vector.broadcast %jit3A_971 : f32 to vector<16xf32>
    %select_n3A_973 = arith.select %eq3A_970, %select_n3A_957, %broadcast_in_dim3A_972 : vector<16xi1>, vector<16xf32>
    %add3A_974 = arith.addf %add3A_671, %select_n3A_973 : vector<16xf32>
    %eq3A_975 = arith.constant 1 : i32
    %eq3A_976 = vector.broadcast %eq3A_975 : i32 to vector<16xi32>
    %eq3A_977 = arith.cmpi eq, %select_n3A_868, %eq3A_976 : vector<16xi32>
    %jit3A_978 = arith.constant 0.000000e+00 : f32
    %broadcast_in_dim3A_979 = vector.broadcast %jit3A_978 : f32 to vector<16xf32>
    %select_n3A_980 = arith.select %eq3A_977, %select_n3A_865, %broadcast_in_dim3A_979 : vector<16xi1>, vector<16xf32>
    %add3A_981 = arith.addf %add3A_678, %select_n3A_980 : vector<16xf32>
    %eq3A_982 = arith.constant 1 : i32
    %eq3A_983 = vector.broadcast %eq3A_982 : i32 to vector<16xi32>
    %eq3A_984 = arith.cmpi eq, %select_n3A_960, %eq3A_983 : vector<16xi32>
    %jit3A_985 = arith.constant 0.000000e+00 : f32
    %broadcast_in_dim3A_986 = vector.broadcast %jit3A_985 : f32 to vector<16xf32>
    %select_n3A_987 = arith.select %eq3A_984, %select_n3A_957, %broadcast_in_dim3A_986 : vector<16xi1>, vector<16xf32>
    %add3A_988 = arith.addf %add3A_685, %select_n3A_987 : vector<16xf32>
    %eq3A_989 = arith.constant 2 : i32
    %eq3A_990 = vector.broadcast %eq3A_989 : i32 to vector<16xi32>
    %eq3A_991 = arith.cmpi eq, %select_n3A_868, %eq3A_990 : vector<16xi32>
    %jit3A_992 = arith.constant 0.000000e+00 : f32
    %broadcast_in_dim3A_993 = vector.broadcast %jit3A_992 : f32 to vector<16xf32>
    %select_n3A_994 = arith.select %eq3A_991, %select_n3A_865, %broadcast_in_dim3A_993 : vector<16xi1>, vector<16xf32>
    %add3A_995 = arith.addf %add3A_692, %select_n3A_994 : vector<16xf32>
    %eq3A_996 = arith.constant 2 : i32
    %eq3A_997 = vector.broadcast %eq3A_996 : i32 to vector<16xi32>
    %eq3A_998 = arith.cmpi eq, %select_n3A_960, %eq3A_997 : vector<16xi32>
    %jit3A_999 = arith.constant 0.000000e+00 : f32
    %broadcast_in_dim3A_1000 = vector.broadcast %jit3A_999 : f32 to vector<16xf32>
    %select_n3A_1001 = arith.select %eq3A_998, %select_n3A_957, %broadcast_in_dim3A_1000 : vector<16xi1>, vector<16xf32>
    %add3A_1002 = arith.addf %add3A_699, %select_n3A_1001 : vector<16xf32>
    %eq3A_1003 = arith.constant 3 : i32
    %eq3A_1004 = vector.broadcast %eq3A_1003 : i32 to vector<16xi32>
    %eq3A_1005 = arith.cmpi eq, %select_n3A_868, %eq3A_1004 : vector<16xi32>
    %jit3A_1006 = arith.constant 0.000000e+00 : f32
    %broadcast_in_dim3A_1007 = vector.broadcast %jit3A_1006 : f32 to vector<16xf32>
    %select_n3A_1008 = arith.select %eq3A_1005, %select_n3A_865, %broadcast_in_dim3A_1007 : vector<16xi1>, vector<16xf32>
    %add3A_1009 = arith.addf %add3A_706, %select_n3A_1008 : vector<16xf32>
    %eq3A_1010 = arith.constant 3 : i32
    %eq3A_1011 = vector.broadcast %eq3A_1010 : i32 to vector<16xi32>
    %eq3A_1012 = arith.cmpi eq, %select_n3A_960, %eq3A_1011 : vector<16xi32>
    %jit3A_1013 = arith.constant 0.000000e+00 : f32
    %broadcast_in_dim3A_1014 = vector.broadcast %jit3A_1013 : f32 to vector<16xf32>
    %select_n3A_1015 = arith.select %eq3A_1012, %select_n3A_957, %broadcast_in_dim3A_1014 : vector<16xi1>, vector<16xf32>
    %add3A_1016 = arith.addf %add3A_713, %select_n3A_1015 : vector<16xf32>
    %eq3A_1017 = arith.constant 4 : i32
    %eq3A_1018 = vector.broadcast %eq3A_1017 : i32 to vector<16xi32>
    %eq3A_1019 = arith.cmpi eq, %select_n3A_868, %eq3A_1018 : vector<16xi32>
    %jit3A_1020 = arith.constant 0.000000e+00 : f32
    %broadcast_in_dim3A_1021 = vector.broadcast %jit3A_1020 : f32 to vector<16xf32>
    %select_n3A_1022 = arith.select %eq3A_1019, %select_n3A_865, %broadcast_in_dim3A_1021 : vector<16xi1>, vector<16xf32>
    %add3A_1023 = arith.addf %add3A_720, %select_n3A_1022 : vector<16xf32>
    %eq3A_1024 = arith.constant 4 : i32
    %eq3A_1025 = vector.broadcast %eq3A_1024 : i32 to vector<16xi32>
    %eq3A_1026 = arith.cmpi eq, %select_n3A_960, %eq3A_1025 : vector<16xi32>
    %jit3A_1027 = arith.constant 0.000000e+00 : f32
    %broadcast_in_dim3A_1028 = vector.broadcast %jit3A_1027 : f32 to vector<16xf32>
    %select_n3A_1029 = arith.select %eq3A_1026, %select_n3A_957, %broadcast_in_dim3A_1028 : vector<16xi1>, vector<16xf32>
    %add3A_1030 = arith.addf %add3A_727, %select_n3A_1029 : vector<16xf32>
    %eq3A_1031 = arith.constant 5 : i32
    %eq3A_1032 = vector.broadcast %eq3A_1031 : i32 to vector<16xi32>
    %eq3A_1033 = arith.cmpi eq, %select_n3A_868, %eq3A_1032 : vector<16xi32>
    %jit3A_1034 = arith.constant 0.000000e+00 : f32
    %broadcast_in_dim3A_1035 = vector.broadcast %jit3A_1034 : f32 to vector<16xf32>
    %select_n3A_1036 = arith.select %eq3A_1033, %select_n3A_865, %broadcast_in_dim3A_1035 : vector<16xi1>, vector<16xf32>
    %add3A_1037 = arith.addf %add3A_734, %select_n3A_1036 : vector<16xf32>
    %eq3A_1038 = arith.constant 5 : i32
    %eq3A_1039 = vector.broadcast %eq3A_1038 : i32 to vector<16xi32>
    %eq3A_1040 = arith.cmpi eq, %select_n3A_960, %eq3A_1039 : vector<16xi32>
    %jit3A_1041 = arith.constant 0.000000e+00 : f32
    %broadcast_in_dim3A_1042 = vector.broadcast %jit3A_1041 : f32 to vector<16xf32>
    %select_n3A_1043 = arith.select %eq3A_1040, %select_n3A_957, %broadcast_in_dim3A_1042 : vector<16xi1>, vector<16xf32>
    %add3A_1044 = arith.addf %add3A_741, %select_n3A_1043 : vector<16xf32>
    %eq3A_1045 = arith.constant 6 : i32
    %eq3A_1046 = vector.broadcast %eq3A_1045 : i32 to vector<16xi32>
    %eq3A_1047 = arith.cmpi eq, %select_n3A_868, %eq3A_1046 : vector<16xi32>
    %jit3A_1048 = arith.constant 0.000000e+00 : f32
    %broadcast_in_dim3A_1049 = vector.broadcast %jit3A_1048 : f32 to vector<16xf32>
    %select_n3A_1050 = arith.select %eq3A_1047, %select_n3A_865, %broadcast_in_dim3A_1049 : vector<16xi1>, vector<16xf32>
    %add3A_1051 = arith.addf %add3A_748, %select_n3A_1050 : vector<16xf32>
    %eq3A_1052 = arith.constant 6 : i32
    %eq3A_1053 = vector.broadcast %eq3A_1052 : i32 to vector<16xi32>
    %eq3A_1054 = arith.cmpi eq, %select_n3A_960, %eq3A_1053 : vector<16xi32>
    %jit3A_1055 = arith.constant 0.000000e+00 : f32
    %broadcast_in_dim3A_1056 = vector.broadcast %jit3A_1055 : f32 to vector<16xf32>
    %select_n3A_1057 = arith.select %eq3A_1054, %select_n3A_957, %broadcast_in_dim3A_1056 : vector<16xi1>, vector<16xf32>
    %add3A_1058 = arith.addf %add3A_755, %select_n3A_1057 : vector<16xf32>
    %eq3A_1059 = arith.constant 7 : i32
    %eq3A_1060 = vector.broadcast %eq3A_1059 : i32 to vector<16xi32>
    %eq3A_1061 = arith.cmpi eq, %select_n3A_868, %eq3A_1060 : vector<16xi32>
    %jit3A_1062 = arith.constant 0.000000e+00 : f32
    %broadcast_in_dim3A_1063 = vector.broadcast %jit3A_1062 : f32 to vector<16xf32>
    %select_n3A_1064 = arith.select %eq3A_1061, %select_n3A_865, %broadcast_in_dim3A_1063 : vector<16xi1>, vector<16xf32>
    %add3A_1065 = arith.addf %add3A_762, %select_n3A_1064 : vector<16xf32>
    %eq3A_1066 = arith.constant 7 : i32
    %eq3A_1067 = vector.broadcast %eq3A_1066 : i32 to vector<16xi32>
    %eq3A_1068 = arith.cmpi eq, %select_n3A_960, %eq3A_1067 : vector<16xi32>
    %jit3A_1069 = arith.constant 0.000000e+00 : f32
    %broadcast_in_dim3A_1070 = vector.broadcast %jit3A_1069 : f32 to vector<16xf32>
    %select_n3A_1071 = arith.select %eq3A_1068, %select_n3A_957, %broadcast_in_dim3A_1070 : vector<16xi1>, vector<16xf32>
    %add3A_1072 = arith.addf %add3A_769, %select_n3A_1071 : vector<16xf32>
    %get3A_1073 = arith.constant 48 : index
    %get3A_1074 = tpu.vector_load %arg4[%get3A_1073] {strides = array<i32>} : memref<1024xf32, #tpu.memory_space<vmem>>, vector<16xf32>,
    %get3A_1075 = vector.shape_cast %get3A_1074 : vector<16xf32> to vector<16xf32>
    %get3A_1076 = arith.constant 176 : index
    %get3A_1077 = tpu.vector_load %arg4[%get3A_1076] {strides = array<i32>} : memref<1024xf32, #tpu.memory_space<vmem>>, vector<16xf32>,
    %get3A_1078 = vector.shape_cast %get3A_1077 : vector<16xf32> to vector<16xf32>
    %get3A_1079 = arith.constant 304 : index
    %get3A_1080 = tpu.vector_load %arg4[%get3A_1079] {strides = array<i32>} : memref<1024xf32, #tpu.memory_space<vmem>>, vector<16xf32>,
    %get3A_1081 = vector.shape_cast %get3A_1080 : vector<16xf32> to vector<16xf32>
    %get3A_1082 = arith.constant 432 : index
    %get3A_1083 = tpu.vector_load %arg4[%get3A_1082] {strides = array<i32>} : memref<1024xf32, #tpu.memory_space<vmem>>, vector<16xf32>,
    %get3A_1084 = vector.shape_cast %get3A_1083 : vector<16xf32> to vector<16xf32>
    %get3A_1085 = arith.constant 560 : index
    %get3A_1086 = tpu.vector_load %arg4[%get3A_1085] {strides = array<i32>} : memref<1024xf32, #tpu.memory_space<vmem>>, vector<16xf32>,
    %get3A_1087 = vector.shape_cast %get3A_1086 : vector<16xf32> to vector<16xf32>
    %get3A_1088 = arith.constant 688 : index
    %get3A_1089 = tpu.vector_load %arg4[%get3A_1088] {strides = array<i32>} : memref<1024xf32, #tpu.memory_space<vmem>>, vector<16xf32>,
    %get3A_1090 = vector.shape_cast %get3A_1089 : vector<16xf32> to vector<16xf32>
    %get3A_1091 = arith.constant 816 : index
    %get3A_1092 = tpu.vector_load %arg4[%get3A_1091] {strides = array<i32>} : memref<1024xf32, #tpu.memory_space<vmem>>, vector<16xf32>,
    %get3A_1093 = vector.shape_cast %get3A_1092 : vector<16xf32> to vector<16xf32>
    %get3A_1094 = arith.constant 944 : index
    %get3A_1095 = tpu.vector_load %arg4[%get3A_1094] {strides = array<i32>} : memref<1024xf32, #tpu.memory_space<vmem>>, vector<16xf32>,
    %get3A_1096 = vector.shape_cast %get3A_1095 : vector<16xf32> to vector<16xf32>
    %max3A_1097 = arith.maximumf %get3A_1075, %get3A_1078 : vector<16xf32>
    %max3A_1098 = arith.maximumf %max3A_1097, %get3A_1081 : vector<16xf32>
    %max3A_1099 = arith.maximumf %max3A_1098, %get3A_1084 : vector<16xf32>
    %max3A_1100 = arith.maximumf %max3A_1099, %get3A_1087 : vector<16xf32>
    %max3A_1101 = arith.maximumf %max3A_1100, %get3A_1090 : vector<16xf32>
    %max3A_1102 = arith.maximumf %max3A_1101, %get3A_1093 : vector<16xf32>
    %max3A_1103 = arith.maximumf %max3A_1102, %get3A_1096 : vector<16xf32>
    %sub3A_1104 = arith.subf %get3A_1075, %max3A_1103 : vector<16xf32>
    %exp3A_1105 = math.exp %sub3A_1104 : vector<16xf32>
    %sub3A_1106 = arith.subf %get3A_1078, %max3A_1103 : vector<16xf32>
    %exp3A_1107 = math.exp %sub3A_1106 : vector<16xf32>
    %sub3A_1108 = arith.subf %get3A_1081, %max3A_1103 : vector<16xf32>
    %exp3A_1109 = math.exp %sub3A_1108 : vector<16xf32>
    %sub3A_1110 = arith.subf %get3A_1084, %max3A_1103 : vector<16xf32>
    %exp3A_1111 = math.exp %sub3A_1110 : vector<16xf32>
    %sub3A_1112 = arith.subf %get3A_1087, %max3A_1103 : vector<16xf32>
    %exp3A_1113 = math.exp %sub3A_1112 : vector<16xf32>
    %sub3A_1114 = arith.subf %get3A_1090, %max3A_1103 : vector<16xf32>
    %exp3A_1115 = math.exp %sub3A_1114 : vector<16xf32>
    %sub3A_1116 = arith.subf %get3A_1093, %max3A_1103 : vector<16xf32>
    %exp3A_1117 = math.exp %sub3A_1116 : vector<16xf32>
    %sub3A_1118 = arith.subf %get3A_1096, %max3A_1103 : vector<16xf32>
    %exp3A_1119 = math.exp %sub3A_1118 : vector<16xf32>
    %add3A_1120 = arith.addf %exp3A_1105, %exp3A_1107 : vector<16xf32>
    %add3A_1121 = arith.addf %add3A_1120, %exp3A_1109 : vector<16xf32>
    %add3A_1122 = arith.addf %add3A_1121, %exp3A_1111 : vector<16xf32>
    %add3A_1123 = arith.addf %add3A_1122, %exp3A_1113 : vector<16xf32>
    %add3A_1124 = arith.addf %add3A_1123, %exp3A_1115 : vector<16xf32>
    %add3A_1125 = arith.addf %add3A_1124, %exp3A_1117 : vector<16xf32>
    %add3A_1126 = arith.addf %add3A_1125, %exp3A_1119 : vector<16xf32>
    %div3A_1127 = arith.divf %exp3A_1105, %add3A_1126 : vector<16xf32>
    %div3A_1128 = arith.divf %exp3A_1107, %add3A_1126 : vector<16xf32>
    %div3A_1129 = arith.divf %exp3A_1109, %add3A_1126 : vector<16xf32>
    %div3A_1130 = arith.divf %exp3A_1111, %add3A_1126 : vector<16xf32>
    %div3A_1131 = arith.divf %exp3A_1113, %add3A_1126 : vector<16xf32>
    %div3A_1132 = arith.divf %exp3A_1115, %add3A_1126 : vector<16xf32>
    %div3A_1133 = arith.divf %exp3A_1117, %add3A_1126 : vector<16xf32>
    %div3A_1134 = arith.divf %exp3A_1119, %add3A_1126 : vector<16xf32>
    %broadcast_in_dim3A_1135 = arith.constant 0 : i32
    %broadcast_in_dim3A_1136 = vector.broadcast %broadcast_in_dim3A_1135 : i32 to vector<16xi32>
    %gt3A_1137 = arith.cmpf ogt, %div3A_1128, %div3A_1127 : vector<16xf32>
    %select_n3A_1138 = arith.select %gt3A_1137, %div3A_1128, %div3A_1127 : vector<16xi1>, vector<16xf32>
    %jit3A_1139 = arith.constant 1 : i32
    %broadcast_in_dim3A_1140 = vector.broadcast %jit3A_1139 : i32 to vector<16xi32>
    %select_n3A_1141 = arith.select %gt3A_1137, %broadcast_in_dim3A_1140, %broadcast_in_dim3A_1136 : vector<16xi1>, vector<16xi32>
    %gt3A_1142 = arith.cmpf ogt, %div3A_1129, %select_n3A_1138 : vector<16xf32>
    %select_n3A_1143 = arith.select %gt3A_1142, %div3A_1129, %select_n3A_1138 : vector<16xi1>, vector<16xf32>
    %jit3A_1144 = arith.constant 2 : i32
    %broadcast_in_dim3A_1145 = vector.broadcast %jit3A_1144 : i32 to vector<16xi32>
    %select_n3A_1146 = arith.select %gt3A_1142, %broadcast_in_dim3A_1145, %select_n3A_1141 : vector<16xi1>, vector<16xi32>
    %gt3A_1147 = arith.cmpf ogt, %div3A_1130, %select_n3A_1143 : vector<16xf32>
    %select_n3A_1148 = arith.select %gt3A_1147, %div3A_1130, %select_n3A_1143 : vector<16xi1>, vector<16xf32>
    %jit3A_1149 = arith.constant 3 : i32
    %broadcast_in_dim3A_1150 = vector.broadcast %jit3A_1149 : i32 to vector<16xi32>
    %select_n3A_1151 = arith.select %gt3A_1147, %broadcast_in_dim3A_1150, %select_n3A_1146 : vector<16xi1>, vector<16xi32>
    %gt3A_1152 = arith.cmpf ogt, %div3A_1131, %select_n3A_1148 : vector<16xf32>
    %select_n3A_1153 = arith.select %gt3A_1152, %div3A_1131, %select_n3A_1148 : vector<16xi1>, vector<16xf32>
    %jit3A_1154 = arith.constant 4 : i32
    %broadcast_in_dim3A_1155 = vector.broadcast %jit3A_1154 : i32 to vector<16xi32>
    %select_n3A_1156 = arith.select %gt3A_1152, %broadcast_in_dim3A_1155, %select_n3A_1151 : vector<16xi1>, vector<16xi32>
    %gt3A_1157 = arith.cmpf ogt, %div3A_1132, %select_n3A_1153 : vector<16xf32>
    %select_n3A_1158 = arith.select %gt3A_1157, %div3A_1132, %select_n3A_1153 : vector<16xi1>, vector<16xf32>
    %jit3A_1159 = arith.constant 5 : i32
    %broadcast_in_dim3A_1160 = vector.broadcast %jit3A_1159 : i32 to vector<16xi32>
    %select_n3A_1161 = arith.select %gt3A_1157, %broadcast_in_dim3A_1160, %select_n3A_1156 : vector<16xi1>, vector<16xi32>
    %gt3A_1162 = arith.cmpf ogt, %div3A_1133, %select_n3A_1158 : vector<16xf32>
    %select_n3A_1163 = arith.select %gt3A_1162, %div3A_1133, %select_n3A_1158 : vector<16xi1>, vector<16xf32>
    %jit3A_1164 = arith.constant 6 : i32
    %broadcast_in_dim3A_1165 = vector.broadcast %jit3A_1164 : i32 to vector<16xi32>
    %select_n3A_1166 = arith.select %gt3A_1162, %broadcast_in_dim3A_1165, %select_n3A_1161 : vector<16xi1>, vector<16xi32>
    %gt3A_1167 = arith.cmpf ogt, %div3A_1134, %select_n3A_1163 : vector<16xf32>
    %select_n3A_1168 = arith.select %gt3A_1167, %div3A_1134, %select_n3A_1163 : vector<16xi1>, vector<16xf32>
    %jit3A_1169 = arith.constant 7 : i32
    %broadcast_in_dim3A_1170 = vector.broadcast %jit3A_1169 : i32 to vector<16xi32>
    %select_n3A_1171 = arith.select %gt3A_1167, %broadcast_in_dim3A_1170, %select_n3A_1166 : vector<16xi1>, vector<16xi32>
    %broadcast_in_dim3A_1172 = arith.constant -1.000000e+00 : f32
    %broadcast_in_dim3A_1173 = vector.broadcast %broadcast_in_dim3A_1172 : f32 to vector<16xf32>
    %broadcast_in_dim3A_1174 = arith.constant 0 : i32
    %broadcast_in_dim3A_1175 = vector.broadcast %broadcast_in_dim3A_1174 : i32 to vector<16xi32>
    %eq3A_1176 = arith.constant 0 : i32
    %eq3A_1177 = vector.broadcast %eq3A_1176 : i32 to vector<16xi32>
    %eq3A_1178 = arith.cmpi eq, %select_n3A_1171, %eq3A_1177 : vector<16xi32>
    %jit3A_1179 = arith.constant -1.000000e+00 : f32
    %broadcast_in_dim3A_1180 = vector.broadcast %jit3A_1179 : f32 to vector<16xf32>
    %select_n3A_1181 = arith.select %eq3A_1178, %broadcast_in_dim3A_1180, %div3A_1127 : vector<16xi1>, vector<16xf32>
    %gt3A_1182 = arith.cmpf ogt, %select_n3A_1181, %broadcast_in_dim3A_1173 : vector<16xf32>
    %select_n3A_1183 = arith.select %gt3A_1182, %select_n3A_1181, %broadcast_in_dim3A_1173 : vector<16xi1>, vector<16xf32>
    %jit3A_1184 = arith.constant 0 : i32
    %broadcast_in_dim3A_1185 = vector.broadcast %jit3A_1184 : i32 to vector<16xi32>
    %select_n3A_1186 = arith.select %gt3A_1182, %broadcast_in_dim3A_1185, %broadcast_in_dim3A_1175 : vector<16xi1>, vector<16xi32>
    %eq3A_1187 = arith.constant 1 : i32
    %eq3A_1188 = vector.broadcast %eq3A_1187 : i32 to vector<16xi32>
    %eq3A_1189 = arith.cmpi eq, %select_n3A_1171, %eq3A_1188 : vector<16xi32>
    %jit3A_1190 = arith.constant -1.000000e+00 : f32
    %broadcast_in_dim3A_1191 = vector.broadcast %jit3A_1190 : f32 to vector<16xf32>
    %select_n3A_1192 = arith.select %eq3A_1189, %broadcast_in_dim3A_1191, %div3A_1128 : vector<16xi1>, vector<16xf32>
    %gt3A_1193 = arith.cmpf ogt, %select_n3A_1192, %select_n3A_1183 : vector<16xf32>
    %select_n3A_1194 = arith.select %gt3A_1193, %select_n3A_1192, %select_n3A_1183 : vector<16xi1>, vector<16xf32>
    %jit3A_1195 = arith.constant 1 : i32
    %broadcast_in_dim3A_1196 = vector.broadcast %jit3A_1195 : i32 to vector<16xi32>
    %select_n3A_1197 = arith.select %gt3A_1193, %broadcast_in_dim3A_1196, %select_n3A_1186 : vector<16xi1>, vector<16xi32>
    %eq3A_1198 = arith.constant 2 : i32
    %eq3A_1199 = vector.broadcast %eq3A_1198 : i32 to vector<16xi32>
    %eq3A_1200 = arith.cmpi eq, %select_n3A_1171, %eq3A_1199 : vector<16xi32>
    %jit3A_1201 = arith.constant -1.000000e+00 : f32
    %broadcast_in_dim3A_1202 = vector.broadcast %jit3A_1201 : f32 to vector<16xf32>
    %select_n3A_1203 = arith.select %eq3A_1200, %broadcast_in_dim3A_1202, %div3A_1129 : vector<16xi1>, vector<16xf32>
    %gt3A_1204 = arith.cmpf ogt, %select_n3A_1203, %select_n3A_1194 : vector<16xf32>
    %select_n3A_1205 = arith.select %gt3A_1204, %select_n3A_1203, %select_n3A_1194 : vector<16xi1>, vector<16xf32>
    %jit3A_1206 = arith.constant 2 : i32
    %broadcast_in_dim3A_1207 = vector.broadcast %jit3A_1206 : i32 to vector<16xi32>
    %select_n3A_1208 = arith.select %gt3A_1204, %broadcast_in_dim3A_1207, %select_n3A_1197 : vector<16xi1>, vector<16xi32>
    %eq3A_1209 = arith.constant 3 : i32
    %eq3A_1210 = vector.broadcast %eq3A_1209 : i32 to vector<16xi32>
    %eq3A_1211 = arith.cmpi eq, %select_n3A_1171, %eq3A_1210 : vector<16xi32>
    %jit3A_1212 = arith.constant -1.000000e+00 : f32
    %broadcast_in_dim3A_1213 = vector.broadcast %jit3A_1212 : f32 to vector<16xf32>
    %select_n3A_1214 = arith.select %eq3A_1211, %broadcast_in_dim3A_1213, %div3A_1130 : vector<16xi1>, vector<16xf32>
    %gt3A_1215 = arith.cmpf ogt, %select_n3A_1214, %select_n3A_1205 : vector<16xf32>
    %select_n3A_1216 = arith.select %gt3A_1215, %select_n3A_1214, %select_n3A_1205 : vector<16xi1>, vector<16xf32>
    %jit3A_1217 = arith.constant 3 : i32
    %broadcast_in_dim3A_1218 = vector.broadcast %jit3A_1217 : i32 to vector<16xi32>
    %select_n3A_1219 = arith.select %gt3A_1215, %broadcast_in_dim3A_1218, %select_n3A_1208 : vector<16xi1>, vector<16xi32>
    %eq3A_1220 = arith.constant 4 : i32
    %eq3A_1221 = vector.broadcast %eq3A_1220 : i32 to vector<16xi32>
    %eq3A_1222 = arith.cmpi eq, %select_n3A_1171, %eq3A_1221 : vector<16xi32>
    %jit3A_1223 = arith.constant -1.000000e+00 : f32
    %broadcast_in_dim3A_1224 = vector.broadcast %jit3A_1223 : f32 to vector<16xf32>
    %select_n3A_1225 = arith.select %eq3A_1222, %broadcast_in_dim3A_1224, %div3A_1131 : vector<16xi1>, vector<16xf32>
    %gt3A_1226 = arith.cmpf ogt, %select_n3A_1225, %select_n3A_1216 : vector<16xf32>
    %select_n3A_1227 = arith.select %gt3A_1226, %select_n3A_1225, %select_n3A_1216 : vector<16xi1>, vector<16xf32>
    %jit3A_1228 = arith.constant 4 : i32
    %broadcast_in_dim3A_1229 = vector.broadcast %jit3A_1228 : i32 to vector<16xi32>
    %select_n3A_1230 = arith.select %gt3A_1226, %broadcast_in_dim3A_1229, %select_n3A_1219 : vector<16xi1>, vector<16xi32>
    %eq3A_1231 = arith.constant 5 : i32
    %eq3A_1232 = vector.broadcast %eq3A_1231 : i32 to vector<16xi32>
    %eq3A_1233 = arith.cmpi eq, %select_n3A_1171, %eq3A_1232 : vector<16xi32>
    %jit3A_1234 = arith.constant -1.000000e+00 : f32
    %broadcast_in_dim3A_1235 = vector.broadcast %jit3A_1234 : f32 to vector<16xf32>
    %select_n3A_1236 = arith.select %eq3A_1233, %broadcast_in_dim3A_1235, %div3A_1132 : vector<16xi1>, vector<16xf32>
    %gt3A_1237 = arith.cmpf ogt, %select_n3A_1236, %select_n3A_1227 : vector<16xf32>
    %select_n3A_1238 = arith.select %gt3A_1237, %select_n3A_1236, %select_n3A_1227 : vector<16xi1>, vector<16xf32>
    %jit3A_1239 = arith.constant 5 : i32
    %broadcast_in_dim3A_1240 = vector.broadcast %jit3A_1239 : i32 to vector<16xi32>
    %select_n3A_1241 = arith.select %gt3A_1237, %broadcast_in_dim3A_1240, %select_n3A_1230 : vector<16xi1>, vector<16xi32>
    %eq3A_1242 = arith.constant 6 : i32
    %eq3A_1243 = vector.broadcast %eq3A_1242 : i32 to vector<16xi32>
    %eq3A_1244 = arith.cmpi eq, %select_n3A_1171, %eq3A_1243 : vector<16xi32>
    %jit3A_1245 = arith.constant -1.000000e+00 : f32
    %broadcast_in_dim3A_1246 = vector.broadcast %jit3A_1245 : f32 to vector<16xf32>
    %select_n3A_1247 = arith.select %eq3A_1244, %broadcast_in_dim3A_1246, %div3A_1133 : vector<16xi1>, vector<16xf32>
    %gt3A_1248 = arith.cmpf ogt, %select_n3A_1247, %select_n3A_1238 : vector<16xf32>
    %select_n3A_1249 = arith.select %gt3A_1248, %select_n3A_1247, %select_n3A_1238 : vector<16xi1>, vector<16xf32>
    %jit3A_1250 = arith.constant 6 : i32
    %broadcast_in_dim3A_1251 = vector.broadcast %jit3A_1250 : i32 to vector<16xi32>
    %select_n3A_1252 = arith.select %gt3A_1248, %broadcast_in_dim3A_1251, %select_n3A_1241 : vector<16xi1>, vector<16xi32>
    %eq3A_1253 = arith.constant 7 : i32
    %eq3A_1254 = vector.broadcast %eq3A_1253 : i32 to vector<16xi32>
    %eq3A_1255 = arith.cmpi eq, %select_n3A_1171, %eq3A_1254 : vector<16xi32>
    %jit3A_1256 = arith.constant -1.000000e+00 : f32
    %broadcast_in_dim3A_1257 = vector.broadcast %jit3A_1256 : f32 to vector<16xf32>
    %select_n3A_1258 = arith.select %eq3A_1255, %broadcast_in_dim3A_1257, %div3A_1134 : vector<16xi1>, vector<16xf32>
    %gt3A_1259 = arith.cmpf ogt, %select_n3A_1258, %select_n3A_1249 : vector<16xf32>
    %select_n3A_1260 = arith.select %gt3A_1259, %select_n3A_1258, %select_n3A_1249 : vector<16xi1>, vector<16xf32>
    %jit3A_1261 = arith.constant 7 : i32
    %broadcast_in_dim3A_1262 = vector.broadcast %jit3A_1261 : i32 to vector<16xi32>
    %select_n3A_1263 = arith.select %gt3A_1259, %broadcast_in_dim3A_1262, %select_n3A_1252 : vector<16xi1>, vector<16xi32>
    %eq3A_1264 = arith.constant 0 : i32
    %eq3A_1265 = vector.broadcast %eq3A_1264 : i32 to vector<16xi32>
    %eq3A_1266 = arith.cmpi eq, %select_n3A_1171, %eq3A_1265 : vector<16xi32>
    %jit3A_1267 = arith.constant 0.000000e+00 : f32
    %broadcast_in_dim3A_1268 = vector.broadcast %jit3A_1267 : f32 to vector<16xf32>
    %select_n3A_1269 = arith.select %eq3A_1266, %select_n3A_1168, %broadcast_in_dim3A_1268 : vector<16xi1>, vector<16xf32>
    %add3A_1270 = arith.addf %add3A_967, %select_n3A_1269 : vector<16xf32>
    %eq3A_1271 = arith.constant 0 : i32
    %eq3A_1272 = vector.broadcast %eq3A_1271 : i32 to vector<16xi32>
    %eq3A_1273 = arith.cmpi eq, %select_n3A_1263, %eq3A_1272 : vector<16xi32>
    %jit3A_1274 = arith.constant 0.000000e+00 : f32
    %broadcast_in_dim3A_1275 = vector.broadcast %jit3A_1274 : f32 to vector<16xf32>
    %select_n3A_1276 = arith.select %eq3A_1273, %select_n3A_1260, %broadcast_in_dim3A_1275 : vector<16xi1>, vector<16xf32>
    %add3A_1277 = arith.addf %add3A_974, %select_n3A_1276 : vector<16xf32>
    %eq3A_1278 = arith.constant 1 : i32
    %eq3A_1279 = vector.broadcast %eq3A_1278 : i32 to vector<16xi32>
    %eq3A_1280 = arith.cmpi eq, %select_n3A_1171, %eq3A_1279 : vector<16xi32>
    %jit3A_1281 = arith.constant 0.000000e+00 : f32
    %broadcast_in_dim3A_1282 = vector.broadcast %jit3A_1281 : f32 to vector<16xf32>
    %select_n3A_1283 = arith.select %eq3A_1280, %select_n3A_1168, %broadcast_in_dim3A_1282 : vector<16xi1>, vector<16xf32>
    %add3A_1284 = arith.addf %add3A_981, %select_n3A_1283 : vector<16xf32>
    %eq3A_1285 = arith.constant 1 : i32
    %eq3A_1286 = vector.broadcast %eq3A_1285 : i32 to vector<16xi32>
    %eq3A_1287 = arith.cmpi eq, %select_n3A_1263, %eq3A_1286 : vector<16xi32>
    %jit3A_1288 = arith.constant 0.000000e+00 : f32
    %broadcast_in_dim3A_1289 = vector.broadcast %jit3A_1288 : f32 to vector<16xf32>
    %select_n3A_1290 = arith.select %eq3A_1287, %select_n3A_1260, %broadcast_in_dim3A_1289 : vector<16xi1>, vector<16xf32>
    %add3A_1291 = arith.addf %add3A_988, %select_n3A_1290 : vector<16xf32>
    %eq3A_1292 = arith.constant 2 : i32
    %eq3A_1293 = vector.broadcast %eq3A_1292 : i32 to vector<16xi32>
    %eq3A_1294 = arith.cmpi eq, %select_n3A_1171, %eq3A_1293 : vector<16xi32>
    %jit3A_1295 = arith.constant 0.000000e+00 : f32
    %broadcast_in_dim3A_1296 = vector.broadcast %jit3A_1295 : f32 to vector<16xf32>
    %select_n3A_1297 = arith.select %eq3A_1294, %select_n3A_1168, %broadcast_in_dim3A_1296 : vector<16xi1>, vector<16xf32>
    %add3A_1298 = arith.addf %add3A_995, %select_n3A_1297 : vector<16xf32>
    %eq3A_1299 = arith.constant 2 : i32
    %eq3A_1300 = vector.broadcast %eq3A_1299 : i32 to vector<16xi32>
    %eq3A_1301 = arith.cmpi eq, %select_n3A_1263, %eq3A_1300 : vector<16xi32>
    %jit3A_1302 = arith.constant 0.000000e+00 : f32
    %broadcast_in_dim3A_1303 = vector.broadcast %jit3A_1302 : f32 to vector<16xf32>
    %select_n3A_1304 = arith.select %eq3A_1301, %select_n3A_1260, %broadcast_in_dim3A_1303 : vector<16xi1>, vector<16xf32>
    %add3A_1305 = arith.addf %add3A_1002, %select_n3A_1304 : vector<16xf32>
    %eq3A_1306 = arith.constant 3 : i32
    %eq3A_1307 = vector.broadcast %eq3A_1306 : i32 to vector<16xi32>
    %eq3A_1308 = arith.cmpi eq, %select_n3A_1171, %eq3A_1307 : vector<16xi32>
    %jit3A_1309 = arith.constant 0.000000e+00 : f32
    %broadcast_in_dim3A_1310 = vector.broadcast %jit3A_1309 : f32 to vector<16xf32>
    %select_n3A_1311 = arith.select %eq3A_1308, %select_n3A_1168, %broadcast_in_dim3A_1310 : vector<16xi1>, vector<16xf32>
    %add3A_1312 = arith.addf %add3A_1009, %select_n3A_1311 : vector<16xf32>
    %eq3A_1313 = arith.constant 3 : i32
    %eq3A_1314 = vector.broadcast %eq3A_1313 : i32 to vector<16xi32>
    %eq3A_1315 = arith.cmpi eq, %select_n3A_1263, %eq3A_1314 : vector<16xi32>
    %jit3A_1316 = arith.constant 0.000000e+00 : f32
    %broadcast_in_dim3A_1317 = vector.broadcast %jit3A_1316 : f32 to vector<16xf32>
    %select_n3A_1318 = arith.select %eq3A_1315, %select_n3A_1260, %broadcast_in_dim3A_1317 : vector<16xi1>, vector<16xf32>
    %add3A_1319 = arith.addf %add3A_1016, %select_n3A_1318 : vector<16xf32>
    %eq3A_1320 = arith.constant 4 : i32
    %eq3A_1321 = vector.broadcast %eq3A_1320 : i32 to vector<16xi32>
    %eq3A_1322 = arith.cmpi eq, %select_n3A_1171, %eq3A_1321 : vector<16xi32>
    %jit3A_1323 = arith.constant 0.000000e+00 : f32
    %broadcast_in_dim3A_1324 = vector.broadcast %jit3A_1323 : f32 to vector<16xf32>
    %select_n3A_1325 = arith.select %eq3A_1322, %select_n3A_1168, %broadcast_in_dim3A_1324 : vector<16xi1>, vector<16xf32>
    %add3A_1326 = arith.addf %add3A_1023, %select_n3A_1325 : vector<16xf32>
    %eq3A_1327 = arith.constant 4 : i32
    %eq3A_1328 = vector.broadcast %eq3A_1327 : i32 to vector<16xi32>
    %eq3A_1329 = arith.cmpi eq, %select_n3A_1263, %eq3A_1328 : vector<16xi32>
    %jit3A_1330 = arith.constant 0.000000e+00 : f32
    %broadcast_in_dim3A_1331 = vector.broadcast %jit3A_1330 : f32 to vector<16xf32>
    %select_n3A_1332 = arith.select %eq3A_1329, %select_n3A_1260, %broadcast_in_dim3A_1331 : vector<16xi1>, vector<16xf32>
    %add3A_1333 = arith.addf %add3A_1030, %select_n3A_1332 : vector<16xf32>
    %eq3A_1334 = arith.constant 5 : i32
    %eq3A_1335 = vector.broadcast %eq3A_1334 : i32 to vector<16xi32>
    %eq3A_1336 = arith.cmpi eq, %select_n3A_1171, %eq3A_1335 : vector<16xi32>
    %jit3A_1337 = arith.constant 0.000000e+00 : f32
    %broadcast_in_dim3A_1338 = vector.broadcast %jit3A_1337 : f32 to vector<16xf32>
    %select_n3A_1339 = arith.select %eq3A_1336, %select_n3A_1168, %broadcast_in_dim3A_1338 : vector<16xi1>, vector<16xf32>
    %add3A_1340 = arith.addf %add3A_1037, %select_n3A_1339 : vector<16xf32>
    %eq3A_1341 = arith.constant 5 : i32
    %eq3A_1342 = vector.broadcast %eq3A_1341 : i32 to vector<16xi32>
    %eq3A_1343 = arith.cmpi eq, %select_n3A_1263, %eq3A_1342 : vector<16xi32>
    %jit3A_1344 = arith.constant 0.000000e+00 : f32
    %broadcast_in_dim3A_1345 = vector.broadcast %jit3A_1344 : f32 to vector<16xf32>
    %select_n3A_1346 = arith.select %eq3A_1343, %select_n3A_1260, %broadcast_in_dim3A_1345 : vector<16xi1>, vector<16xf32>
    %add3A_1347 = arith.addf %add3A_1044, %select_n3A_1346 : vector<16xf32>
    %eq3A_1348 = arith.constant 6 : i32
    %eq3A_1349 = vector.broadcast %eq3A_1348 : i32 to vector<16xi32>
    %eq3A_1350 = arith.cmpi eq, %select_n3A_1171, %eq3A_1349 : vector<16xi32>
    %jit3A_1351 = arith.constant 0.000000e+00 : f32
    %broadcast_in_dim3A_1352 = vector.broadcast %jit3A_1351 : f32 to vector<16xf32>
    %select_n3A_1353 = arith.select %eq3A_1350, %select_n3A_1168, %broadcast_in_dim3A_1352 : vector<16xi1>, vector<16xf32>
    %add3A_1354 = arith.addf %add3A_1051, %select_n3A_1353 : vector<16xf32>
    %eq3A_1355 = arith.constant 6 : i32
    %eq3A_1356 = vector.broadcast %eq3A_1355 : i32 to vector<16xi32>
    %eq3A_1357 = arith.cmpi eq, %select_n3A_1263, %eq3A_1356 : vector<16xi32>
    %jit3A_1358 = arith.constant 0.000000e+00 : f32
    %broadcast_in_dim3A_1359 = vector.broadcast %jit3A_1358 : f32 to vector<16xf32>
    %select_n3A_1360 = arith.select %eq3A_1357, %select_n3A_1260, %broadcast_in_dim3A_1359 : vector<16xi1>, vector<16xf32>
    %add3A_1361 = arith.addf %add3A_1058, %select_n3A_1360 : vector<16xf32>
    %eq3A_1362 = arith.constant 7 : i32
    %eq3A_1363 = vector.broadcast %eq3A_1362 : i32 to vector<16xi32>
    %eq3A_1364 = arith.cmpi eq, %select_n3A_1171, %eq3A_1363 : vector<16xi32>
    %jit3A_1365 = arith.constant 0.000000e+00 : f32
    %broadcast_in_dim3A_1366 = vector.broadcast %jit3A_1365 : f32 to vector<16xf32>
    %select_n3A_1367 = arith.select %eq3A_1364, %select_n3A_1168, %broadcast_in_dim3A_1366 : vector<16xi1>, vector<16xf32>
    %add3A_1368 = arith.addf %add3A_1065, %select_n3A_1367 : vector<16xf32>
    %eq3A_1369 = arith.constant 7 : i32
    %eq3A_1370 = vector.broadcast %eq3A_1369 : i32 to vector<16xi32>
    %eq3A_1371 = arith.cmpi eq, %select_n3A_1263, %eq3A_1370 : vector<16xi32>
    %jit3A_1372 = arith.constant 0.000000e+00 : f32
    %broadcast_in_dim3A_1373 = vector.broadcast %jit3A_1372 : f32 to vector<16xf32>
    %select_n3A_1374 = arith.select %eq3A_1371, %select_n3A_1260, %broadcast_in_dim3A_1373 : vector<16xi1>, vector<16xf32>
    %add3A_1375 = arith.addf %add3A_1072, %select_n3A_1374 : vector<16xf32>
    %get3A_1376 = arith.constant 64 : index
    %get3A_1377 = tpu.vector_load %arg4[%get3A_1376] {strides = array<i32>} : memref<1024xf32, #tpu.memory_space<vmem>>, vector<16xf32>,
    %get3A_1378 = vector.shape_cast %get3A_1377 : vector<16xf32> to vector<16xf32>
    %get3A_1379 = arith.constant 192 : index
    %get3A_1380 = tpu.vector_load %arg4[%get3A_1379] {strides = array<i32>} : memref<1024xf32, #tpu.memory_space<vmem>>, vector<16xf32>,
    %get3A_1381 = vector.shape_cast %get3A_1380 : vector<16xf32> to vector<16xf32>
    %get3A_1382 = arith.constant 320 : index
    %get3A_1383 = tpu.vector_load %arg4[%get3A_1382] {strides = array<i32>} : memref<1024xf32, #tpu.memory_space<vmem>>, vector<16xf32>,
    %get3A_1384 = vector.shape_cast %get3A_1383 : vector<16xf32> to vector<16xf32>
    %get3A_1385 = arith.constant 448 : index
    %get3A_1386 = tpu.vector_load %arg4[%get3A_1385] {strides = array<i32>} : memref<1024xf32, #tpu.memory_space<vmem>>, vector<16xf32>,
    %get3A_1387 = vector.shape_cast %get3A_1386 : vector<16xf32> to vector<16xf32>
    %get3A_1388 = arith.constant 576 : index
    %get3A_1389 = tpu.vector_load %arg4[%get3A_1388] {strides = array<i32>} : memref<1024xf32, #tpu.memory_space<vmem>>, vector<16xf32>,
    %get3A_1390 = vector.shape_cast %get3A_1389 : vector<16xf32> to vector<16xf32>
    %get3A_1391 = arith.constant 704 : index
    %get3A_1392 = tpu.vector_load %arg4[%get3A_1391] {strides = array<i32>} : memref<1024xf32, #tpu.memory_space<vmem>>, vector<16xf32>,
    %get3A_1393 = vector.shape_cast %get3A_1392 : vector<16xf32> to vector<16xf32>
    %get3A_1394 = arith.constant 832 : index
    %get3A_1395 = tpu.vector_load %arg4[%get3A_1394] {strides = array<i32>} : memref<1024xf32, #tpu.memory_space<vmem>>, vector<16xf32>,
    %get3A_1396 = vector.shape_cast %get3A_1395 : vector<16xf32> to vector<16xf32>
    %get3A_1397 = arith.constant 960 : index
    %get3A_1398 = tpu.vector_load %arg4[%get3A_1397] {strides = array<i32>} : memref<1024xf32, #tpu.memory_space<vmem>>, vector<16xf32>,
    %get3A_1399 = vector.shape_cast %get3A_1398 : vector<16xf32> to vector<16xf32>
    %max3A_1400 = arith.maximumf %get3A_1378, %get3A_1381 : vector<16xf32>
    %max3A_1401 = arith.maximumf %max3A_1400, %get3A_1384 : vector<16xf32>
    %max3A_1402 = arith.maximumf %max3A_1401, %get3A_1387 : vector<16xf32>
    %max3A_1403 = arith.maximumf %max3A_1402, %get3A_1390 : vector<16xf32>
    %max3A_1404 = arith.maximumf %max3A_1403, %get3A_1393 : vector<16xf32>
    %max3A_1405 = arith.maximumf %max3A_1404, %get3A_1396 : vector<16xf32>
    %max3A_1406 = arith.maximumf %max3A_1405, %get3A_1399 : vector<16xf32>
    %sub3A_1407 = arith.subf %get3A_1378, %max3A_1406 : vector<16xf32>
    %exp3A_1408 = math.exp %sub3A_1407 : vector<16xf32>
    %sub3A_1409 = arith.subf %get3A_1381, %max3A_1406 : vector<16xf32>
    %exp3A_1410 = math.exp %sub3A_1409 : vector<16xf32>
    %sub3A_1411 = arith.subf %get3A_1384, %max3A_1406 : vector<16xf32>
    %exp3A_1412 = math.exp %sub3A_1411 : vector<16xf32>
    %sub3A_1413 = arith.subf %get3A_1387, %max3A_1406 : vector<16xf32>
    %exp3A_1414 = math.exp %sub3A_1413 : vector<16xf32>
    %sub3A_1415 = arith.subf %get3A_1390, %max3A_1406 : vector<16xf32>
    %exp3A_1416 = math.exp %sub3A_1415 : vector<16xf32>
    %sub3A_1417 = arith.subf %get3A_1393, %max3A_1406 : vector<16xf32>
    %exp3A_1418 = math.exp %sub3A_1417 : vector<16xf32>
    %sub3A_1419 = arith.subf %get3A_1396, %max3A_1406 : vector<16xf32>
    %exp3A_1420 = math.exp %sub3A_1419 : vector<16xf32>
    %sub3A_1421 = arith.subf %get3A_1399, %max3A_1406 : vector<16xf32>
    %exp3A_1422 = math.exp %sub3A_1421 : vector<16xf32>
    %add3A_1423 = arith.addf %exp3A_1408, %exp3A_1410 : vector<16xf32>
    %add3A_1424 = arith.addf %add3A_1423, %exp3A_1412 : vector<16xf32>
    %add3A_1425 = arith.addf %add3A_1424, %exp3A_1414 : vector<16xf32>
    %add3A_1426 = arith.addf %add3A_1425, %exp3A_1416 : vector<16xf32>
    %add3A_1427 = arith.addf %add3A_1426, %exp3A_1418 : vector<16xf32>
    %add3A_1428 = arith.addf %add3A_1427, %exp3A_1420 : vector<16xf32>
    %add3A_1429 = arith.addf %add3A_1428, %exp3A_1422 : vector<16xf32>
    %div3A_1430 = arith.divf %exp3A_1408, %add3A_1429 : vector<16xf32>
    %div3A_1431 = arith.divf %exp3A_1410, %add3A_1429 : vector<16xf32>
    %div3A_1432 = arith.divf %exp3A_1412, %add3A_1429 : vector<16xf32>
    %div3A_1433 = arith.divf %exp3A_1414, %add3A_1429 : vector<16xf32>
    %div3A_1434 = arith.divf %exp3A_1416, %add3A_1429 : vector<16xf32>
    %div3A_1435 = arith.divf %exp3A_1418, %add3A_1429 : vector<16xf32>
    %div3A_1436 = arith.divf %exp3A_1420, %add3A_1429 : vector<16xf32>
    %div3A_1437 = arith.divf %exp3A_1422, %add3A_1429 : vector<16xf32>
    %broadcast_in_dim3A_1438 = arith.constant 0 : i32
    %broadcast_in_dim3A_1439 = vector.broadcast %broadcast_in_dim3A_1438 : i32 to vector<16xi32>
    %gt3A_1440 = arith.cmpf ogt, %div3A_1431, %div3A_1430 : vector<16xf32>
    %select_n3A_1441 = arith.select %gt3A_1440, %div3A_1431, %div3A_1430 : vector<16xi1>, vector<16xf32>
    %jit3A_1442 = arith.constant 1 : i32
    %broadcast_in_dim3A_1443 = vector.broadcast %jit3A_1442 : i32 to vector<16xi32>
    %select_n3A_1444 = arith.select %gt3A_1440, %broadcast_in_dim3A_1443, %broadcast_in_dim3A_1439 : vector<16xi1>, vector<16xi32>
    %gt3A_1445 = arith.cmpf ogt, %div3A_1432, %select_n3A_1441 : vector<16xf32>
    %select_n3A_1446 = arith.select %gt3A_1445, %div3A_1432, %select_n3A_1441 : vector<16xi1>, vector<16xf32>
    %jit3A_1447 = arith.constant 2 : i32
    %broadcast_in_dim3A_1448 = vector.broadcast %jit3A_1447 : i32 to vector<16xi32>
    %select_n3A_1449 = arith.select %gt3A_1445, %broadcast_in_dim3A_1448, %select_n3A_1444 : vector<16xi1>, vector<16xi32>
    %gt3A_1450 = arith.cmpf ogt, %div3A_1433, %select_n3A_1446 : vector<16xf32>
    %select_n3A_1451 = arith.select %gt3A_1450, %div3A_1433, %select_n3A_1446 : vector<16xi1>, vector<16xf32>
    %jit3A_1452 = arith.constant 3 : i32
    %broadcast_in_dim3A_1453 = vector.broadcast %jit3A_1452 : i32 to vector<16xi32>
    %select_n3A_1454 = arith.select %gt3A_1450, %broadcast_in_dim3A_1453, %select_n3A_1449 : vector<16xi1>, vector<16xi32>
    %gt3A_1455 = arith.cmpf ogt, %div3A_1434, %select_n3A_1451 : vector<16xf32>
    %select_n3A_1456 = arith.select %gt3A_1455, %div3A_1434, %select_n3A_1451 : vector<16xi1>, vector<16xf32>
    %jit3A_1457 = arith.constant 4 : i32
    %broadcast_in_dim3A_1458 = vector.broadcast %jit3A_1457 : i32 to vector<16xi32>
    %select_n3A_1459 = arith.select %gt3A_1455, %broadcast_in_dim3A_1458, %select_n3A_1454 : vector<16xi1>, vector<16xi32>
    %gt3A_1460 = arith.cmpf ogt, %div3A_1435, %select_n3A_1456 : vector<16xf32>
    %select_n3A_1461 = arith.select %gt3A_1460, %div3A_1435, %select_n3A_1456 : vector<16xi1>, vector<16xf32>
    %jit3A_1462 = arith.constant 5 : i32
    %broadcast_in_dim3A_1463 = vector.broadcast %jit3A_1462 : i32 to vector<16xi32>
    %select_n3A_1464 = arith.select %gt3A_1460, %broadcast_in_dim3A_1463, %select_n3A_1459 : vector<16xi1>, vector<16xi32>
    %gt3A_1465 = arith.cmpf ogt, %div3A_1436, %select_n3A_1461 : vector<16xf32>
    %select_n3A_1466 = arith.select %gt3A_1465, %div3A_1436, %select_n3A_1461 : vector<16xi1>, vector<16xf32>
    %jit3A_1467 = arith.constant 6 : i32
    %broadcast_in_dim3A_1468 = vector.broadcast %jit3A_1467 : i32 to vector<16xi32>
    %select_n3A_1469 = arith.select %gt3A_1465, %broadcast_in_dim3A_1468, %select_n3A_1464 : vector<16xi1>, vector<16xi32>
    %gt3A_1470 = arith.cmpf ogt, %div3A_1437, %select_n3A_1466 : vector<16xf32>
    %select_n3A_1471 = arith.select %gt3A_1470, %div3A_1437, %select_n3A_1466 : vector<16xi1>, vector<16xf32>
    %jit3A_1472 = arith.constant 7 : i32
    %broadcast_in_dim3A_1473 = vector.broadcast %jit3A_1472 : i32 to vector<16xi32>
    %select_n3A_1474 = arith.select %gt3A_1470, %broadcast_in_dim3A_1473, %select_n3A_1469 : vector<16xi1>, vector<16xi32>
    %broadcast_in_dim3A_1475 = arith.constant -1.000000e+00 : f32
    %broadcast_in_dim3A_1476 = vector.broadcast %broadcast_in_dim3A_1475 : f32 to vector<16xf32>
    %broadcast_in_dim3A_1477 = arith.constant 0 : i32
    %broadcast_in_dim3A_1478 = vector.broadcast %broadcast_in_dim3A_1477 : i32 to vector<16xi32>
    %eq3A_1479 = arith.constant 0 : i32
    %eq3A_1480 = vector.broadcast %eq3A_1479 : i32 to vector<16xi32>
    %eq3A_1481 = arith.cmpi eq, %select_n3A_1474, %eq3A_1480 : vector<16xi32>
    %jit3A_1482 = arith.constant -1.000000e+00 : f32
    %broadcast_in_dim3A_1483 = vector.broadcast %jit3A_1482 : f32 to vector<16xf32>
    %select_n3A_1484 = arith.select %eq3A_1481, %broadcast_in_dim3A_1483, %div3A_1430 : vector<16xi1>, vector<16xf32>
    %gt3A_1485 = arith.cmpf ogt, %select_n3A_1484, %broadcast_in_dim3A_1476 : vector<16xf32>
    %select_n3A_1486 = arith.select %gt3A_1485, %select_n3A_1484, %broadcast_in_dim3A_1476 : vector<16xi1>, vector<16xf32>
    %jit3A_1487 = arith.constant 0 : i32
    %broadcast_in_dim3A_1488 = vector.broadcast %jit3A_1487 : i32 to vector<16xi32>
    %select_n3A_1489 = arith.select %gt3A_1485, %broadcast_in_dim3A_1488, %broadcast_in_dim3A_1478 : vector<16xi1>, vector<16xi32>
    %eq3A_1490 = arith.constant 1 : i32
    %eq3A_1491 = vector.broadcast %eq3A_1490 : i32 to vector<16xi32>
    %eq3A_1492 = arith.cmpi eq, %select_n3A_1474, %eq3A_1491 : vector<16xi32>
    %jit3A_1493 = arith.constant -1.000000e+00 : f32
    %broadcast_in_dim3A_1494 = vector.broadcast %jit3A_1493 : f32 to vector<16xf32>
    %select_n3A_1495 = arith.select %eq3A_1492, %broadcast_in_dim3A_1494, %div3A_1431 : vector<16xi1>, vector<16xf32>
    %gt3A_1496 = arith.cmpf ogt, %select_n3A_1495, %select_n3A_1486 : vector<16xf32>
    %select_n3A_1497 = arith.select %gt3A_1496, %select_n3A_1495, %select_n3A_1486 : vector<16xi1>, vector<16xf32>
    %jit3A_1498 = arith.constant 1 : i32
    %broadcast_in_dim3A_1499 = vector.broadcast %jit3A_1498 : i32 to vector<16xi32>
    %select_n3A_1500 = arith.select %gt3A_1496, %broadcast_in_dim3A_1499, %select_n3A_1489 : vector<16xi1>, vector<16xi32>
    %eq3A_1501 = arith.constant 2 : i32
    %eq3A_1502 = vector.broadcast %eq3A_1501 : i32 to vector<16xi32>
    %eq3A_1503 = arith.cmpi eq, %select_n3A_1474, %eq3A_1502 : vector<16xi32>
    %jit3A_1504 = arith.constant -1.000000e+00 : f32
    %broadcast_in_dim3A_1505 = vector.broadcast %jit3A_1504 : f32 to vector<16xf32>
    %select_n3A_1506 = arith.select %eq3A_1503, %broadcast_in_dim3A_1505, %div3A_1432 : vector<16xi1>, vector<16xf32>
    %gt3A_1507 = arith.cmpf ogt, %select_n3A_1506, %select_n3A_1497 : vector<16xf32>
    %select_n3A_1508 = arith.select %gt3A_1507, %select_n3A_1506, %select_n3A_1497 : vector<16xi1>, vector<16xf32>
    %jit3A_1509 = arith.constant 2 : i32
    %broadcast_in_dim3A_1510 = vector.broadcast %jit3A_1509 : i32 to vector<16xi32>
    %select_n3A_1511 = arith.select %gt3A_1507, %broadcast_in_dim3A_1510, %select_n3A_1500 : vector<16xi1>, vector<16xi32>
    %eq3A_1512 = arith.constant 3 : i32
    %eq3A_1513 = vector.broadcast %eq3A_1512 : i32 to vector<16xi32>
    %eq3A_1514 = arith.cmpi eq, %select_n3A_1474, %eq3A_1513 : vector<16xi32>
    %jit3A_1515 = arith.constant -1.000000e+00 : f32
    %broadcast_in_dim3A_1516 = vector.broadcast %jit3A_1515 : f32 to vector<16xf32>
    %select_n3A_1517 = arith.select %eq3A_1514, %broadcast_in_dim3A_1516, %div3A_1433 : vector<16xi1>, vector<16xf32>
    %gt3A_1518 = arith.cmpf ogt, %select_n3A_1517, %select_n3A_1508 : vector<16xf32>
    %select_n3A_1519 = arith.select %gt3A_1518, %select_n3A_1517, %select_n3A_1508 : vector<16xi1>, vector<16xf32>
    %jit3A_1520 = arith.constant 3 : i32
    %broadcast_in_dim3A_1521 = vector.broadcast %jit3A_1520 : i32 to vector<16xi32>
    %select_n3A_1522 = arith.select %gt3A_1518, %broadcast_in_dim3A_1521, %select_n3A_1511 : vector<16xi1>, vector<16xi32>
    %eq3A_1523 = arith.constant 4 : i32
    %eq3A_1524 = vector.broadcast %eq3A_1523 : i32 to vector<16xi32>
    %eq3A_1525 = arith.cmpi eq, %select_n3A_1474, %eq3A_1524 : vector<16xi32>
    %jit3A_1526 = arith.constant -1.000000e+00 : f32
    %broadcast_in_dim3A_1527 = vector.broadcast %jit3A_1526 : f32 to vector<16xf32>
    %select_n3A_1528 = arith.select %eq3A_1525, %broadcast_in_dim3A_1527, %div3A_1434 : vector<16xi1>, vector<16xf32>
    %gt3A_1529 = arith.cmpf ogt, %select_n3A_1528, %select_n3A_1519 : vector<16xf32>
    %select_n3A_1530 = arith.select %gt3A_1529, %select_n3A_1528, %select_n3A_1519 : vector<16xi1>, vector<16xf32>
    %jit3A_1531 = arith.constant 4 : i32
    %broadcast_in_dim3A_1532 = vector.broadcast %jit3A_1531 : i32 to vector<16xi32>
    %select_n3A_1533 = arith.select %gt3A_1529, %broadcast_in_dim3A_1532, %select_n3A_1522 : vector<16xi1>, vector<16xi32>
    %eq3A_1534 = arith.constant 5 : i32
    %eq3A_1535 = vector.broadcast %eq3A_1534 : i32 to vector<16xi32>
    %eq3A_1536 = arith.cmpi eq, %select_n3A_1474, %eq3A_1535 : vector<16xi32>
    %jit3A_1537 = arith.constant -1.000000e+00 : f32
    %broadcast_in_dim3A_1538 = vector.broadcast %jit3A_1537 : f32 to vector<16xf32>
    %select_n3A_1539 = arith.select %eq3A_1536, %broadcast_in_dim3A_1538, %div3A_1435 : vector<16xi1>, vector<16xf32>
    %gt3A_1540 = arith.cmpf ogt, %select_n3A_1539, %select_n3A_1530 : vector<16xf32>
    %select_n3A_1541 = arith.select %gt3A_1540, %select_n3A_1539, %select_n3A_1530 : vector<16xi1>, vector<16xf32>
    %jit3A_1542 = arith.constant 5 : i32
    %broadcast_in_dim3A_1543 = vector.broadcast %jit3A_1542 : i32 to vector<16xi32>
    %select_n3A_1544 = arith.select %gt3A_1540, %broadcast_in_dim3A_1543, %select_n3A_1533 : vector<16xi1>, vector<16xi32>
    %eq3A_1545 = arith.constant 6 : i32
    %eq3A_1546 = vector.broadcast %eq3A_1545 : i32 to vector<16xi32>
    %eq3A_1547 = arith.cmpi eq, %select_n3A_1474, %eq3A_1546 : vector<16xi32>
    %jit3A_1548 = arith.constant -1.000000e+00 : f32
    %broadcast_in_dim3A_1549 = vector.broadcast %jit3A_1548 : f32 to vector<16xf32>
    %select_n3A_1550 = arith.select %eq3A_1547, %broadcast_in_dim3A_1549, %div3A_1436 : vector<16xi1>, vector<16xf32>
    %gt3A_1551 = arith.cmpf ogt, %select_n3A_1550, %select_n3A_1541 : vector<16xf32>
    %select_n3A_1552 = arith.select %gt3A_1551, %select_n3A_1550, %select_n3A_1541 : vector<16xi1>, vector<16xf32>
    %jit3A_1553 = arith.constant 6 : i32
    %broadcast_in_dim3A_1554 = vector.broadcast %jit3A_1553 : i32 to vector<16xi32>
    %select_n3A_1555 = arith.select %gt3A_1551, %broadcast_in_dim3A_1554, %select_n3A_1544 : vector<16xi1>, vector<16xi32>
    %eq3A_1556 = arith.constant 7 : i32
    %eq3A_1557 = vector.broadcast %eq3A_1556 : i32 to vector<16xi32>
    %eq3A_1558 = arith.cmpi eq, %select_n3A_1474, %eq3A_1557 : vector<16xi32>
    %jit3A_1559 = arith.constant -1.000000e+00 : f32
    %broadcast_in_dim3A_1560 = vector.broadcast %jit3A_1559 : f32 to vector<16xf32>
    %select_n3A_1561 = arith.select %eq3A_1558, %broadcast_in_dim3A_1560, %div3A_1437 : vector<16xi1>, vector<16xf32>
    %gt3A_1562 = arith.cmpf ogt, %select_n3A_1561, %select_n3A_1552 : vector<16xf32>
    %select_n3A_1563 = arith.select %gt3A_1562, %select_n3A_1561, %select_n3A_1552 : vector<16xi1>, vector<16xf32>
    %jit3A_1564 = arith.constant 7 : i32
    %broadcast_in_dim3A_1565 = vector.broadcast %jit3A_1564 : i32 to vector<16xi32>
    %select_n3A_1566 = arith.select %gt3A_1562, %broadcast_in_dim3A_1565, %select_n3A_1555 : vector<16xi1>, vector<16xi32>
    %eq3A_1567 = arith.constant 0 : i32
    %eq3A_1568 = vector.broadcast %eq3A_1567 : i32 to vector<16xi32>
    %eq3A_1569 = arith.cmpi eq, %select_n3A_1474, %eq3A_1568 : vector<16xi32>
    %jit3A_1570 = arith.constant 0.000000e+00 : f32
    %broadcast_in_dim3A_1571 = vector.broadcast %jit3A_1570 : f32 to vector<16xf32>
    %select_n3A_1572 = arith.select %eq3A_1569, %select_n3A_1471, %broadcast_in_dim3A_1571 : vector<16xi1>, vector<16xf32>
    %add3A_1573 = arith.addf %add3A_1270, %select_n3A_1572 : vector<16xf32>
    %eq3A_1574 = arith.constant 0 : i32
    %eq3A_1575 = vector.broadcast %eq3A_1574 : i32 to vector<16xi32>
    %eq3A_1576 = arith.cmpi eq, %select_n3A_1566, %eq3A_1575 : vector<16xi32>
    %jit3A_1577 = arith.constant 0.000000e+00 : f32
    %broadcast_in_dim3A_1578 = vector.broadcast %jit3A_1577 : f32 to vector<16xf32>
    %select_n3A_1579 = arith.select %eq3A_1576, %select_n3A_1563, %broadcast_in_dim3A_1578 : vector<16xi1>, vector<16xf32>
    %add3A_1580 = arith.addf %add3A_1277, %select_n3A_1579 : vector<16xf32>
    %eq3A_1581 = arith.constant 1 : i32
    %eq3A_1582 = vector.broadcast %eq3A_1581 : i32 to vector<16xi32>
    %eq3A_1583 = arith.cmpi eq, %select_n3A_1474, %eq3A_1582 : vector<16xi32>
    %jit3A_1584 = arith.constant 0.000000e+00 : f32
    %broadcast_in_dim3A_1585 = vector.broadcast %jit3A_1584 : f32 to vector<16xf32>
    %select_n3A_1586 = arith.select %eq3A_1583, %select_n3A_1471, %broadcast_in_dim3A_1585 : vector<16xi1>, vector<16xf32>
    %add3A_1587 = arith.addf %add3A_1284, %select_n3A_1586 : vector<16xf32>
    %eq3A_1588 = arith.constant 1 : i32
    %eq3A_1589 = vector.broadcast %eq3A_1588 : i32 to vector<16xi32>
    %eq3A_1590 = arith.cmpi eq, %select_n3A_1566, %eq3A_1589 : vector<16xi32>
    %jit3A_1591 = arith.constant 0.000000e+00 : f32
    %broadcast_in_dim3A_1592 = vector.broadcast %jit3A_1591 : f32 to vector<16xf32>
    %select_n3A_1593 = arith.select %eq3A_1590, %select_n3A_1563, %broadcast_in_dim3A_1592 : vector<16xi1>, vector<16xf32>
    %add3A_1594 = arith.addf %add3A_1291, %select_n3A_1593 : vector<16xf32>
    %eq3A_1595 = arith.constant 2 : i32
    %eq3A_1596 = vector.broadcast %eq3A_1595 : i32 to vector<16xi32>
    %eq3A_1597 = arith.cmpi eq, %select_n3A_1474, %eq3A_1596 : vector<16xi32>
    %jit3A_1598 = arith.constant 0.000000e+00 : f32
    %broadcast_in_dim3A_1599 = vector.broadcast %jit3A_1598 : f32 to vector<16xf32>
    %select_n3A_1600 = arith.select %eq3A_1597, %select_n3A_1471, %broadcast_in_dim3A_1599 : vector<16xi1>, vector<16xf32>
    %add3A_1601 = arith.addf %add3A_1298, %select_n3A_1600 : vector<16xf32>
    %eq3A_1602 = arith.constant 2 : i32
    %eq3A_1603 = vector.broadcast %eq3A_1602 : i32 to vector<16xi32>
    %eq3A_1604 = arith.cmpi eq, %select_n3A_1566, %eq3A_1603 : vector<16xi32>
    %jit3A_1605 = arith.constant 0.000000e+00 : f32
    %broadcast_in_dim3A_1606 = vector.broadcast %jit3A_1605 : f32 to vector<16xf32>
    %select_n3A_1607 = arith.select %eq3A_1604, %select_n3A_1563, %broadcast_in_dim3A_1606 : vector<16xi1>, vector<16xf32>
    %add3A_1608 = arith.addf %add3A_1305, %select_n3A_1607 : vector<16xf32>
    %eq3A_1609 = arith.constant 3 : i32
    %eq3A_1610 = vector.broadcast %eq3A_1609 : i32 to vector<16xi32>
    %eq3A_1611 = arith.cmpi eq, %select_n3A_1474, %eq3A_1610 : vector<16xi32>
    %jit3A_1612 = arith.constant 0.000000e+00 : f32
    %broadcast_in_dim3A_1613 = vector.broadcast %jit3A_1612 : f32 to vector<16xf32>
    %select_n3A_1614 = arith.select %eq3A_1611, %select_n3A_1471, %broadcast_in_dim3A_1613 : vector<16xi1>, vector<16xf32>
    %add3A_1615 = arith.addf %add3A_1312, %select_n3A_1614 : vector<16xf32>
    %eq3A_1616 = arith.constant 3 : i32
    %eq3A_1617 = vector.broadcast %eq3A_1616 : i32 to vector<16xi32>
    %eq3A_1618 = arith.cmpi eq, %select_n3A_1566, %eq3A_1617 : vector<16xi32>
    %jit3A_1619 = arith.constant 0.000000e+00 : f32
    %broadcast_in_dim3A_1620 = vector.broadcast %jit3A_1619 : f32 to vector<16xf32>
    %select_n3A_1621 = arith.select %eq3A_1618, %select_n3A_1563, %broadcast_in_dim3A_1620 : vector<16xi1>, vector<16xf32>
    %add3A_1622 = arith.addf %add3A_1319, %select_n3A_1621 : vector<16xf32>
    %eq3A_1623 = arith.constant 4 : i32
    %eq3A_1624 = vector.broadcast %eq3A_1623 : i32 to vector<16xi32>
    %eq3A_1625 = arith.cmpi eq, %select_n3A_1474, %eq3A_1624 : vector<16xi32>
    %jit3A_1626 = arith.constant 0.000000e+00 : f32
    %broadcast_in_dim3A_1627 = vector.broadcast %jit3A_1626 : f32 to vector<16xf32>
    %select_n3A_1628 = arith.select %eq3A_1625, %select_n3A_1471, %broadcast_in_dim3A_1627 : vector<16xi1>, vector<16xf32>
    %add3A_1629 = arith.addf %add3A_1326, %select_n3A_1628 : vector<16xf32>
    %eq3A_1630 = arith.constant 4 : i32
    %eq3A_1631 = vector.broadcast %eq3A_1630 : i32 to vector<16xi32>
    %eq3A_1632 = arith.cmpi eq, %select_n3A_1566, %eq3A_1631 : vector<16xi32>
    %jit3A_1633 = arith.constant 0.000000e+00 : f32
    %broadcast_in_dim3A_1634 = vector.broadcast %jit3A_1633 : f32 to vector<16xf32>
    %select_n3A_1635 = arith.select %eq3A_1632, %select_n3A_1563, %broadcast_in_dim3A_1634 : vector<16xi1>, vector<16xf32>
    %add3A_1636 = arith.addf %add3A_1333, %select_n3A_1635 : vector<16xf32>
    %eq3A_1637 = arith.constant 5 : i32
    %eq3A_1638 = vector.broadcast %eq3A_1637 : i32 to vector<16xi32>
    %eq3A_1639 = arith.cmpi eq, %select_n3A_1474, %eq3A_1638 : vector<16xi32>
    %jit3A_1640 = arith.constant 0.000000e+00 : f32
    %broadcast_in_dim3A_1641 = vector.broadcast %jit3A_1640 : f32 to vector<16xf32>
    %select_n3A_1642 = arith.select %eq3A_1639, %select_n3A_1471, %broadcast_in_dim3A_1641 : vector<16xi1>, vector<16xf32>
    %add3A_1643 = arith.addf %add3A_1340, %select_n3A_1642 : vector<16xf32>
    %eq3A_1644 = arith.constant 5 : i32
    %eq3A_1645 = vector.broadcast %eq3A_1644 : i32 to vector<16xi32>
    %eq3A_1646 = arith.cmpi eq, %select_n3A_1566, %eq3A_1645 : vector<16xi32>
    %jit3A_1647 = arith.constant 0.000000e+00 : f32
    %broadcast_in_dim3A_1648 = vector.broadcast %jit3A_1647 : f32 to vector<16xf32>
    %select_n3A_1649 = arith.select %eq3A_1646, %select_n3A_1563, %broadcast_in_dim3A_1648 : vector<16xi1>, vector<16xf32>
    %add3A_1650 = arith.addf %add3A_1347, %select_n3A_1649 : vector<16xf32>
    %eq3A_1651 = arith.constant 6 : i32
    %eq3A_1652 = vector.broadcast %eq3A_1651 : i32 to vector<16xi32>
    %eq3A_1653 = arith.cmpi eq, %select_n3A_1474, %eq3A_1652 : vector<16xi32>
    %jit3A_1654 = arith.constant 0.000000e+00 : f32
    %broadcast_in_dim3A_1655 = vector.broadcast %jit3A_1654 : f32 to vector<16xf32>
    %select_n3A_1656 = arith.select %eq3A_1653, %select_n3A_1471, %broadcast_in_dim3A_1655 : vector<16xi1>, vector<16xf32>
    %add3A_1657 = arith.addf %add3A_1354, %select_n3A_1656 : vector<16xf32>
    %eq3A_1658 = arith.constant 6 : i32
    %eq3A_1659 = vector.broadcast %eq3A_1658 : i32 to vector<16xi32>
    %eq3A_1660 = arith.cmpi eq, %select_n3A_1566, %eq3A_1659 : vector<16xi32>
    %jit3A_1661 = arith.constant 0.000000e+00 : f32
    %broadcast_in_dim3A_1662 = vector.broadcast %jit3A_1661 : f32 to vector<16xf32>
    %select_n3A_1663 = arith.select %eq3A_1660, %select_n3A_1563, %broadcast_in_dim3A_1662 : vector<16xi1>, vector<16xf32>
    %add3A_1664 = arith.addf %add3A_1361, %select_n3A_1663 : vector<16xf32>
    %eq3A_1665 = arith.constant 7 : i32
    %eq3A_1666 = vector.broadcast %eq3A_1665 : i32 to vector<16xi32>
    %eq3A_1667 = arith.cmpi eq, %select_n3A_1474, %eq3A_1666 : vector<16xi32>
    %jit3A_1668 = arith.constant 0.000000e+00 : f32
    %broadcast_in_dim3A_1669 = vector.broadcast %jit3A_1668 : f32 to vector<16xf32>
    %select_n3A_1670 = arith.select %eq3A_1667, %select_n3A_1471, %broadcast_in_dim3A_1669 : vector<16xi1>, vector<16xf32>
    %add3A_1671 = arith.addf %add3A_1368, %select_n3A_1670 : vector<16xf32>
    %eq3A_1672 = arith.constant 7 : i32
    %eq3A_1673 = vector.broadcast %eq3A_1672 : i32 to vector<16xi32>
    %eq3A_1674 = arith.cmpi eq, %select_n3A_1566, %eq3A_1673 : vector<16xi32>
    %jit3A_1675 = arith.constant 0.000000e+00 : f32
    %broadcast_in_dim3A_1676 = vector.broadcast %jit3A_1675 : f32 to vector<16xf32>
    %select_n3A_1677 = arith.select %eq3A_1674, %select_n3A_1563, %broadcast_in_dim3A_1676 : vector<16xi1>, vector<16xf32>
    %add3A_1678 = arith.addf %add3A_1375, %select_n3A_1677 : vector<16xf32>
    %get3A_1679 = arith.constant 80 : index
    %get3A_1680 = tpu.vector_load %arg4[%get3A_1679] {strides = array<i32>} : memref<1024xf32, #tpu.memory_space<vmem>>, vector<16xf32>,
    %get3A_1681 = vector.shape_cast %get3A_1680 : vector<16xf32> to vector<16xf32>
    %get3A_1682 = arith.constant 208 : index
    %get3A_1683 = tpu.vector_load %arg4[%get3A_1682] {strides = array<i32>} : memref<1024xf32, #tpu.memory_space<vmem>>, vector<16xf32>,
    %get3A_1684 = vector.shape_cast %get3A_1683 : vector<16xf32> to vector<16xf32>
    %get3A_1685 = arith.constant 336 : index
    %get3A_1686 = tpu.vector_load %arg4[%get3A_1685] {strides = array<i32>} : memref<1024xf32, #tpu.memory_space<vmem>>, vector<16xf32>,
    %get3A_1687 = vector.shape_cast %get3A_1686 : vector<16xf32> to vector<16xf32>
    %get3A_1688 = arith.constant 464 : index
    %get3A_1689 = tpu.vector_load %arg4[%get3A_1688] {strides = array<i32>} : memref<1024xf32, #tpu.memory_space<vmem>>, vector<16xf32>,
    %get3A_1690 = vector.shape_cast %get3A_1689 : vector<16xf32> to vector<16xf32>
    %get3A_1691 = arith.constant 592 : index
    %get3A_1692 = tpu.vector_load %arg4[%get3A_1691] {strides = array<i32>} : memref<1024xf32, #tpu.memory_space<vmem>>, vector<16xf32>,
    %get3A_1693 = vector.shape_cast %get3A_1692 : vector<16xf32> to vector<16xf32>
    %get3A_1694 = arith.constant 720 : index
    %get3A_1695 = tpu.vector_load %arg4[%get3A_1694] {strides = array<i32>} : memref<1024xf32, #tpu.memory_space<vmem>>, vector<16xf32>,
    %get3A_1696 = vector.shape_cast %get3A_1695 : vector<16xf32> to vector<16xf32>
    %get3A_1697 = arith.constant 848 : index
    %get3A_1698 = tpu.vector_load %arg4[%get3A_1697] {strides = array<i32>} : memref<1024xf32, #tpu.memory_space<vmem>>, vector<16xf32>,
    %get3A_1699 = vector.shape_cast %get3A_1698 : vector<16xf32> to vector<16xf32>
    %get3A_1700 = arith.constant 976 : index
    %get3A_1701 = tpu.vector_load %arg4[%get3A_1700] {strides = array<i32>} : memref<1024xf32, #tpu.memory_space<vmem>>, vector<16xf32>,
    %get3A_1702 = vector.shape_cast %get3A_1701 : vector<16xf32> to vector<16xf32>
    %max3A_1703 = arith.maximumf %get3A_1681, %get3A_1684 : vector<16xf32>
    %max3A_1704 = arith.maximumf %max3A_1703, %get3A_1687 : vector<16xf32>
    %max3A_1705 = arith.maximumf %max3A_1704, %get3A_1690 : vector<16xf32>
    %max3A_1706 = arith.maximumf %max3A_1705, %get3A_1693 : vector<16xf32>
    %max3A_1707 = arith.maximumf %max3A_1706, %get3A_1696 : vector<16xf32>
    %max3A_1708 = arith.maximumf %max3A_1707, %get3A_1699 : vector<16xf32>
    %max3A_1709 = arith.maximumf %max3A_1708, %get3A_1702 : vector<16xf32>
    %sub3A_1710 = arith.subf %get3A_1681, %max3A_1709 : vector<16xf32>
    %exp3A_1711 = math.exp %sub3A_1710 : vector<16xf32>
    %sub3A_1712 = arith.subf %get3A_1684, %max3A_1709 : vector<16xf32>
    %exp3A_1713 = math.exp %sub3A_1712 : vector<16xf32>
    %sub3A_1714 = arith.subf %get3A_1687, %max3A_1709 : vector<16xf32>
    %exp3A_1715 = math.exp %sub3A_1714 : vector<16xf32>
    %sub3A_1716 = arith.subf %get3A_1690, %max3A_1709 : vector<16xf32>
    %exp3A_1717 = math.exp %sub3A_1716 : vector<16xf32>
    %sub3A_1718 = arith.subf %get3A_1693, %max3A_1709 : vector<16xf32>
    %exp3A_1719 = math.exp %sub3A_1718 : vector<16xf32>
    %sub3A_1720 = arith.subf %get3A_1696, %max3A_1709 : vector<16xf32>
    %exp3A_1721 = math.exp %sub3A_1720 : vector<16xf32>
    %sub3A_1722 = arith.subf %get3A_1699, %max3A_1709 : vector<16xf32>
    %exp3A_1723 = math.exp %sub3A_1722 : vector<16xf32>
    %sub3A_1724 = arith.subf %get3A_1702, %max3A_1709 : vector<16xf32>
    %exp3A_1725 = math.exp %sub3A_1724 : vector<16xf32>
    %add3A_1726 = arith.addf %exp3A_1711, %exp3A_1713 : vector<16xf32>
    %add3A_1727 = arith.addf %add3A_1726, %exp3A_1715 : vector<16xf32>
    %add3A_1728 = arith.addf %add3A_1727, %exp3A_1717 : vector<16xf32>
    %add3A_1729 = arith.addf %add3A_1728, %exp3A_1719 : vector<16xf32>
    %add3A_1730 = arith.addf %add3A_1729, %exp3A_1721 : vector<16xf32>
    %add3A_1731 = arith.addf %add3A_1730, %exp3A_1723 : vector<16xf32>
    %add3A_1732 = arith.addf %add3A_1731, %exp3A_1725 : vector<16xf32>
    %div3A_1733 = arith.divf %exp3A_1711, %add3A_1732 : vector<16xf32>
    %div3A_1734 = arith.divf %exp3A_1713, %add3A_1732 : vector<16xf32>
    %div3A_1735 = arith.divf %exp3A_1715, %add3A_1732 : vector<16xf32>
    %div3A_1736 = arith.divf %exp3A_1717, %add3A_1732 : vector<16xf32>
    %div3A_1737 = arith.divf %exp3A_1719, %add3A_1732 : vector<16xf32>
    %div3A_1738 = arith.divf %exp3A_1721, %add3A_1732 : vector<16xf32>
    %div3A_1739 = arith.divf %exp3A_1723, %add3A_1732 : vector<16xf32>
    %div3A_1740 = arith.divf %exp3A_1725, %add3A_1732 : vector<16xf32>
    %broadcast_in_dim3A_1741 = arith.constant 0 : i32
    %broadcast_in_dim3A_1742 = vector.broadcast %broadcast_in_dim3A_1741 : i32 to vector<16xi32>
    %gt3A_1743 = arith.cmpf ogt, %div3A_1734, %div3A_1733 : vector<16xf32>
    %select_n3A_1744 = arith.select %gt3A_1743, %div3A_1734, %div3A_1733 : vector<16xi1>, vector<16xf32>
    %jit3A_1745 = arith.constant 1 : i32
    %broadcast_in_dim3A_1746 = vector.broadcast %jit3A_1745 : i32 to vector<16xi32>
    %select_n3A_1747 = arith.select %gt3A_1743, %broadcast_in_dim3A_1746, %broadcast_in_dim3A_1742 : vector<16xi1>, vector<16xi32>
    %gt3A_1748 = arith.cmpf ogt, %div3A_1735, %select_n3A_1744 : vector<16xf32>
    %select_n3A_1749 = arith.select %gt3A_1748, %div3A_1735, %select_n3A_1744 : vector<16xi1>, vector<16xf32>
    %jit3A_1750 = arith.constant 2 : i32
    %broadcast_in_dim3A_1751 = vector.broadcast %jit3A_1750 : i32 to vector<16xi32>
    %select_n3A_1752 = arith.select %gt3A_1748, %broadcast_in_dim3A_1751, %select_n3A_1747 : vector<16xi1>, vector<16xi32>
    %gt3A_1753 = arith.cmpf ogt, %div3A_1736, %select_n3A_1749 : vector<16xf32>
    %select_n3A_1754 = arith.select %gt3A_1753, %div3A_1736, %select_n3A_1749 : vector<16xi1>, vector<16xf32>
    %jit3A_1755 = arith.constant 3 : i32
    %broadcast_in_dim3A_1756 = vector.broadcast %jit3A_1755 : i32 to vector<16xi32>
    %select_n3A_1757 = arith.select %gt3A_1753, %broadcast_in_dim3A_1756, %select_n3A_1752 : vector<16xi1>, vector<16xi32>
    %gt3A_1758 = arith.cmpf ogt, %div3A_1737, %select_n3A_1754 : vector<16xf32>
    %select_n3A_1759 = arith.select %gt3A_1758, %div3A_1737, %select_n3A_1754 : vector<16xi1>, vector<16xf32>
    %jit3A_1760 = arith.constant 4 : i32
    %broadcast_in_dim3A_1761 = vector.broadcast %jit3A_1760 : i32 to vector<16xi32>
    %select_n3A_1762 = arith.select %gt3A_1758, %broadcast_in_dim3A_1761, %select_n3A_1757 : vector<16xi1>, vector<16xi32>
    %gt3A_1763 = arith.cmpf ogt, %div3A_1738, %select_n3A_1759 : vector<16xf32>
    %select_n3A_1764 = arith.select %gt3A_1763, %div3A_1738, %select_n3A_1759 : vector<16xi1>, vector<16xf32>
    %jit3A_1765 = arith.constant 5 : i32
    %broadcast_in_dim3A_1766 = vector.broadcast %jit3A_1765 : i32 to vector<16xi32>
    %select_n3A_1767 = arith.select %gt3A_1763, %broadcast_in_dim3A_1766, %select_n3A_1762 : vector<16xi1>, vector<16xi32>
    %gt3A_1768 = arith.cmpf ogt, %div3A_1739, %select_n3A_1764 : vector<16xf32>
    %select_n3A_1769 = arith.select %gt3A_1768, %div3A_1739, %select_n3A_1764 : vector<16xi1>, vector<16xf32>
    %jit3A_1770 = arith.constant 6 : i32
    %broadcast_in_dim3A_1771 = vector.broadcast %jit3A_1770 : i32 to vector<16xi32>
    %select_n3A_1772 = arith.select %gt3A_1768, %broadcast_in_dim3A_1771, %select_n3A_1767 : vector<16xi1>, vector<16xi32>
    %gt3A_1773 = arith.cmpf ogt, %div3A_1740, %select_n3A_1769 : vector<16xf32>
    %select_n3A_1774 = arith.select %gt3A_1773, %div3A_1740, %select_n3A_1769 : vector<16xi1>, vector<16xf32>
    %jit3A_1775 = arith.constant 7 : i32
    %broadcast_in_dim3A_1776 = vector.broadcast %jit3A_1775 : i32 to vector<16xi32>
    %select_n3A_1777 = arith.select %gt3A_1773, %broadcast_in_dim3A_1776, %select_n3A_1772 : vector<16xi1>, vector<16xi32>
    %broadcast_in_dim3A_1778 = arith.constant -1.000000e+00 : f32
    %broadcast_in_dim3A_1779 = vector.broadcast %broadcast_in_dim3A_1778 : f32 to vector<16xf32>
    %broadcast_in_dim3A_1780 = arith.constant 0 : i32
    %broadcast_in_dim3A_1781 = vector.broadcast %broadcast_in_dim3A_1780 : i32 to vector<16xi32>
    %eq3A_1782 = arith.constant 0 : i32
    %eq3A_1783 = vector.broadcast %eq3A_1782 : i32 to vector<16xi32>
    %eq3A_1784 = arith.cmpi eq, %select_n3A_1777, %eq3A_1783 : vector<16xi32>
    %jit3A_1785 = arith.constant -1.000000e+00 : f32
    %broadcast_in_dim3A_1786 = vector.broadcast %jit3A_1785 : f32 to vector<16xf32>
    %select_n3A_1787 = arith.select %eq3A_1784, %broadcast_in_dim3A_1786, %div3A_1733 : vector<16xi1>, vector<16xf32>
    %gt3A_1788 = arith.cmpf ogt, %select_n3A_1787, %broadcast_in_dim3A_1779 : vector<16xf32>
    %select_n3A_1789 = arith.select %gt3A_1788, %select_n3A_1787, %broadcast_in_dim3A_1779 : vector<16xi1>, vector<16xf32>
    %jit3A_1790 = arith.constant 0 : i32
    %broadcast_in_dim3A_1791 = vector.broadcast %jit3A_1790 : i32 to vector<16xi32>
    %select_n3A_1792 = arith.select %gt3A_1788, %broadcast_in_dim3A_1791, %broadcast_in_dim3A_1781 : vector<16xi1>, vector<16xi32>
    %eq3A_1793 = arith.constant 1 : i32
    %eq3A_1794 = vector.broadcast %eq3A_1793 : i32 to vector<16xi32>
    %eq3A_1795 = arith.cmpi eq, %select_n3A_1777, %eq3A_1794 : vector<16xi32>
    %jit3A_1796 = arith.constant -1.000000e+00 : f32
    %broadcast_in_dim3A_1797 = vector.broadcast %jit3A_1796 : f32 to vector<16xf32>
    %select_n3A_1798 = arith.select %eq3A_1795, %broadcast_in_dim3A_1797, %div3A_1734 : vector<16xi1>, vector<16xf32>
    %gt3A_1799 = arith.cmpf ogt, %select_n3A_1798, %select_n3A_1789 : vector<16xf32>
    %select_n3A_1800 = arith.select %gt3A_1799, %select_n3A_1798, %select_n3A_1789 : vector<16xi1>, vector<16xf32>
    %jit3A_1801 = arith.constant 1 : i32
    %broadcast_in_dim3A_1802 = vector.broadcast %jit3A_1801 : i32 to vector<16xi32>
    %select_n3A_1803 = arith.select %gt3A_1799, %broadcast_in_dim3A_1802, %select_n3A_1792 : vector<16xi1>, vector<16xi32>
    %eq3A_1804 = arith.constant 2 : i32
    %eq3A_1805 = vector.broadcast %eq3A_1804 : i32 to vector<16xi32>
    %eq3A_1806 = arith.cmpi eq, %select_n3A_1777, %eq3A_1805 : vector<16xi32>
    %jit3A_1807 = arith.constant -1.000000e+00 : f32
    %broadcast_in_dim3A_1808 = vector.broadcast %jit3A_1807 : f32 to vector<16xf32>
    %select_n3A_1809 = arith.select %eq3A_1806, %broadcast_in_dim3A_1808, %div3A_1735 : vector<16xi1>, vector<16xf32>
    %gt3A_1810 = arith.cmpf ogt, %select_n3A_1809, %select_n3A_1800 : vector<16xf32>
    %select_n3A_1811 = arith.select %gt3A_1810, %select_n3A_1809, %select_n3A_1800 : vector<16xi1>, vector<16xf32>
    %jit3A_1812 = arith.constant 2 : i32
    %broadcast_in_dim3A_1813 = vector.broadcast %jit3A_1812 : i32 to vector<16xi32>
    %select_n3A_1814 = arith.select %gt3A_1810, %broadcast_in_dim3A_1813, %select_n3A_1803 : vector<16xi1>, vector<16xi32>
    %eq3A_1815 = arith.constant 3 : i32
    %eq3A_1816 = vector.broadcast %eq3A_1815 : i32 to vector<16xi32>
    %eq3A_1817 = arith.cmpi eq, %select_n3A_1777, %eq3A_1816 : vector<16xi32>
    %jit3A_1818 = arith.constant -1.000000e+00 : f32
    %broadcast_in_dim3A_1819 = vector.broadcast %jit3A_1818 : f32 to vector<16xf32>
    %select_n3A_1820 = arith.select %eq3A_1817, %broadcast_in_dim3A_1819, %div3A_1736 : vector<16xi1>, vector<16xf32>
    %gt3A_1821 = arith.cmpf ogt, %select_n3A_1820, %select_n3A_1811 : vector<16xf32>
    %select_n3A_1822 = arith.select %gt3A_1821, %select_n3A_1820, %select_n3A_1811 : vector<16xi1>, vector<16xf32>
    %jit3A_1823 = arith.constant 3 : i32
    %broadcast_in_dim3A_1824 = vector.broadcast %jit3A_1823 : i32 to vector<16xi32>
    %select_n3A_1825 = arith.select %gt3A_1821, %broadcast_in_dim3A_1824, %select_n3A_1814 : vector<16xi1>, vector<16xi32>
    %eq3A_1826 = arith.constant 4 : i32
    %eq3A_1827 = vector.broadcast %eq3A_1826 : i32 to vector<16xi32>
    %eq3A_1828 = arith.cmpi eq, %select_n3A_1777, %eq3A_1827 : vector<16xi32>
    %jit3A_1829 = arith.constant -1.000000e+00 : f32
    %broadcast_in_dim3A_1830 = vector.broadcast %jit3A_1829 : f32 to vector<16xf32>
    %select_n3A_1831 = arith.select %eq3A_1828, %broadcast_in_dim3A_1830, %div3A_1737 : vector<16xi1>, vector<16xf32>
    %gt3A_1832 = arith.cmpf ogt, %select_n3A_1831, %select_n3A_1822 : vector<16xf32>
    %select_n3A_1833 = arith.select %gt3A_1832, %select_n3A_1831, %select_n3A_1822 : vector<16xi1>, vector<16xf32>
    %jit3A_1834 = arith.constant 4 : i32
    %broadcast_in_dim3A_1835 = vector.broadcast %jit3A_1834 : i32 to vector<16xi32>
    %select_n3A_1836 = arith.select %gt3A_1832, %broadcast_in_dim3A_1835, %select_n3A_1825 : vector<16xi1>, vector<16xi32>
    %eq3A_1837 = arith.constant 5 : i32
    %eq3A_1838 = vector.broadcast %eq3A_1837 : i32 to vector<16xi32>
    %eq3A_1839 = arith.cmpi eq, %select_n3A_1777, %eq3A_1838 : vector<16xi32>
    %jit3A_1840 = arith.constant -1.000000e+00 : f32
    %broadcast_in_dim3A_1841 = vector.broadcast %jit3A_1840 : f32 to vector<16xf32>
    %select_n3A_1842 = arith.select %eq3A_1839, %broadcast_in_dim3A_1841, %div3A_1738 : vector<16xi1>, vector<16xf32>
    %gt3A_1843 = arith.cmpf ogt, %select_n3A_1842, %select_n3A_1833 : vector<16xf32>
    %select_n3A_1844 = arith.select %gt3A_1843, %select_n3A_1842, %select_n3A_1833 : vector<16xi1>, vector<16xf32>
    %jit3A_1845 = arith.constant 5 : i32
    %broadcast_in_dim3A_1846 = vector.broadcast %jit3A_1845 : i32 to vector<16xi32>
    %select_n3A_1847 = arith.select %gt3A_1843, %broadcast_in_dim3A_1846, %select_n3A_1836 : vector<16xi1>, vector<16xi32>
    %eq3A_1848 = arith.constant 6 : i32
    %eq3A_1849 = vector.broadcast %eq3A_1848 : i32 to vector<16xi32>
    %eq3A_1850 = arith.cmpi eq, %select_n3A_1777, %eq3A_1849 : vector<16xi32>
    %jit3A_1851 = arith.constant -1.000000e+00 : f32
    %broadcast_in_dim3A_1852 = vector.broadcast %jit3A_1851 : f32 to vector<16xf32>
    %select_n3A_1853 = arith.select %eq3A_1850, %broadcast_in_dim3A_1852, %div3A_1739 : vector<16xi1>, vector<16xf32>
    %gt3A_1854 = arith.cmpf ogt, %select_n3A_1853, %select_n3A_1844 : vector<16xf32>
    %select_n3A_1855 = arith.select %gt3A_1854, %select_n3A_1853, %select_n3A_1844 : vector<16xi1>, vector<16xf32>
    %jit3A_1856 = arith.constant 6 : i32
    %broadcast_in_dim3A_1857 = vector.broadcast %jit3A_1856 : i32 to vector<16xi32>
    %select_n3A_1858 = arith.select %gt3A_1854, %broadcast_in_dim3A_1857, %select_n3A_1847 : vector<16xi1>, vector<16xi32>
    %eq3A_1859 = arith.constant 7 : i32
    %eq3A_1860 = vector.broadcast %eq3A_1859 : i32 to vector<16xi32>
    %eq3A_1861 = arith.cmpi eq, %select_n3A_1777, %eq3A_1860 : vector<16xi32>
    %jit3A_1862 = arith.constant -1.000000e+00 : f32
    %broadcast_in_dim3A_1863 = vector.broadcast %jit3A_1862 : f32 to vector<16xf32>
    %select_n3A_1864 = arith.select %eq3A_1861, %broadcast_in_dim3A_1863, %div3A_1740 : vector<16xi1>, vector<16xf32>
    %gt3A_1865 = arith.cmpf ogt, %select_n3A_1864, %select_n3A_1855 : vector<16xf32>
    %select_n3A_1866 = arith.select %gt3A_1865, %select_n3A_1864, %select_n3A_1855 : vector<16xi1>, vector<16xf32>
    %jit3A_1867 = arith.constant 7 : i32
    %broadcast_in_dim3A_1868 = vector.broadcast %jit3A_1867 : i32 to vector<16xi32>
    %select_n3A_1869 = arith.select %gt3A_1865, %broadcast_in_dim3A_1868, %select_n3A_1858 : vector<16xi1>, vector<16xi32>
    %eq3A_1870 = arith.constant 0 : i32
    %eq3A_1871 = vector.broadcast %eq3A_1870 : i32 to vector<16xi32>
    %eq3A_1872 = arith.cmpi eq, %select_n3A_1777, %eq3A_1871 : vector<16xi32>
    %jit3A_1873 = arith.constant 0.000000e+00 : f32
    %broadcast_in_dim3A_1874 = vector.broadcast %jit3A_1873 : f32 to vector<16xf32>
    %select_n3A_1875 = arith.select %eq3A_1872, %select_n3A_1774, %broadcast_in_dim3A_1874 : vector<16xi1>, vector<16xf32>
    %add3A_1876 = arith.addf %add3A_1573, %select_n3A_1875 : vector<16xf32>
    %eq3A_1877 = arith.constant 0 : i32
    %eq3A_1878 = vector.broadcast %eq3A_1877 : i32 to vector<16xi32>
    %eq3A_1879 = arith.cmpi eq, %select_n3A_1869, %eq3A_1878 : vector<16xi32>
    %jit3A_1880 = arith.constant 0.000000e+00 : f32
    %broadcast_in_dim3A_1881 = vector.broadcast %jit3A_1880 : f32 to vector<16xf32>
    %select_n3A_1882 = arith.select %eq3A_1879, %select_n3A_1866, %broadcast_in_dim3A_1881 : vector<16xi1>, vector<16xf32>
    %add3A_1883 = arith.addf %add3A_1580, %select_n3A_1882 : vector<16xf32>
    %eq3A_1884 = arith.constant 1 : i32
    %eq3A_1885 = vector.broadcast %eq3A_1884 : i32 to vector<16xi32>
    %eq3A_1886 = arith.cmpi eq, %select_n3A_1777, %eq3A_1885 : vector<16xi32>
    %jit3A_1887 = arith.constant 0.000000e+00 : f32
    %broadcast_in_dim3A_1888 = vector.broadcast %jit3A_1887 : f32 to vector<16xf32>
    %select_n3A_1889 = arith.select %eq3A_1886, %select_n3A_1774, %broadcast_in_dim3A_1888 : vector<16xi1>, vector<16xf32>
    %add3A_1890 = arith.addf %add3A_1587, %select_n3A_1889 : vector<16xf32>
    %eq3A_1891 = arith.constant 1 : i32
    %eq3A_1892 = vector.broadcast %eq3A_1891 : i32 to vector<16xi32>
    %eq3A_1893 = arith.cmpi eq, %select_n3A_1869, %eq3A_1892 : vector<16xi32>
    %jit3A_1894 = arith.constant 0.000000e+00 : f32
    %broadcast_in_dim3A_1895 = vector.broadcast %jit3A_1894 : f32 to vector<16xf32>
    %select_n3A_1896 = arith.select %eq3A_1893, %select_n3A_1866, %broadcast_in_dim3A_1895 : vector<16xi1>, vector<16xf32>
    %add3A_1897 = arith.addf %add3A_1594, %select_n3A_1896 : vector<16xf32>
    %eq3A_1898 = arith.constant 2 : i32
    %eq3A_1899 = vector.broadcast %eq3A_1898 : i32 to vector<16xi32>
    %eq3A_1900 = arith.cmpi eq, %select_n3A_1777, %eq3A_1899 : vector<16xi32>
    %jit3A_1901 = arith.constant 0.000000e+00 : f32
    %broadcast_in_dim3A_1902 = vector.broadcast %jit3A_1901 : f32 to vector<16xf32>
    %select_n3A_1903 = arith.select %eq3A_1900, %select_n3A_1774, %broadcast_in_dim3A_1902 : vector<16xi1>, vector<16xf32>
    %add3A_1904 = arith.addf %add3A_1601, %select_n3A_1903 : vector<16xf32>
    %eq3A_1905 = arith.constant 2 : i32
    %eq3A_1906 = vector.broadcast %eq3A_1905 : i32 to vector<16xi32>
    %eq3A_1907 = arith.cmpi eq, %select_n3A_1869, %eq3A_1906 : vector<16xi32>
    %jit3A_1908 = arith.constant 0.000000e+00 : f32
    %broadcast_in_dim3A_1909 = vector.broadcast %jit3A_1908 : f32 to vector<16xf32>
    %select_n3A_1910 = arith.select %eq3A_1907, %select_n3A_1866, %broadcast_in_dim3A_1909 : vector<16xi1>, vector<16xf32>
    %add3A_1911 = arith.addf %add3A_1608, %select_n3A_1910 : vector<16xf32>
    %eq3A_1912 = arith.constant 3 : i32
    %eq3A_1913 = vector.broadcast %eq3A_1912 : i32 to vector<16xi32>
    %eq3A_1914 = arith.cmpi eq, %select_n3A_1777, %eq3A_1913 : vector<16xi32>
    %jit3A_1915 = arith.constant 0.000000e+00 : f32
    %broadcast_in_dim3A_1916 = vector.broadcast %jit3A_1915 : f32 to vector<16xf32>
    %select_n3A_1917 = arith.select %eq3A_1914, %select_n3A_1774, %broadcast_in_dim3A_1916 : vector<16xi1>, vector<16xf32>
    %add3A_1918 = arith.addf %add3A_1615, %select_n3A_1917 : vector<16xf32>
    %eq3A_1919 = arith.constant 3 : i32
    %eq3A_1920 = vector.broadcast %eq3A_1919 : i32 to vector<16xi32>
    %eq3A_1921 = arith.cmpi eq, %select_n3A_1869, %eq3A_1920 : vector<16xi32>
    %jit3A_1922 = arith.constant 0.000000e+00 : f32
    %broadcast_in_dim3A_1923 = vector.broadcast %jit3A_1922 : f32 to vector<16xf32>
    %select_n3A_1924 = arith.select %eq3A_1921, %select_n3A_1866, %broadcast_in_dim3A_1923 : vector<16xi1>, vector<16xf32>
    %add3A_1925 = arith.addf %add3A_1622, %select_n3A_1924 : vector<16xf32>
    %eq3A_1926 = arith.constant 4 : i32
    %eq3A_1927 = vector.broadcast %eq3A_1926 : i32 to vector<16xi32>
    %eq3A_1928 = arith.cmpi eq, %select_n3A_1777, %eq3A_1927 : vector<16xi32>
    %jit3A_1929 = arith.constant 0.000000e+00 : f32
    %broadcast_in_dim3A_1930 = vector.broadcast %jit3A_1929 : f32 to vector<16xf32>
    %select_n3A_1931 = arith.select %eq3A_1928, %select_n3A_1774, %broadcast_in_dim3A_1930 : vector<16xi1>, vector<16xf32>
    %add3A_1932 = arith.addf %add3A_1629, %select_n3A_1931 : vector<16xf32>
    %eq3A_1933 = arith.constant 4 : i32
    %eq3A_1934 = vector.broadcast %eq3A_1933 : i32 to vector<16xi32>
    %eq3A_1935 = arith.cmpi eq, %select_n3A_1869, %eq3A_1934 : vector<16xi32>
    %jit3A_1936 = arith.constant 0.000000e+00 : f32
    %broadcast_in_dim3A_1937 = vector.broadcast %jit3A_1936 : f32 to vector<16xf32>
    %select_n3A_1938 = arith.select %eq3A_1935, %select_n3A_1866, %broadcast_in_dim3A_1937 : vector<16xi1>, vector<16xf32>
    %add3A_1939 = arith.addf %add3A_1636, %select_n3A_1938 : vector<16xf32>
    %eq3A_1940 = arith.constant 5 : i32
    %eq3A_1941 = vector.broadcast %eq3A_1940 : i32 to vector<16xi32>
    %eq3A_1942 = arith.cmpi eq, %select_n3A_1777, %eq3A_1941 : vector<16xi32>
    %jit3A_1943 = arith.constant 0.000000e+00 : f32
    %broadcast_in_dim3A_1944 = vector.broadcast %jit3A_1943 : f32 to vector<16xf32>
    %select_n3A_1945 = arith.select %eq3A_1942, %select_n3A_1774, %broadcast_in_dim3A_1944 : vector<16xi1>, vector<16xf32>
    %add3A_1946 = arith.addf %add3A_1643, %select_n3A_1945 : vector<16xf32>
    %eq3A_1947 = arith.constant 5 : i32
    %eq3A_1948 = vector.broadcast %eq3A_1947 : i32 to vector<16xi32>
    %eq3A_1949 = arith.cmpi eq, %select_n3A_1869, %eq3A_1948 : vector<16xi32>
    %jit3A_1950 = arith.constant 0.000000e+00 : f32
    %broadcast_in_dim3A_1951 = vector.broadcast %jit3A_1950 : f32 to vector<16xf32>
    %select_n3A_1952 = arith.select %eq3A_1949, %select_n3A_1866, %broadcast_in_dim3A_1951 : vector<16xi1>, vector<16xf32>
    %add3A_1953 = arith.addf %add3A_1650, %select_n3A_1952 : vector<16xf32>
    %eq3A_1954 = arith.constant 6 : i32
    %eq3A_1955 = vector.broadcast %eq3A_1954 : i32 to vector<16xi32>
    %eq3A_1956 = arith.cmpi eq, %select_n3A_1777, %eq3A_1955 : vector<16xi32>
    %jit3A_1957 = arith.constant 0.000000e+00 : f32
    %broadcast_in_dim3A_1958 = vector.broadcast %jit3A_1957 : f32 to vector<16xf32>
    %select_n3A_1959 = arith.select %eq3A_1956, %select_n3A_1774, %broadcast_in_dim3A_1958 : vector<16xi1>, vector<16xf32>
    %add3A_1960 = arith.addf %add3A_1657, %select_n3A_1959 : vector<16xf32>
    %eq3A_1961 = arith.constant 6 : i32
    %eq3A_1962 = vector.broadcast %eq3A_1961 : i32 to vector<16xi32>
    %eq3A_1963 = arith.cmpi eq, %select_n3A_1869, %eq3A_1962 : vector<16xi32>
    %jit3A_1964 = arith.constant 0.000000e+00 : f32
    %broadcast_in_dim3A_1965 = vector.broadcast %jit3A_1964 : f32 to vector<16xf32>
    %select_n3A_1966 = arith.select %eq3A_1963, %select_n3A_1866, %broadcast_in_dim3A_1965 : vector<16xi1>, vector<16xf32>
    %add3A_1967 = arith.addf %add3A_1664, %select_n3A_1966 : vector<16xf32>
    %eq3A_1968 = arith.constant 7 : i32
    %eq3A_1969 = vector.broadcast %eq3A_1968 : i32 to vector<16xi32>
    %eq3A_1970 = arith.cmpi eq, %select_n3A_1777, %eq3A_1969 : vector<16xi32>
    %jit3A_1971 = arith.constant 0.000000e+00 : f32
    %broadcast_in_dim3A_1972 = vector.broadcast %jit3A_1971 : f32 to vector<16xf32>
    %select_n3A_1973 = arith.select %eq3A_1970, %select_n3A_1774, %broadcast_in_dim3A_1972 : vector<16xi1>, vector<16xf32>
    %add3A_1974 = arith.addf %add3A_1671, %select_n3A_1973 : vector<16xf32>
    %eq3A_1975 = arith.constant 7 : i32
    %eq3A_1976 = vector.broadcast %eq3A_1975 : i32 to vector<16xi32>
    %eq3A_1977 = arith.cmpi eq, %select_n3A_1869, %eq3A_1976 : vector<16xi32>
    %jit3A_1978 = arith.constant 0.000000e+00 : f32
    %broadcast_in_dim3A_1979 = vector.broadcast %jit3A_1978 : f32 to vector<16xf32>
    %select_n3A_1980 = arith.select %eq3A_1977, %select_n3A_1866, %broadcast_in_dim3A_1979 : vector<16xi1>, vector<16xf32>
    %add3A_1981 = arith.addf %add3A_1678, %select_n3A_1980 : vector<16xf32>
    %get3A_1982 = arith.constant 96 : index
    %get3A_1983 = tpu.vector_load %arg4[%get3A_1982] {strides = array<i32>} : memref<1024xf32, #tpu.memory_space<vmem>>, vector<16xf32>,
    %get3A_1984 = vector.shape_cast %get3A_1983 : vector<16xf32> to vector<16xf32>
    %get3A_1985 = arith.constant 224 : index
    %get3A_1986 = tpu.vector_load %arg4[%get3A_1985] {strides = array<i32>} : memref<1024xf32, #tpu.memory_space<vmem>>, vector<16xf32>,
    %get3A_1987 = vector.shape_cast %get3A_1986 : vector<16xf32> to vector<16xf32>
    %get3A_1988 = arith.constant 352 : index
    %get3A_1989 = tpu.vector_load %arg4[%get3A_1988] {strides = array<i32>} : memref<1024xf32, #tpu.memory_space<vmem>>, vector<16xf32>,
    %get3A_1990 = vector.shape_cast %get3A_1989 : vector<16xf32> to vector<16xf32>
    %get3A_1991 = arith.constant 480 : index
    %get3A_1992 = tpu.vector_load %arg4[%get3A_1991] {strides = array<i32>} : memref<1024xf32, #tpu.memory_space<vmem>>, vector<16xf32>,
    %get3A_1993 = vector.shape_cast %get3A_1992 : vector<16xf32> to vector<16xf32>
    %get3A_1994 = arith.constant 608 : index
    %get3A_1995 = tpu.vector_load %arg4[%get3A_1994] {strides = array<i32>} : memref<1024xf32, #tpu.memory_space<vmem>>, vector<16xf32>,
    %get3A_1996 = vector.shape_cast %get3A_1995 : vector<16xf32> to vector<16xf32>
    %get3A_1997 = arith.constant 736 : index
    %get3A_1998 = tpu.vector_load %arg4[%get3A_1997] {strides = array<i32>} : memref<1024xf32, #tpu.memory_space<vmem>>, vector<16xf32>,
    %get3A_1999 = vector.shape_cast %get3A_1998 : vector<16xf32> to vector<16xf32>
    %get3A_2000 = arith.constant 864 : index
    %get3A_2001 = tpu.vector_load %arg4[%get3A_2000] {strides = array<i32>} : memref<1024xf32, #tpu.memory_space<vmem>>, vector<16xf32>,
    %get3A_2002 = vector.shape_cast %get3A_2001 : vector<16xf32> to vector<16xf32>
    %get3A_2003 = arith.constant 992 : index
    %get3A_2004 = tpu.vector_load %arg4[%get3A_2003] {strides = array<i32>} : memref<1024xf32, #tpu.memory_space<vmem>>, vector<16xf32>,
    %get3A_2005 = vector.shape_cast %get3A_2004 : vector<16xf32> to vector<16xf32>
    %max3A_2006 = arith.maximumf %get3A_1984, %get3A_1987 : vector<16xf32>
    %max3A_2007 = arith.maximumf %max3A_2006, %get3A_1990 : vector<16xf32>
    %max3A_2008 = arith.maximumf %max3A_2007, %get3A_1993 : vector<16xf32>
    %max3A_2009 = arith.maximumf %max3A_2008, %get3A_1996 : vector<16xf32>
    %max3A_2010 = arith.maximumf %max3A_2009, %get3A_1999 : vector<16xf32>
    %max3A_2011 = arith.maximumf %max3A_2010, %get3A_2002 : vector<16xf32>
    %max3A_2012 = arith.maximumf %max3A_2011, %get3A_2005 : vector<16xf32>
    %sub3A_2013 = arith.subf %get3A_1984, %max3A_2012 : vector<16xf32>
    %exp3A_2014 = math.exp %sub3A_2013 : vector<16xf32>
    %sub3A_2015 = arith.subf %get3A_1987, %max3A_2012 : vector<16xf32>
    %exp3A_2016 = math.exp %sub3A_2015 : vector<16xf32>
    %sub3A_2017 = arith.subf %get3A_1990, %max3A_2012 : vector<16xf32>
    %exp3A_2018 = math.exp %sub3A_2017 : vector<16xf32>
    %sub3A_2019 = arith.subf %get3A_1993, %max3A_2012 : vector<16xf32>
    %exp3A_2020 = math.exp %sub3A_2019 : vector<16xf32>
    %sub3A_2021 = arith.subf %get3A_1996, %max3A_2012 : vector<16xf32>
    %exp3A_2022 = math.exp %sub3A_2021 : vector<16xf32>
    %sub3A_2023 = arith.subf %get3A_1999, %max3A_2012 : vector<16xf32>
    %exp3A_2024 = math.exp %sub3A_2023 : vector<16xf32>
    %sub3A_2025 = arith.subf %get3A_2002, %max3A_2012 : vector<16xf32>
    %exp3A_2026 = math.exp %sub3A_2025 : vector<16xf32>
    %sub3A_2027 = arith.subf %get3A_2005, %max3A_2012 : vector<16xf32>
    %exp3A_2028 = math.exp %sub3A_2027 : vector<16xf32>
    %add3A_2029 = arith.addf %exp3A_2014, %exp3A_2016 : vector<16xf32>
    %add3A_2030 = arith.addf %add3A_2029, %exp3A_2018 : vector<16xf32>
    %add3A_2031 = arith.addf %add3A_2030, %exp3A_2020 : vector<16xf32>
    %add3A_2032 = arith.addf %add3A_2031, %exp3A_2022 : vector<16xf32>
    %add3A_2033 = arith.addf %add3A_2032, %exp3A_2024 : vector<16xf32>
    %add3A_2034 = arith.addf %add3A_2033, %exp3A_2026 : vector<16xf32>
    %add3A_2035 = arith.addf %add3A_2034, %exp3A_2028 : vector<16xf32>
    %div3A_2036 = arith.divf %exp3A_2014, %add3A_2035 : vector<16xf32>
    %div3A_2037 = arith.divf %exp3A_2016, %add3A_2035 : vector<16xf32>
    %div3A_2038 = arith.divf %exp3A_2018, %add3A_2035 : vector<16xf32>
    %div3A_2039 = arith.divf %exp3A_2020, %add3A_2035 : vector<16xf32>
    %div3A_2040 = arith.divf %exp3A_2022, %add3A_2035 : vector<16xf32>
    %div3A_2041 = arith.divf %exp3A_2024, %add3A_2035 : vector<16xf32>
    %div3A_2042 = arith.divf %exp3A_2026, %add3A_2035 : vector<16xf32>
    %div3A_2043 = arith.divf %exp3A_2028, %add3A_2035 : vector<16xf32>
    %broadcast_in_dim3A_2044 = arith.constant 0 : i32
    %broadcast_in_dim3A_2045 = vector.broadcast %broadcast_in_dim3A_2044 : i32 to vector<16xi32>
    %gt3A_2046 = arith.cmpf ogt, %div3A_2037, %div3A_2036 : vector<16xf32>
    %select_n3A_2047 = arith.select %gt3A_2046, %div3A_2037, %div3A_2036 : vector<16xi1>, vector<16xf32>
    %jit3A_2048 = arith.constant 1 : i32
    %broadcast_in_dim3A_2049 = vector.broadcast %jit3A_2048 : i32 to vector<16xi32>
    %select_n3A_2050 = arith.select %gt3A_2046, %broadcast_in_dim3A_2049, %broadcast_in_dim3A_2045 : vector<16xi1>, vector<16xi32>
    %gt3A_2051 = arith.cmpf ogt, %div3A_2038, %select_n3A_2047 : vector<16xf32>
    %select_n3A_2052 = arith.select %gt3A_2051, %div3A_2038, %select_n3A_2047 : vector<16xi1>, vector<16xf32>
    %jit3A_2053 = arith.constant 2 : i32
    %broadcast_in_dim3A_2054 = vector.broadcast %jit3A_2053 : i32 to vector<16xi32>
    %select_n3A_2055 = arith.select %gt3A_2051, %broadcast_in_dim3A_2054, %select_n3A_2050 : vector<16xi1>, vector<16xi32>
    %gt3A_2056 = arith.cmpf ogt, %div3A_2039, %select_n3A_2052 : vector<16xf32>
    %select_n3A_2057 = arith.select %gt3A_2056, %div3A_2039, %select_n3A_2052 : vector<16xi1>, vector<16xf32>
    %jit3A_2058 = arith.constant 3 : i32
    %broadcast_in_dim3A_2059 = vector.broadcast %jit3A_2058 : i32 to vector<16xi32>
    %select_n3A_2060 = arith.select %gt3A_2056, %broadcast_in_dim3A_2059, %select_n3A_2055 : vector<16xi1>, vector<16xi32>
    %gt3A_2061 = arith.cmpf ogt, %div3A_2040, %select_n3A_2057 : vector<16xf32>
    %select_n3A_2062 = arith.select %gt3A_2061, %div3A_2040, %select_n3A_2057 : vector<16xi1>, vector<16xf32>
    %jit3A_2063 = arith.constant 4 : i32
    %broadcast_in_dim3A_2064 = vector.broadcast %jit3A_2063 : i32 to vector<16xi32>
    %select_n3A_2065 = arith.select %gt3A_2061, %broadcast_in_dim3A_2064, %select_n3A_2060 : vector<16xi1>, vector<16xi32>
    %gt3A_2066 = arith.cmpf ogt, %div3A_2041, %select_n3A_2062 : vector<16xf32>
    %select_n3A_2067 = arith.select %gt3A_2066, %div3A_2041, %select_n3A_2062 : vector<16xi1>, vector<16xf32>
    %jit3A_2068 = arith.constant 5 : i32
    %broadcast_in_dim3A_2069 = vector.broadcast %jit3A_2068 : i32 to vector<16xi32>
    %select_n3A_2070 = arith.select %gt3A_2066, %broadcast_in_dim3A_2069, %select_n3A_2065 : vector<16xi1>, vector<16xi32>
    %gt3A_2071 = arith.cmpf ogt, %div3A_2042, %select_n3A_2067 : vector<16xf32>
    %select_n3A_2072 = arith.select %gt3A_2071, %div3A_2042, %select_n3A_2067 : vector<16xi1>, vector<16xf32>
    %jit3A_2073 = arith.constant 6 : i32
    %broadcast_in_dim3A_2074 = vector.broadcast %jit3A_2073 : i32 to vector<16xi32>
    %select_n3A_2075 = arith.select %gt3A_2071, %broadcast_in_dim3A_2074, %select_n3A_2070 : vector<16xi1>, vector<16xi32>
    %gt3A_2076 = arith.cmpf ogt, %div3A_2043, %select_n3A_2072 : vector<16xf32>
    %select_n3A_2077 = arith.select %gt3A_2076, %div3A_2043, %select_n3A_2072 : vector<16xi1>, vector<16xf32>
    %jit3A_2078 = arith.constant 7 : i32
    %broadcast_in_dim3A_2079 = vector.broadcast %jit3A_2078 : i32 to vector<16xi32>
    %select_n3A_2080 = arith.select %gt3A_2076, %broadcast_in_dim3A_2079, %select_n3A_2075 : vector<16xi1>, vector<16xi32>
    %broadcast_in_dim3A_2081 = arith.constant -1.000000e+00 : f32
    %broadcast_in_dim3A_2082 = vector.broadcast %broadcast_in_dim3A_2081 : f32 to vector<16xf32>
    %broadcast_in_dim3A_2083 = arith.constant 0 : i32
    %broadcast_in_dim3A_2084 = vector.broadcast %broadcast_in_dim3A_2083 : i32 to vector<16xi32>
    %eq3A_2085 = arith.constant 0 : i32
    %eq3A_2086 = vector.broadcast %eq3A_2085 : i32 to vector<16xi32>
    %eq3A_2087 = arith.cmpi eq, %select_n3A_2080, %eq3A_2086 : vector<16xi32>
    %jit3A_2088 = arith.constant -1.000000e+00 : f32
    %broadcast_in_dim3A_2089 = vector.broadcast %jit3A_2088 : f32 to vector<16xf32>
    %select_n3A_2090 = arith.select %eq3A_2087, %broadcast_in_dim3A_2089, %div3A_2036 : vector<16xi1>, vector<16xf32>
    %gt3A_2091 = arith.cmpf ogt, %select_n3A_2090, %broadcast_in_dim3A_2082 : vector<16xf32>
    %select_n3A_2092 = arith.select %gt3A_2091, %select_n3A_2090, %broadcast_in_dim3A_2082 : vector<16xi1>, vector<16xf32>
    %jit3A_2093 = arith.constant 0 : i32
    %broadcast_in_dim3A_2094 = vector.broadcast %jit3A_2093 : i32 to vector<16xi32>
    %select_n3A_2095 = arith.select %gt3A_2091, %broadcast_in_dim3A_2094, %broadcast_in_dim3A_2084 : vector<16xi1>, vector<16xi32>
    %eq3A_2096 = arith.constant 1 : i32
    %eq3A_2097 = vector.broadcast %eq3A_2096 : i32 to vector<16xi32>
    %eq3A_2098 = arith.cmpi eq, %select_n3A_2080, %eq3A_2097 : vector<16xi32>
    %jit3A_2099 = arith.constant -1.000000e+00 : f32
    %broadcast_in_dim3A_2100 = vector.broadcast %jit3A_2099 : f32 to vector<16xf32>
    %select_n3A_2101 = arith.select %eq3A_2098, %broadcast_in_dim3A_2100, %div3A_2037 : vector<16xi1>, vector<16xf32>
    %gt3A_2102 = arith.cmpf ogt, %select_n3A_2101, %select_n3A_2092 : vector<16xf32>
    %select_n3A_2103 = arith.select %gt3A_2102, %select_n3A_2101, %select_n3A_2092 : vector<16xi1>, vector<16xf32>
    %jit3A_2104 = arith.constant 1 : i32
    %broadcast_in_dim3A_2105 = vector.broadcast %jit3A_2104 : i32 to vector<16xi32>
    %select_n3A_2106 = arith.select %gt3A_2102, %broadcast_in_dim3A_2105, %select_n3A_2095 : vector<16xi1>, vector<16xi32>
    %eq3A_2107 = arith.constant 2 : i32
    %eq3A_2108 = vector.broadcast %eq3A_2107 : i32 to vector<16xi32>
    %eq3A_2109 = arith.cmpi eq, %select_n3A_2080, %eq3A_2108 : vector<16xi32>
    %jit3A_2110 = arith.constant -1.000000e+00 : f32
    %broadcast_in_dim3A_2111 = vector.broadcast %jit3A_2110 : f32 to vector<16xf32>
    %select_n3A_2112 = arith.select %eq3A_2109, %broadcast_in_dim3A_2111, %div3A_2038 : vector<16xi1>, vector<16xf32>
    %gt3A_2113 = arith.cmpf ogt, %select_n3A_2112, %select_n3A_2103 : vector<16xf32>
    %select_n3A_2114 = arith.select %gt3A_2113, %select_n3A_2112, %select_n3A_2103 : vector<16xi1>, vector<16xf32>
    %jit3A_2115 = arith.constant 2 : i32
    %broadcast_in_dim3A_2116 = vector.broadcast %jit3A_2115 : i32 to vector<16xi32>
    %select_n3A_2117 = arith.select %gt3A_2113, %broadcast_in_dim3A_2116, %select_n3A_2106 : vector<16xi1>, vector<16xi32>
    %eq3A_2118 = arith.constant 3 : i32
    %eq3A_2119 = vector.broadcast %eq3A_2118 : i32 to vector<16xi32>
    %eq3A_2120 = arith.cmpi eq, %select_n3A_2080, %eq3A_2119 : vector<16xi32>
    %jit3A_2121 = arith.constant -1.000000e+00 : f32
    %broadcast_in_dim3A_2122 = vector.broadcast %jit3A_2121 : f32 to vector<16xf32>
    %select_n3A_2123 = arith.select %eq3A_2120, %broadcast_in_dim3A_2122, %div3A_2039 : vector<16xi1>, vector<16xf32>
    %gt3A_2124 = arith.cmpf ogt, %select_n3A_2123, %select_n3A_2114 : vector<16xf32>
    %select_n3A_2125 = arith.select %gt3A_2124, %select_n3A_2123, %select_n3A_2114 : vector<16xi1>, vector<16xf32>
    %jit3A_2126 = arith.constant 3 : i32
    %broadcast_in_dim3A_2127 = vector.broadcast %jit3A_2126 : i32 to vector<16xi32>
    %select_n3A_2128 = arith.select %gt3A_2124, %broadcast_in_dim3A_2127, %select_n3A_2117 : vector<16xi1>, vector<16xi32>
    %eq3A_2129 = arith.constant 4 : i32
    %eq3A_2130 = vector.broadcast %eq3A_2129 : i32 to vector<16xi32>
    %eq3A_2131 = arith.cmpi eq, %select_n3A_2080, %eq3A_2130 : vector<16xi32>
    %jit3A_2132 = arith.constant -1.000000e+00 : f32
    %broadcast_in_dim3A_2133 = vector.broadcast %jit3A_2132 : f32 to vector<16xf32>
    %select_n3A_2134 = arith.select %eq3A_2131, %broadcast_in_dim3A_2133, %div3A_2040 : vector<16xi1>, vector<16xf32>
    %gt3A_2135 = arith.cmpf ogt, %select_n3A_2134, %select_n3A_2125 : vector<16xf32>
    %select_n3A_2136 = arith.select %gt3A_2135, %select_n3A_2134, %select_n3A_2125 : vector<16xi1>, vector<16xf32>
    %jit3A_2137 = arith.constant 4 : i32
    %broadcast_in_dim3A_2138 = vector.broadcast %jit3A_2137 : i32 to vector<16xi32>
    %select_n3A_2139 = arith.select %gt3A_2135, %broadcast_in_dim3A_2138, %select_n3A_2128 : vector<16xi1>, vector<16xi32>
    %eq3A_2140 = arith.constant 5 : i32
    %eq3A_2141 = vector.broadcast %eq3A_2140 : i32 to vector<16xi32>
    %eq3A_2142 = arith.cmpi eq, %select_n3A_2080, %eq3A_2141 : vector<16xi32>
    %jit3A_2143 = arith.constant -1.000000e+00 : f32
    %broadcast_in_dim3A_2144 = vector.broadcast %jit3A_2143 : f32 to vector<16xf32>
    %select_n3A_2145 = arith.select %eq3A_2142, %broadcast_in_dim3A_2144, %div3A_2041 : vector<16xi1>, vector<16xf32>
    %gt3A_2146 = arith.cmpf ogt, %select_n3A_2145, %select_n3A_2136 : vector<16xf32>
    %select_n3A_2147 = arith.select %gt3A_2146, %select_n3A_2145, %select_n3A_2136 : vector<16xi1>, vector<16xf32>
    %jit3A_2148 = arith.constant 5 : i32
    %broadcast_in_dim3A_2149 = vector.broadcast %jit3A_2148 : i32 to vector<16xi32>
    %select_n3A_2150 = arith.select %gt3A_2146, %broadcast_in_dim3A_2149, %select_n3A_2139 : vector<16xi1>, vector<16xi32>
    %eq3A_2151 = arith.constant 6 : i32
    %eq3A_2152 = vector.broadcast %eq3A_2151 : i32 to vector<16xi32>
    %eq3A_2153 = arith.cmpi eq, %select_n3A_2080, %eq3A_2152 : vector<16xi32>
    %jit3A_2154 = arith.constant -1.000000e+00 : f32
    %broadcast_in_dim3A_2155 = vector.broadcast %jit3A_2154 : f32 to vector<16xf32>
    %select_n3A_2156 = arith.select %eq3A_2153, %broadcast_in_dim3A_2155, %div3A_2042 : vector<16xi1>, vector<16xf32>
    %gt3A_2157 = arith.cmpf ogt, %select_n3A_2156, %select_n3A_2147 : vector<16xf32>
    %select_n3A_2158 = arith.select %gt3A_2157, %select_n3A_2156, %select_n3A_2147 : vector<16xi1>, vector<16xf32>
    %jit3A_2159 = arith.constant 6 : i32
    %broadcast_in_dim3A_2160 = vector.broadcast %jit3A_2159 : i32 to vector<16xi32>
    %select_n3A_2161 = arith.select %gt3A_2157, %broadcast_in_dim3A_2160, %select_n3A_2150 : vector<16xi1>, vector<16xi32>
    %eq3A_2162 = arith.constant 7 : i32
    %eq3A_2163 = vector.broadcast %eq3A_2162 : i32 to vector<16xi32>
    %eq3A_2164 = arith.cmpi eq, %select_n3A_2080, %eq3A_2163 : vector<16xi32>
    %jit3A_2165 = arith.constant -1.000000e+00 : f32
    %broadcast_in_dim3A_2166 = vector.broadcast %jit3A_2165 : f32 to vector<16xf32>
    %select_n3A_2167 = arith.select %eq3A_2164, %broadcast_in_dim3A_2166, %div3A_2043 : vector<16xi1>, vector<16xf32>
    %gt3A_2168 = arith.cmpf ogt, %select_n3A_2167, %select_n3A_2158 : vector<16xf32>
    %select_n3A_2169 = arith.select %gt3A_2168, %select_n3A_2167, %select_n3A_2158 : vector<16xi1>, vector<16xf32>
    %jit3A_2170 = arith.constant 7 : i32
    %broadcast_in_dim3A_2171 = vector.broadcast %jit3A_2170 : i32 to vector<16xi32>
    %select_n3A_2172 = arith.select %gt3A_2168, %broadcast_in_dim3A_2171, %select_n3A_2161 : vector<16xi1>, vector<16xi32>
    %eq3A_2173 = arith.constant 0 : i32
    %eq3A_2174 = vector.broadcast %eq3A_2173 : i32 to vector<16xi32>
    %eq3A_2175 = arith.cmpi eq, %select_n3A_2080, %eq3A_2174 : vector<16xi32>
    %jit3A_2176 = arith.constant 0.000000e+00 : f32
    %broadcast_in_dim3A_2177 = vector.broadcast %jit3A_2176 : f32 to vector<16xf32>
    %select_n3A_2178 = arith.select %eq3A_2175, %select_n3A_2077, %broadcast_in_dim3A_2177 : vector<16xi1>, vector<16xf32>
    %add3A_2179 = arith.addf %add3A_1876, %select_n3A_2178 : vector<16xf32>
    %eq3A_2180 = arith.constant 0 : i32
    %eq3A_2181 = vector.broadcast %eq3A_2180 : i32 to vector<16xi32>
    %eq3A_2182 = arith.cmpi eq, %select_n3A_2172, %eq3A_2181 : vector<16xi32>
    %jit3A_2183 = arith.constant 0.000000e+00 : f32
    %broadcast_in_dim3A_2184 = vector.broadcast %jit3A_2183 : f32 to vector<16xf32>
    %select_n3A_2185 = arith.select %eq3A_2182, %select_n3A_2169, %broadcast_in_dim3A_2184 : vector<16xi1>, vector<16xf32>
    %add3A_2186 = arith.addf %add3A_1883, %select_n3A_2185 : vector<16xf32>
    %eq3A_2187 = arith.constant 1 : i32
    %eq3A_2188 = vector.broadcast %eq3A_2187 : i32 to vector<16xi32>
    %eq3A_2189 = arith.cmpi eq, %select_n3A_2080, %eq3A_2188 : vector<16xi32>
    %jit3A_2190 = arith.constant 0.000000e+00 : f32
    %broadcast_in_dim3A_2191 = vector.broadcast %jit3A_2190 : f32 to vector<16xf32>
    %select_n3A_2192 = arith.select %eq3A_2189, %select_n3A_2077, %broadcast_in_dim3A_2191 : vector<16xi1>, vector<16xf32>
    %add3A_2193 = arith.addf %add3A_1890, %select_n3A_2192 : vector<16xf32>
    %eq3A_2194 = arith.constant 1 : i32
    %eq3A_2195 = vector.broadcast %eq3A_2194 : i32 to vector<16xi32>
    %eq3A_2196 = arith.cmpi eq, %select_n3A_2172, %eq3A_2195 : vector<16xi32>
    %jit3A_2197 = arith.constant 0.000000e+00 : f32
    %broadcast_in_dim3A_2198 = vector.broadcast %jit3A_2197 : f32 to vector<16xf32>
    %select_n3A_2199 = arith.select %eq3A_2196, %select_n3A_2169, %broadcast_in_dim3A_2198 : vector<16xi1>, vector<16xf32>
    %add3A_2200 = arith.addf %add3A_1897, %select_n3A_2199 : vector<16xf32>
    %eq3A_2201 = arith.constant 2 : i32
    %eq3A_2202 = vector.broadcast %eq3A_2201 : i32 to vector<16xi32>
    %eq3A_2203 = arith.cmpi eq, %select_n3A_2080, %eq3A_2202 : vector<16xi32>
    %jit3A_2204 = arith.constant 0.000000e+00 : f32
    %broadcast_in_dim3A_2205 = vector.broadcast %jit3A_2204 : f32 to vector<16xf32>
    %select_n3A_2206 = arith.select %eq3A_2203, %select_n3A_2077, %broadcast_in_dim3A_2205 : vector<16xi1>, vector<16xf32>
    %add3A_2207 = arith.addf %add3A_1904, %select_n3A_2206 : vector<16xf32>
    %eq3A_2208 = arith.constant 2 : i32
    %eq3A_2209 = vector.broadcast %eq3A_2208 : i32 to vector<16xi32>
    %eq3A_2210 = arith.cmpi eq, %select_n3A_2172, %eq3A_2209 : vector<16xi32>
    %jit3A_2211 = arith.constant 0.000000e+00 : f32
    %broadcast_in_dim3A_2212 = vector.broadcast %jit3A_2211 : f32 to vector<16xf32>
    %select_n3A_2213 = arith.select %eq3A_2210, %select_n3A_2169, %broadcast_in_dim3A_2212 : vector<16xi1>, vector<16xf32>
    %add3A_2214 = arith.addf %add3A_1911, %select_n3A_2213 : vector<16xf32>
    %eq3A_2215 = arith.constant 3 : i32
    %eq3A_2216 = vector.broadcast %eq3A_2215 : i32 to vector<16xi32>
    %eq3A_2217 = arith.cmpi eq, %select_n3A_2080, %eq3A_2216 : vector<16xi32>
    %jit3A_2218 = arith.constant 0.000000e+00 : f32
    %broadcast_in_dim3A_2219 = vector.broadcast %jit3A_2218 : f32 to vector<16xf32>
    %select_n3A_2220 = arith.select %eq3A_2217, %select_n3A_2077, %broadcast_in_dim3A_2219 : vector<16xi1>, vector<16xf32>
    %add3A_2221 = arith.addf %add3A_1918, %select_n3A_2220 : vector<16xf32>
    %eq3A_2222 = arith.constant 3 : i32
    %eq3A_2223 = vector.broadcast %eq3A_2222 : i32 to vector<16xi32>
    %eq3A_2224 = arith.cmpi eq, %select_n3A_2172, %eq3A_2223 : vector<16xi32>
    %jit3A_2225 = arith.constant 0.000000e+00 : f32
    %broadcast_in_dim3A_2226 = vector.broadcast %jit3A_2225 : f32 to vector<16xf32>
    %select_n3A_2227 = arith.select %eq3A_2224, %select_n3A_2169, %broadcast_in_dim3A_2226 : vector<16xi1>, vector<16xf32>
    %add3A_2228 = arith.addf %add3A_1925, %select_n3A_2227 : vector<16xf32>
    %eq3A_2229 = arith.constant 4 : i32
    %eq3A_2230 = vector.broadcast %eq3A_2229 : i32 to vector<16xi32>
    %eq3A_2231 = arith.cmpi eq, %select_n3A_2080, %eq3A_2230 : vector<16xi32>
    %jit3A_2232 = arith.constant 0.000000e+00 : f32
    %broadcast_in_dim3A_2233 = vector.broadcast %jit3A_2232 : f32 to vector<16xf32>
    %select_n3A_2234 = arith.select %eq3A_2231, %select_n3A_2077, %broadcast_in_dim3A_2233 : vector<16xi1>, vector<16xf32>
    %add3A_2235 = arith.addf %add3A_1932, %select_n3A_2234 : vector<16xf32>
    %eq3A_2236 = arith.constant 4 : i32
    %eq3A_2237 = vector.broadcast %eq3A_2236 : i32 to vector<16xi32>
    %eq3A_2238 = arith.cmpi eq, %select_n3A_2172, %eq3A_2237 : vector<16xi32>
    %jit3A_2239 = arith.constant 0.000000e+00 : f32
    %broadcast_in_dim3A_2240 = vector.broadcast %jit3A_2239 : f32 to vector<16xf32>
    %select_n3A_2241 = arith.select %eq3A_2238, %select_n3A_2169, %broadcast_in_dim3A_2240 : vector<16xi1>, vector<16xf32>
    %add3A_2242 = arith.addf %add3A_1939, %select_n3A_2241 : vector<16xf32>
    %eq3A_2243 = arith.constant 5 : i32
    %eq3A_2244 = vector.broadcast %eq3A_2243 : i32 to vector<16xi32>
    %eq3A_2245 = arith.cmpi eq, %select_n3A_2080, %eq3A_2244 : vector<16xi32>
    %jit3A_2246 = arith.constant 0.000000e+00 : f32
    %broadcast_in_dim3A_2247 = vector.broadcast %jit3A_2246 : f32 to vector<16xf32>
    %select_n3A_2248 = arith.select %eq3A_2245, %select_n3A_2077, %broadcast_in_dim3A_2247 : vector<16xi1>, vector<16xf32>
    %add3A_2249 = arith.addf %add3A_1946, %select_n3A_2248 : vector<16xf32>
    %eq3A_2250 = arith.constant 5 : i32
    %eq3A_2251 = vector.broadcast %eq3A_2250 : i32 to vector<16xi32>
    %eq3A_2252 = arith.cmpi eq, %select_n3A_2172, %eq3A_2251 : vector<16xi32>
    %jit3A_2253 = arith.constant 0.000000e+00 : f32
    %broadcast_in_dim3A_2254 = vector.broadcast %jit3A_2253 : f32 to vector<16xf32>
    %select_n3A_2255 = arith.select %eq3A_2252, %select_n3A_2169, %broadcast_in_dim3A_2254 : vector<16xi1>, vector<16xf32>
    %add3A_2256 = arith.addf %add3A_1953, %select_n3A_2255 : vector<16xf32>
    %eq3A_2257 = arith.constant 6 : i32
    %eq3A_2258 = vector.broadcast %eq3A_2257 : i32 to vector<16xi32>
    %eq3A_2259 = arith.cmpi eq, %select_n3A_2080, %eq3A_2258 : vector<16xi32>
    %jit3A_2260 = arith.constant 0.000000e+00 : f32
    %broadcast_in_dim3A_2261 = vector.broadcast %jit3A_2260 : f32 to vector<16xf32>
    %select_n3A_2262 = arith.select %eq3A_2259, %select_n3A_2077, %broadcast_in_dim3A_2261 : vector<16xi1>, vector<16xf32>
    %add3A_2263 = arith.addf %add3A_1960, %select_n3A_2262 : vector<16xf32>
    %eq3A_2264 = arith.constant 6 : i32
    %eq3A_2265 = vector.broadcast %eq3A_2264 : i32 to vector<16xi32>
    %eq3A_2266 = arith.cmpi eq, %select_n3A_2172, %eq3A_2265 : vector<16xi32>
    %jit3A_2267 = arith.constant 0.000000e+00 : f32
    %broadcast_in_dim3A_2268 = vector.broadcast %jit3A_2267 : f32 to vector<16xf32>
    %select_n3A_2269 = arith.select %eq3A_2266, %select_n3A_2169, %broadcast_in_dim3A_2268 : vector<16xi1>, vector<16xf32>
    %add3A_2270 = arith.addf %add3A_1967, %select_n3A_2269 : vector<16xf32>
    %eq3A_2271 = arith.constant 7 : i32
    %eq3A_2272 = vector.broadcast %eq3A_2271 : i32 to vector<16xi32>
    %eq3A_2273 = arith.cmpi eq, %select_n3A_2080, %eq3A_2272 : vector<16xi32>
    %jit3A_2274 = arith.constant 0.000000e+00 : f32
    %broadcast_in_dim3A_2275 = vector.broadcast %jit3A_2274 : f32 to vector<16xf32>
    %select_n3A_2276 = arith.select %eq3A_2273, %select_n3A_2077, %broadcast_in_dim3A_2275 : vector<16xi1>, vector<16xf32>
    %add3A_2277 = arith.addf %add3A_1974, %select_n3A_2276 : vector<16xf32>
    %eq3A_2278 = arith.constant 7 : i32
    %eq3A_2279 = vector.broadcast %eq3A_2278 : i32 to vector<16xi32>
    %eq3A_2280 = arith.cmpi eq, %select_n3A_2172, %eq3A_2279 : vector<16xi32>
    %jit3A_2281 = arith.constant 0.000000e+00 : f32
    %broadcast_in_dim3A_2282 = vector.broadcast %jit3A_2281 : f32 to vector<16xf32>
    %select_n3A_2283 = arith.select %eq3A_2280, %select_n3A_2169, %broadcast_in_dim3A_2282 : vector<16xi1>, vector<16xf32>
    %add3A_2284 = arith.addf %add3A_1981, %select_n3A_2283 : vector<16xf32>
    %get3A_2285 = arith.constant 112 : index
    %get3A_2286 = tpu.vector_load %arg4[%get3A_2285] {strides = array<i32>} : memref<1024xf32, #tpu.memory_space<vmem>>, vector<16xf32>,
    %get3A_2287 = vector.shape_cast %get3A_2286 : vector<16xf32> to vector<16xf32>
    %get3A_2288 = arith.constant 240 : index
    %get3A_2289 = tpu.vector_load %arg4[%get3A_2288] {strides = array<i32>} : memref<1024xf32, #tpu.memory_space<vmem>>, vector<16xf32>,
    %get3A_2290 = vector.shape_cast %get3A_2289 : vector<16xf32> to vector<16xf32>
    %get3A_2291 = arith.constant 368 : index
    %get3A_2292 = tpu.vector_load %arg4[%get3A_2291] {strides = array<i32>} : memref<1024xf32, #tpu.memory_space<vmem>>, vector<16xf32>,
    %get3A_2293 = vector.shape_cast %get3A_2292 : vector<16xf32> to vector<16xf32>
    %get3A_2294 = arith.constant 496 : index
    %get3A_2295 = tpu.vector_load %arg4[%get3A_2294] {strides = array<i32>} : memref<1024xf32, #tpu.memory_space<vmem>>, vector<16xf32>,
    %get3A_2296 = vector.shape_cast %get3A_2295 : vector<16xf32> to vector<16xf32>
    %get3A_2297 = arith.constant 624 : index
    %get3A_2298 = tpu.vector_load %arg4[%get3A_2297] {strides = array<i32>} : memref<1024xf32, #tpu.memory_space<vmem>>, vector<16xf32>,
    %get3A_2299 = vector.shape_cast %get3A_2298 : vector<16xf32> to vector<16xf32>
    %get3A_2300 = arith.constant 752 : index
    %get3A_2301 = tpu.vector_load %arg4[%get3A_2300] {strides = array<i32>} : memref<1024xf32, #tpu.memory_space<vmem>>, vector<16xf32>,
    %get3A_2302 = vector.shape_cast %get3A_2301 : vector<16xf32> to vector<16xf32>
    %get3A_2303 = arith.constant 880 : index
    %get3A_2304 = tpu.vector_load %arg4[%get3A_2303] {strides = array<i32>} : memref<1024xf32, #tpu.memory_space<vmem>>, vector<16xf32>,
    %get3A_2305 = vector.shape_cast %get3A_2304 : vector<16xf32> to vector<16xf32>
    %get3A_2306 = arith.constant 1008 : index
    %get3A_2307 = tpu.vector_load %arg4[%get3A_2306] {strides = array<i32>} : memref<1024xf32, #tpu.memory_space<vmem>>, vector<16xf32>,
    %get3A_2308 = vector.shape_cast %get3A_2307 : vector<16xf32> to vector<16xf32>
    %max3A_2309 = arith.maximumf %get3A_2287, %get3A_2290 : vector<16xf32>
    %max3A_2310 = arith.maximumf %max3A_2309, %get3A_2293 : vector<16xf32>
    %max3A_2311 = arith.maximumf %max3A_2310, %get3A_2296 : vector<16xf32>
    %max3A_2312 = arith.maximumf %max3A_2311, %get3A_2299 : vector<16xf32>
    %max3A_2313 = arith.maximumf %max3A_2312, %get3A_2302 : vector<16xf32>
    %max3A_2314 = arith.maximumf %max3A_2313, %get3A_2305 : vector<16xf32>
    %max3A_2315 = arith.maximumf %max3A_2314, %get3A_2308 : vector<16xf32>
    %sub3A_2316 = arith.subf %get3A_2287, %max3A_2315 : vector<16xf32>
    %exp3A_2317 = math.exp %sub3A_2316 : vector<16xf32>
    %sub3A_2318 = arith.subf %get3A_2290, %max3A_2315 : vector<16xf32>
    %exp3A_2319 = math.exp %sub3A_2318 : vector<16xf32>
    %sub3A_2320 = arith.subf %get3A_2293, %max3A_2315 : vector<16xf32>
    %exp3A_2321 = math.exp %sub3A_2320 : vector<16xf32>
    %sub3A_2322 = arith.subf %get3A_2296, %max3A_2315 : vector<16xf32>
    %exp3A_2323 = math.exp %sub3A_2322 : vector<16xf32>
    %sub3A_2324 = arith.subf %get3A_2299, %max3A_2315 : vector<16xf32>
    %exp3A_2325 = math.exp %sub3A_2324 : vector<16xf32>
    %sub3A_2326 = arith.subf %get3A_2302, %max3A_2315 : vector<16xf32>
    %exp3A_2327 = math.exp %sub3A_2326 : vector<16xf32>
    %sub3A_2328 = arith.subf %get3A_2305, %max3A_2315 : vector<16xf32>
    %exp3A_2329 = math.exp %sub3A_2328 : vector<16xf32>
    %sub3A_2330 = arith.subf %get3A_2308, %max3A_2315 : vector<16xf32>
    %exp3A_2331 = math.exp %sub3A_2330 : vector<16xf32>
    %add3A_2332 = arith.addf %exp3A_2317, %exp3A_2319 : vector<16xf32>
    %add3A_2333 = arith.addf %add3A_2332, %exp3A_2321 : vector<16xf32>
    %add3A_2334 = arith.addf %add3A_2333, %exp3A_2323 : vector<16xf32>
    %add3A_2335 = arith.addf %add3A_2334, %exp3A_2325 : vector<16xf32>
    %add3A_2336 = arith.addf %add3A_2335, %exp3A_2327 : vector<16xf32>
    %add3A_2337 = arith.addf %add3A_2336, %exp3A_2329 : vector<16xf32>
    %add3A_2338 = arith.addf %add3A_2337, %exp3A_2331 : vector<16xf32>
    %div3A_2339 = arith.divf %exp3A_2317, %add3A_2338 : vector<16xf32>
    %div3A_2340 = arith.divf %exp3A_2319, %add3A_2338 : vector<16xf32>
    %div3A_2341 = arith.divf %exp3A_2321, %add3A_2338 : vector<16xf32>
    %div3A_2342 = arith.divf %exp3A_2323, %add3A_2338 : vector<16xf32>
    %div3A_2343 = arith.divf %exp3A_2325, %add3A_2338 : vector<16xf32>
    %div3A_2344 = arith.divf %exp3A_2327, %add3A_2338 : vector<16xf32>
    %div3A_2345 = arith.divf %exp3A_2329, %add3A_2338 : vector<16xf32>
    %div3A_2346 = arith.divf %exp3A_2331, %add3A_2338 : vector<16xf32>
    %broadcast_in_dim3A_2347 = arith.constant 0 : i32
    %broadcast_in_dim3A_2348 = vector.broadcast %broadcast_in_dim3A_2347 : i32 to vector<16xi32>
    %gt3A_2349 = arith.cmpf ogt, %div3A_2340, %div3A_2339 : vector<16xf32>
    %select_n3A_2350 = arith.select %gt3A_2349, %div3A_2340, %div3A_2339 : vector<16xi1>, vector<16xf32>
    %jit3A_2351 = arith.constant 1 : i32
    %broadcast_in_dim3A_2352 = vector.broadcast %jit3A_2351 : i32 to vector<16xi32>
    %select_n3A_2353 = arith.select %gt3A_2349, %broadcast_in_dim3A_2352, %broadcast_in_dim3A_2348 : vector<16xi1>, vector<16xi32>
    %gt3A_2354 = arith.cmpf ogt, %div3A_2341, %select_n3A_2350 : vector<16xf32>
    %select_n3A_2355 = arith.select %gt3A_2354, %div3A_2341, %select_n3A_2350 : vector<16xi1>, vector<16xf32>
    %jit3A_2356 = arith.constant 2 : i32
    %broadcast_in_dim3A_2357 = vector.broadcast %jit3A_2356 : i32 to vector<16xi32>
    %select_n3A_2358 = arith.select %gt3A_2354, %broadcast_in_dim3A_2357, %select_n3A_2353 : vector<16xi1>, vector<16xi32>
    %gt3A_2359 = arith.cmpf ogt, %div3A_2342, %select_n3A_2355 : vector<16xf32>
    %select_n3A_2360 = arith.select %gt3A_2359, %div3A_2342, %select_n3A_2355 : vector<16xi1>, vector<16xf32>
    %jit3A_2361 = arith.constant 3 : i32
    %broadcast_in_dim3A_2362 = vector.broadcast %jit3A_2361 : i32 to vector<16xi32>
    %select_n3A_2363 = arith.select %gt3A_2359, %broadcast_in_dim3A_2362, %select_n3A_2358 : vector<16xi1>, vector<16xi32>
    %gt3A_2364 = arith.cmpf ogt, %div3A_2343, %select_n3A_2360 : vector<16xf32>
    %select_n3A_2365 = arith.select %gt3A_2364, %div3A_2343, %select_n3A_2360 : vector<16xi1>, vector<16xf32>
    %jit3A_2366 = arith.constant 4 : i32
    %broadcast_in_dim3A_2367 = vector.broadcast %jit3A_2366 : i32 to vector<16xi32>
    %select_n3A_2368 = arith.select %gt3A_2364, %broadcast_in_dim3A_2367, %select_n3A_2363 : vector<16xi1>, vector<16xi32>
    %gt3A_2369 = arith.cmpf ogt, %div3A_2344, %select_n3A_2365 : vector<16xf32>
    %select_n3A_2370 = arith.select %gt3A_2369, %div3A_2344, %select_n3A_2365 : vector<16xi1>, vector<16xf32>
    %jit3A_2371 = arith.constant 5 : i32
    %broadcast_in_dim3A_2372 = vector.broadcast %jit3A_2371 : i32 to vector<16xi32>
    %select_n3A_2373 = arith.select %gt3A_2369, %broadcast_in_dim3A_2372, %select_n3A_2368 : vector<16xi1>, vector<16xi32>
    %gt3A_2374 = arith.cmpf ogt, %div3A_2345, %select_n3A_2370 : vector<16xf32>
    %select_n3A_2375 = arith.select %gt3A_2374, %div3A_2345, %select_n3A_2370 : vector<16xi1>, vector<16xf32>
    %jit3A_2376 = arith.constant 6 : i32
    %broadcast_in_dim3A_2377 = vector.broadcast %jit3A_2376 : i32 to vector<16xi32>
    %select_n3A_2378 = arith.select %gt3A_2374, %broadcast_in_dim3A_2377, %select_n3A_2373 : vector<16xi1>, vector<16xi32>
    %gt3A_2379 = arith.cmpf ogt, %div3A_2346, %select_n3A_2375 : vector<16xf32>
    %select_n3A_2380 = arith.select %gt3A_2379, %div3A_2346, %select_n3A_2375 : vector<16xi1>, vector<16xf32>
    %jit3A_2381 = arith.constant 7 : i32
    %broadcast_in_dim3A_2382 = vector.broadcast %jit3A_2381 : i32 to vector<16xi32>
    %select_n3A_2383 = arith.select %gt3A_2379, %broadcast_in_dim3A_2382, %select_n3A_2378 : vector<16xi1>, vector<16xi32>
    %broadcast_in_dim3A_2384 = arith.constant -1.000000e+00 : f32
    %broadcast_in_dim3A_2385 = vector.broadcast %broadcast_in_dim3A_2384 : f32 to vector<16xf32>
    %broadcast_in_dim3A_2386 = arith.constant 0 : i32
    %broadcast_in_dim3A_2387 = vector.broadcast %broadcast_in_dim3A_2386 : i32 to vector<16xi32>
    %eq3A_2388 = arith.constant 0 : i32
    %eq3A_2389 = vector.broadcast %eq3A_2388 : i32 to vector<16xi32>
    %eq3A_2390 = arith.cmpi eq, %select_n3A_2383, %eq3A_2389 : vector<16xi32>
    %jit3A_2391 = arith.constant -1.000000e+00 : f32
    %broadcast_in_dim3A_2392 = vector.broadcast %jit3A_2391 : f32 to vector<16xf32>
    %select_n3A_2393 = arith.select %eq3A_2390, %broadcast_in_dim3A_2392, %div3A_2339 : vector<16xi1>, vector<16xf32>
    %gt3A_2394 = arith.cmpf ogt, %select_n3A_2393, %broadcast_in_dim3A_2385 : vector<16xf32>
    %select_n3A_2395 = arith.select %gt3A_2394, %select_n3A_2393, %broadcast_in_dim3A_2385 : vector<16xi1>, vector<16xf32>
    %jit3A_2396 = arith.constant 0 : i32
    %broadcast_in_dim3A_2397 = vector.broadcast %jit3A_2396 : i32 to vector<16xi32>
    %select_n3A_2398 = arith.select %gt3A_2394, %broadcast_in_dim3A_2397, %broadcast_in_dim3A_2387 : vector<16xi1>, vector<16xi32>
    %eq3A_2399 = arith.constant 1 : i32
    %eq3A_2400 = vector.broadcast %eq3A_2399 : i32 to vector<16xi32>
    %eq3A_2401 = arith.cmpi eq, %select_n3A_2383, %eq3A_2400 : vector<16xi32>
    %jit3A_2402 = arith.constant -1.000000e+00 : f32
    %broadcast_in_dim3A_2403 = vector.broadcast %jit3A_2402 : f32 to vector<16xf32>
    %select_n3A_2404 = arith.select %eq3A_2401, %broadcast_in_dim3A_2403, %div3A_2340 : vector<16xi1>, vector<16xf32>
    %gt3A_2405 = arith.cmpf ogt, %select_n3A_2404, %select_n3A_2395 : vector<16xf32>
    %select_n3A_2406 = arith.select %gt3A_2405, %select_n3A_2404, %select_n3A_2395 : vector<16xi1>, vector<16xf32>
    %jit3A_2407 = arith.constant 1 : i32
    %broadcast_in_dim3A_2408 = vector.broadcast %jit3A_2407 : i32 to vector<16xi32>
    %select_n3A_2409 = arith.select %gt3A_2405, %broadcast_in_dim3A_2408, %select_n3A_2398 : vector<16xi1>, vector<16xi32>
    %eq3A_2410 = arith.constant 2 : i32
    %eq3A_2411 = vector.broadcast %eq3A_2410 : i32 to vector<16xi32>
    %eq3A_2412 = arith.cmpi eq, %select_n3A_2383, %eq3A_2411 : vector<16xi32>
    %jit3A_2413 = arith.constant -1.000000e+00 : f32
    %broadcast_in_dim3A_2414 = vector.broadcast %jit3A_2413 : f32 to vector<16xf32>
    %select_n3A_2415 = arith.select %eq3A_2412, %broadcast_in_dim3A_2414, %div3A_2341 : vector<16xi1>, vector<16xf32>
    %gt3A_2416 = arith.cmpf ogt, %select_n3A_2415, %select_n3A_2406 : vector<16xf32>
    %select_n3A_2417 = arith.select %gt3A_2416, %select_n3A_2415, %select_n3A_2406 : vector<16xi1>, vector<16xf32>
    %jit3A_2418 = arith.constant 2 : i32
    %broadcast_in_dim3A_2419 = vector.broadcast %jit3A_2418 : i32 to vector<16xi32>
    %select_n3A_2420 = arith.select %gt3A_2416, %broadcast_in_dim3A_2419, %select_n3A_2409 : vector<16xi1>, vector<16xi32>
    %eq3A_2421 = arith.constant 3 : i32
    %eq3A_2422 = vector.broadcast %eq3A_2421 : i32 to vector<16xi32>
    %eq3A_2423 = arith.cmpi eq, %select_n3A_2383, %eq3A_2422 : vector<16xi32>
    %jit3A_2424 = arith.constant -1.000000e+00 : f32
    %broadcast_in_dim3A_2425 = vector.broadcast %jit3A_2424 : f32 to vector<16xf32>
    %select_n3A_2426 = arith.select %eq3A_2423, %broadcast_in_dim3A_2425, %div3A_2342 : vector<16xi1>, vector<16xf32>
    %gt3A_2427 = arith.cmpf ogt, %select_n3A_2426, %select_n3A_2417 : vector<16xf32>
    %select_n3A_2428 = arith.select %gt3A_2427, %select_n3A_2426, %select_n3A_2417 : vector<16xi1>, vector<16xf32>
    %jit3A_2429 = arith.constant 3 : i32
    %broadcast_in_dim3A_2430 = vector.broadcast %jit3A_2429 : i32 to vector<16xi32>
    %select_n3A_2431 = arith.select %gt3A_2427, %broadcast_in_dim3A_2430, %select_n3A_2420 : vector<16xi1>, vector<16xi32>
    %eq3A_2432 = arith.constant 4 : i32
    %eq3A_2433 = vector.broadcast %eq3A_2432 : i32 to vector<16xi32>
    %eq3A_2434 = arith.cmpi eq, %select_n3A_2383, %eq3A_2433 : vector<16xi32>
    %jit3A_2435 = arith.constant -1.000000e+00 : f32
    %broadcast_in_dim3A_2436 = vector.broadcast %jit3A_2435 : f32 to vector<16xf32>
    %select_n3A_2437 = arith.select %eq3A_2434, %broadcast_in_dim3A_2436, %div3A_2343 : vector<16xi1>, vector<16xf32>
    %gt3A_2438 = arith.cmpf ogt, %select_n3A_2437, %select_n3A_2428 : vector<16xf32>
    %select_n3A_2439 = arith.select %gt3A_2438, %select_n3A_2437, %select_n3A_2428 : vector<16xi1>, vector<16xf32>
    %jit3A_2440 = arith.constant 4 : i32
    %broadcast_in_dim3A_2441 = vector.broadcast %jit3A_2440 : i32 to vector<16xi32>
    %select_n3A_2442 = arith.select %gt3A_2438, %broadcast_in_dim3A_2441, %select_n3A_2431 : vector<16xi1>, vector<16xi32>
    %eq3A_2443 = arith.constant 5 : i32
    %eq3A_2444 = vector.broadcast %eq3A_2443 : i32 to vector<16xi32>
    %eq3A_2445 = arith.cmpi eq, %select_n3A_2383, %eq3A_2444 : vector<16xi32>
    %jit3A_2446 = arith.constant -1.000000e+00 : f32
    %broadcast_in_dim3A_2447 = vector.broadcast %jit3A_2446 : f32 to vector<16xf32>
    %select_n3A_2448 = arith.select %eq3A_2445, %broadcast_in_dim3A_2447, %div3A_2344 : vector<16xi1>, vector<16xf32>
    %gt3A_2449 = arith.cmpf ogt, %select_n3A_2448, %select_n3A_2439 : vector<16xf32>
    %select_n3A_2450 = arith.select %gt3A_2449, %select_n3A_2448, %select_n3A_2439 : vector<16xi1>, vector<16xf32>
    %jit3A_2451 = arith.constant 5 : i32
    %broadcast_in_dim3A_2452 = vector.broadcast %jit3A_2451 : i32 to vector<16xi32>
    %select_n3A_2453 = arith.select %gt3A_2449, %broadcast_in_dim3A_2452, %select_n3A_2442 : vector<16xi1>, vector<16xi32>
    %eq3A_2454 = arith.constant 6 : i32
    %eq3A_2455 = vector.broadcast %eq3A_2454 : i32 to vector<16xi32>
    %eq3A_2456 = arith.cmpi eq, %select_n3A_2383, %eq3A_2455 : vector<16xi32>
    %jit3A_2457 = arith.constant -1.000000e+00 : f32
    %broadcast_in_dim3A_2458 = vector.broadcast %jit3A_2457 : f32 to vector<16xf32>
    %select_n3A_2459 = arith.select %eq3A_2456, %broadcast_in_dim3A_2458, %div3A_2345 : vector<16xi1>, vector<16xf32>
    %gt3A_2460 = arith.cmpf ogt, %select_n3A_2459, %select_n3A_2450 : vector<16xf32>
    %select_n3A_2461 = arith.select %gt3A_2460, %select_n3A_2459, %select_n3A_2450 : vector<16xi1>, vector<16xf32>
    %jit3A_2462 = arith.constant 6 : i32
    %broadcast_in_dim3A_2463 = vector.broadcast %jit3A_2462 : i32 to vector<16xi32>
    %select_n3A_2464 = arith.select %gt3A_2460, %broadcast_in_dim3A_2463, %select_n3A_2453 : vector<16xi1>, vector<16xi32>
    %eq3A_2465 = arith.constant 7 : i32
    %eq3A_2466 = vector.broadcast %eq3A_2465 : i32 to vector<16xi32>
    %eq3A_2467 = arith.cmpi eq, %select_n3A_2383, %eq3A_2466 : vector<16xi32>
    %jit3A_2468 = arith.constant -1.000000e+00 : f32
    %broadcast_in_dim3A_2469 = vector.broadcast %jit3A_2468 : f32 to vector<16xf32>
    %select_n3A_2470 = arith.select %eq3A_2467, %broadcast_in_dim3A_2469, %div3A_2346 : vector<16xi1>, vector<16xf32>
    %gt3A_2471 = arith.cmpf ogt, %select_n3A_2470, %select_n3A_2461 : vector<16xf32>
    %select_n3A_2472 = arith.select %gt3A_2471, %select_n3A_2470, %select_n3A_2461 : vector<16xi1>, vector<16xf32>
    %jit3A_2473 = arith.constant 7 : i32
    %broadcast_in_dim3A_2474 = vector.broadcast %jit3A_2473 : i32 to vector<16xi32>
    %select_n3A_2475 = arith.select %gt3A_2471, %broadcast_in_dim3A_2474, %select_n3A_2464 : vector<16xi1>, vector<16xi32>
    %eq3A_2476 = arith.constant 0 : i32
    %eq3A_2477 = vector.broadcast %eq3A_2476 : i32 to vector<16xi32>
    %eq3A_2478 = arith.cmpi eq, %select_n3A_2383, %eq3A_2477 : vector<16xi32>
    %jit3A_2479 = arith.constant 0.000000e+00 : f32
    %broadcast_in_dim3A_2480 = vector.broadcast %jit3A_2479 : f32 to vector<16xf32>
    %select_n3A_2481 = arith.select %eq3A_2478, %select_n3A_2380, %broadcast_in_dim3A_2480 : vector<16xi1>, vector<16xf32>
    %add3A_2482 = arith.addf %add3A_2179, %select_n3A_2481 : vector<16xf32>
    %eq3A_2483 = arith.constant 0 : i32
    %eq3A_2484 = vector.broadcast %eq3A_2483 : i32 to vector<16xi32>
    %eq3A_2485 = arith.cmpi eq, %select_n3A_2475, %eq3A_2484 : vector<16xi32>
    %jit3A_2486 = arith.constant 0.000000e+00 : f32
    %broadcast_in_dim3A_2487 = vector.broadcast %jit3A_2486 : f32 to vector<16xf32>
    %select_n3A_2488 = arith.select %eq3A_2485, %select_n3A_2472, %broadcast_in_dim3A_2487 : vector<16xi1>, vector<16xf32>
    %add3A_2489 = arith.addf %add3A_2186, %select_n3A_2488 : vector<16xf32>
    %eq3A_2490 = arith.constant 1 : i32
    %eq3A_2491 = vector.broadcast %eq3A_2490 : i32 to vector<16xi32>
    %eq3A_2492 = arith.cmpi eq, %select_n3A_2383, %eq3A_2491 : vector<16xi32>
    %jit3A_2493 = arith.constant 0.000000e+00 : f32
    %broadcast_in_dim3A_2494 = vector.broadcast %jit3A_2493 : f32 to vector<16xf32>
    %select_n3A_2495 = arith.select %eq3A_2492, %select_n3A_2380, %broadcast_in_dim3A_2494 : vector<16xi1>, vector<16xf32>
    %add3A_2496 = arith.addf %add3A_2193, %select_n3A_2495 : vector<16xf32>
    %eq3A_2497 = arith.constant 1 : i32
    %eq3A_2498 = vector.broadcast %eq3A_2497 : i32 to vector<16xi32>
    %eq3A_2499 = arith.cmpi eq, %select_n3A_2475, %eq3A_2498 : vector<16xi32>
    %jit3A_2500 = arith.constant 0.000000e+00 : f32
    %broadcast_in_dim3A_2501 = vector.broadcast %jit3A_2500 : f32 to vector<16xf32>
    %select_n3A_2502 = arith.select %eq3A_2499, %select_n3A_2472, %broadcast_in_dim3A_2501 : vector<16xi1>, vector<16xf32>
    %add3A_2503 = arith.addf %add3A_2200, %select_n3A_2502 : vector<16xf32>
    %eq3A_2504 = arith.constant 2 : i32
    %eq3A_2505 = vector.broadcast %eq3A_2504 : i32 to vector<16xi32>
    %eq3A_2506 = arith.cmpi eq, %select_n3A_2383, %eq3A_2505 : vector<16xi32>
    %jit3A_2507 = arith.constant 0.000000e+00 : f32
    %broadcast_in_dim3A_2508 = vector.broadcast %jit3A_2507 : f32 to vector<16xf32>
    %select_n3A_2509 = arith.select %eq3A_2506, %select_n3A_2380, %broadcast_in_dim3A_2508 : vector<16xi1>, vector<16xf32>
    %add3A_2510 = arith.addf %add3A_2207, %select_n3A_2509 : vector<16xf32>
    %eq3A_2511 = arith.constant 2 : i32
    %eq3A_2512 = vector.broadcast %eq3A_2511 : i32 to vector<16xi32>
    %eq3A_2513 = arith.cmpi eq, %select_n3A_2475, %eq3A_2512 : vector<16xi32>
    %jit3A_2514 = arith.constant 0.000000e+00 : f32
    %broadcast_in_dim3A_2515 = vector.broadcast %jit3A_2514 : f32 to vector<16xf32>
    %select_n3A_2516 = arith.select %eq3A_2513, %select_n3A_2472, %broadcast_in_dim3A_2515 : vector<16xi1>, vector<16xf32>
    %add3A_2517 = arith.addf %add3A_2214, %select_n3A_2516 : vector<16xf32>
    %eq3A_2518 = arith.constant 3 : i32
    %eq3A_2519 = vector.broadcast %eq3A_2518 : i32 to vector<16xi32>
    %eq3A_2520 = arith.cmpi eq, %select_n3A_2383, %eq3A_2519 : vector<16xi32>
    %jit3A_2521 = arith.constant 0.000000e+00 : f32
    %broadcast_in_dim3A_2522 = vector.broadcast %jit3A_2521 : f32 to vector<16xf32>
    %select_n3A_2523 = arith.select %eq3A_2520, %select_n3A_2380, %broadcast_in_dim3A_2522 : vector<16xi1>, vector<16xf32>
    %add3A_2524 = arith.addf %add3A_2221, %select_n3A_2523 : vector<16xf32>
    %eq3A_2525 = arith.constant 3 : i32
    %eq3A_2526 = vector.broadcast %eq3A_2525 : i32 to vector<16xi32>
    %eq3A_2527 = arith.cmpi eq, %select_n3A_2475, %eq3A_2526 : vector<16xi32>
    %jit3A_2528 = arith.constant 0.000000e+00 : f32
    %broadcast_in_dim3A_2529 = vector.broadcast %jit3A_2528 : f32 to vector<16xf32>
    %select_n3A_2530 = arith.select %eq3A_2527, %select_n3A_2472, %broadcast_in_dim3A_2529 : vector<16xi1>, vector<16xf32>
    %add3A_2531 = arith.addf %add3A_2228, %select_n3A_2530 : vector<16xf32>
    %eq3A_2532 = arith.constant 4 : i32
    %eq3A_2533 = vector.broadcast %eq3A_2532 : i32 to vector<16xi32>
    %eq3A_2534 = arith.cmpi eq, %select_n3A_2383, %eq3A_2533 : vector<16xi32>
    %jit3A_2535 = arith.constant 0.000000e+00 : f32
    %broadcast_in_dim3A_2536 = vector.broadcast %jit3A_2535 : f32 to vector<16xf32>
    %select_n3A_2537 = arith.select %eq3A_2534, %select_n3A_2380, %broadcast_in_dim3A_2536 : vector<16xi1>, vector<16xf32>
    %add3A_2538 = arith.addf %add3A_2235, %select_n3A_2537 : vector<16xf32>
    %eq3A_2539 = arith.constant 4 : i32
    %eq3A_2540 = vector.broadcast %eq3A_2539 : i32 to vector<16xi32>
    %eq3A_2541 = arith.cmpi eq, %select_n3A_2475, %eq3A_2540 : vector<16xi32>
    %jit3A_2542 = arith.constant 0.000000e+00 : f32
    %broadcast_in_dim3A_2543 = vector.broadcast %jit3A_2542 : f32 to vector<16xf32>
    %select_n3A_2544 = arith.select %eq3A_2541, %select_n3A_2472, %broadcast_in_dim3A_2543 : vector<16xi1>, vector<16xf32>
    %add3A_2545 = arith.addf %add3A_2242, %select_n3A_2544 : vector<16xf32>
    %eq3A_2546 = arith.constant 5 : i32
    %eq3A_2547 = vector.broadcast %eq3A_2546 : i32 to vector<16xi32>
    %eq3A_2548 = arith.cmpi eq, %select_n3A_2383, %eq3A_2547 : vector<16xi32>
    %jit3A_2549 = arith.constant 0.000000e+00 : f32
    %broadcast_in_dim3A_2550 = vector.broadcast %jit3A_2549 : f32 to vector<16xf32>
    %select_n3A_2551 = arith.select %eq3A_2548, %select_n3A_2380, %broadcast_in_dim3A_2550 : vector<16xi1>, vector<16xf32>
    %add3A_2552 = arith.addf %add3A_2249, %select_n3A_2551 : vector<16xf32>
    %eq3A_2553 = arith.constant 5 : i32
    %eq3A_2554 = vector.broadcast %eq3A_2553 : i32 to vector<16xi32>
    %eq3A_2555 = arith.cmpi eq, %select_n3A_2475, %eq3A_2554 : vector<16xi32>
    %jit3A_2556 = arith.constant 0.000000e+00 : f32
    %broadcast_in_dim3A_2557 = vector.broadcast %jit3A_2556 : f32 to vector<16xf32>
    %select_n3A_2558 = arith.select %eq3A_2555, %select_n3A_2472, %broadcast_in_dim3A_2557 : vector<16xi1>, vector<16xf32>
    %add3A_2559 = arith.addf %add3A_2256, %select_n3A_2558 : vector<16xf32>
    %eq3A_2560 = arith.constant 6 : i32
    %eq3A_2561 = vector.broadcast %eq3A_2560 : i32 to vector<16xi32>
    %eq3A_2562 = arith.cmpi eq, %select_n3A_2383, %eq3A_2561 : vector<16xi32>
    %jit3A_2563 = arith.constant 0.000000e+00 : f32
    %broadcast_in_dim3A_2564 = vector.broadcast %jit3A_2563 : f32 to vector<16xf32>
    %select_n3A_2565 = arith.select %eq3A_2562, %select_n3A_2380, %broadcast_in_dim3A_2564 : vector<16xi1>, vector<16xf32>
    %add3A_2566 = arith.addf %add3A_2263, %select_n3A_2565 : vector<16xf32>
    %eq3A_2567 = arith.constant 6 : i32
    %eq3A_2568 = vector.broadcast %eq3A_2567 : i32 to vector<16xi32>
    %eq3A_2569 = arith.cmpi eq, %select_n3A_2475, %eq3A_2568 : vector<16xi32>
    %jit3A_2570 = arith.constant 0.000000e+00 : f32
    %broadcast_in_dim3A_2571 = vector.broadcast %jit3A_2570 : f32 to vector<16xf32>
    %select_n3A_2572 = arith.select %eq3A_2569, %select_n3A_2472, %broadcast_in_dim3A_2571 : vector<16xi1>, vector<16xf32>
    %add3A_2573 = arith.addf %add3A_2270, %select_n3A_2572 : vector<16xf32>
    %eq3A_2574 = arith.constant 7 : i32
    %eq3A_2575 = vector.broadcast %eq3A_2574 : i32 to vector<16xi32>
    %eq3A_2576 = arith.cmpi eq, %select_n3A_2383, %eq3A_2575 : vector<16xi32>
    %jit3A_2577 = arith.constant 0.000000e+00 : f32
    %broadcast_in_dim3A_2578 = vector.broadcast %jit3A_2577 : f32 to vector<16xf32>
    %select_n3A_2579 = arith.select %eq3A_2576, %select_n3A_2380, %broadcast_in_dim3A_2578 : vector<16xi1>, vector<16xf32>
    %add3A_2580 = arith.addf %add3A_2277, %select_n3A_2579 : vector<16xf32>
    %eq3A_2581 = arith.constant 7 : i32
    %eq3A_2582 = vector.broadcast %eq3A_2581 : i32 to vector<16xi32>
    %eq3A_2583 = arith.cmpi eq, %select_n3A_2475, %eq3A_2582 : vector<16xi32>
    %jit3A_2584 = arith.constant 0.000000e+00 : f32
    %broadcast_in_dim3A_2585 = vector.broadcast %jit3A_2584 : f32 to vector<16xf32>
    %select_n3A_2586 = arith.select %eq3A_2583, %select_n3A_2472, %broadcast_in_dim3A_2585 : vector<16xi1>, vector<16xf32>
    %add3A_2587 = arith.addf %add3A_2284, %select_n3A_2586 : vector<16xf32>
    %swap3A = arith.constant 0 : index
    %swap3A_2588 = tpu.vector_load %arg5[%swap3A] {strides = array<i32>} : memref<256xf32, #tpu.memory_space<vmem>>, vector<16xf32>,
    %swap3A_2589 = vector.shape_cast %swap3A_2588 : vector<16xf32> to vector<16xf32>
    %swap3A_2590 = vector.shape_cast %add3A_2482 : vector<16xf32> to vector<16xf32>
    tpu.vector_store %arg5[%swap3A], %swap3A_2590 {strides = array<i32>} : memref<256xf32, #tpu.memory_space<vmem>>, vector<16xf32>,
    %swap3A_2591 = arith.constant 16 : index
    %swap3A_2592 = tpu.vector_load %arg5[%swap3A_2591] {strides = array<i32>} : memref<256xf32, #tpu.memory_space<vmem>>, vector<16xf32>,
    %swap3A_2593 = vector.shape_cast %swap3A_2592 : vector<16xf32> to vector<16xf32>
    %swap3A_2594 = vector.shape_cast %add3A_2496 : vector<16xf32> to vector<16xf32>
    tpu.vector_store %arg5[%swap3A_2591], %swap3A_2594 {strides = array<i32>} : memref<256xf32, #tpu.memory_space<vmem>>, vector<16xf32>,
    %swap3A_2595 = arith.constant 32 : index
    %swap3A_2596 = tpu.vector_load %arg5[%swap3A_2595] {strides = array<i32>} : memref<256xf32, #tpu.memory_space<vmem>>, vector<16xf32>,
    %swap3A_2597 = vector.shape_cast %swap3A_2596 : vector<16xf32> to vector<16xf32>
    %swap3A_2598 = vector.shape_cast %add3A_2510 : vector<16xf32> to vector<16xf32>
    tpu.vector_store %arg5[%swap3A_2595], %swap3A_2598 {strides = array<i32>} : memref<256xf32, #tpu.memory_space<vmem>>, vector<16xf32>,
    %swap3A_2599 = arith.constant 48 : index
    %swap3A_2600 = tpu.vector_load %arg5[%swap3A_2599] {strides = array<i32>} : memref<256xf32, #tpu.memory_space<vmem>>, vector<16xf32>,
    %swap3A_2601 = vector.shape_cast %swap3A_2600 : vector<16xf32> to vector<16xf32>
    %swap3A_2602 = vector.shape_cast %add3A_2524 : vector<16xf32> to vector<16xf32>
    tpu.vector_store %arg5[%swap3A_2599], %swap3A_2602 {strides = array<i32>} : memref<256xf32, #tpu.memory_space<vmem>>, vector<16xf32>,
    %swap3A_2603 = arith.constant 64 : index
    %swap3A_2604 = tpu.vector_load %arg5[%swap3A_2603] {strides = array<i32>} : memref<256xf32, #tpu.memory_space<vmem>>, vector<16xf32>,
    %swap3A_2605 = vector.shape_cast %swap3A_2604 : vector<16xf32> to vector<16xf32>
    %swap3A_2606 = vector.shape_cast %add3A_2538 : vector<16xf32> to vector<16xf32>
    tpu.vector_store %arg5[%swap3A_2603], %swap3A_2606 {strides = array<i32>} : memref<256xf32, #tpu.memory_space<vmem>>, vector<16xf32>,
    %swap3A_2607 = arith.constant 80 : index
    %swap3A_2608 = tpu.vector_load %arg5[%swap3A_2607] {strides = array<i32>} : memref<256xf32, #tpu.memory_space<vmem>>, vector<16xf32>,
    %swap3A_2609 = vector.shape_cast %swap3A_2608 : vector<16xf32> to vector<16xf32>
    %swap3A_2610 = vector.shape_cast %add3A_2552 : vector<16xf32> to vector<16xf32>
    tpu.vector_store %arg5[%swap3A_2607], %swap3A_2610 {strides = array<i32>} : memref<256xf32, #tpu.memory_space<vmem>>, vector<16xf32>,
    %swap3A_2611 = arith.constant 96 : index
    %swap3A_2612 = tpu.vector_load %arg5[%swap3A_2611] {strides = array<i32>} : memref<256xf32, #tpu.memory_space<vmem>>, vector<16xf32>,
    %swap3A_2613 = vector.shape_cast %swap3A_2612 : vector<16xf32> to vector<16xf32>
    %swap3A_2614 = vector.shape_cast %add3A_2566 : vector<16xf32> to vector<16xf32>
    tpu.vector_store %arg5[%swap3A_2611], %swap3A_2614 {strides = array<i32>} : memref<256xf32, #tpu.memory_space<vmem>>, vector<16xf32>,
    %swap3A_2615 = arith.constant 112 : index
    %swap3A_2616 = tpu.vector_load %arg5[%swap3A_2615] {strides = array<i32>} : memref<256xf32, #tpu.memory_space<vmem>>, vector<16xf32>,
    %swap3A_2617 = vector.shape_cast %swap3A_2616 : vector<16xf32> to vector<16xf32>
    %swap3A_2618 = vector.shape_cast %add3A_2580 : vector<16xf32> to vector<16xf32>
    tpu.vector_store %arg5[%swap3A_2615], %swap3A_2618 {strides = array<i32>} : memref<256xf32, #tpu.memory_space<vmem>>, vector<16xf32>,
    %swap3A_2619 = arith.constant 128 : index
    %swap3A_2620 = tpu.vector_load %arg5[%swap3A_2619] {strides = array<i32>} : memref<256xf32, #tpu.memory_space<vmem>>, vector<16xf32>,
    %swap3A_2621 = vector.shape_cast %swap3A_2620 : vector<16xf32> to vector<16xf32>
    %swap3A_2622 = vector.shape_cast %add3A_2489 : vector<16xf32> to vector<16xf32>
    tpu.vector_store %arg5[%swap3A_2619], %swap3A_2622 {strides = array<i32>} : memref<256xf32, #tpu.memory_space<vmem>>, vector<16xf32>,
    %swap3A_2623 = arith.constant 144 : index
    %swap3A_2624 = tpu.vector_load %arg5[%swap3A_2623] {strides = array<i32>} : memref<256xf32, #tpu.memory_space<vmem>>, vector<16xf32>,
    %swap3A_2625 = vector.shape_cast %swap3A_2624 : vector<16xf32> to vector<16xf32>
    %swap3A_2626 = vector.shape_cast %add3A_2503 : vector<16xf32> to vector<16xf32>
    tpu.vector_store %arg5[%swap3A_2623], %swap3A_2626 {strides = array<i32>} : memref<256xf32, #tpu.memory_space<vmem>>, vector<16xf32>,
    %swap3A_2627 = arith.constant 160 : index
    %swap3A_2628 = tpu.vector_load %arg5[%swap3A_2627] {strides = array<i32>} : memref<256xf32, #tpu.memory_space<vmem>>, vector<16xf32>,
    %swap3A_2629 = vector.shape_cast %swap3A_2628 : vector<16xf32> to vector<16xf32>
    %swap3A_2630 = vector.shape_cast %add3A_2517 : vector<16xf32> to vector<16xf32>
    tpu.vector_store %arg5[%swap3A_2627], %swap3A_2630 {strides = array<i32>} : memref<256xf32, #tpu.memory_space<vmem>>, vector<16xf32>,
    %swap3A_2631 = arith.constant 176 : index
    %swap3A_2632 = tpu.vector_load %arg5[%swap3A_2631] {strides = array<i32>} : memref<256xf32, #tpu.memory_space<vmem>>, vector<16xf32>,
    %swap3A_2633 = vector.shape_cast %swap3A_2632 : vector<16xf32> to vector<16xf32>
    %swap3A_2634 = vector.shape_cast %add3A_2531 : vector<16xf32> to vector<16xf32>
    tpu.vector_store %arg5[%swap3A_2631], %swap3A_2634 {strides = array<i32>} : memref<256xf32, #tpu.memory_space<vmem>>, vector<16xf32>,
    %swap3A_2635 = arith.constant 192 : index
    %swap3A_2636 = tpu.vector_load %arg5[%swap3A_2635] {strides = array<i32>} : memref<256xf32, #tpu.memory_space<vmem>>, vector<16xf32>,
    %swap3A_2637 = vector.shape_cast %swap3A_2636 : vector<16xf32> to vector<16xf32>
    %swap3A_2638 = vector.shape_cast %add3A_2545 : vector<16xf32> to vector<16xf32>
    tpu.vector_store %arg5[%swap3A_2635], %swap3A_2638 {strides = array<i32>} : memref<256xf32, #tpu.memory_space<vmem>>, vector<16xf32>,
    %swap3A_2639 = arith.constant 208 : index
    %swap3A_2640 = tpu.vector_load %arg5[%swap3A_2639] {strides = array<i32>} : memref<256xf32, #tpu.memory_space<vmem>>, vector<16xf32>,
    %swap3A_2641 = vector.shape_cast %swap3A_2640 : vector<16xf32> to vector<16xf32>
    %swap3A_2642 = vector.shape_cast %add3A_2559 : vector<16xf32> to vector<16xf32>
    tpu.vector_store %arg5[%swap3A_2639], %swap3A_2642 {strides = array<i32>} : memref<256xf32, #tpu.memory_space<vmem>>, vector<16xf32>,
    %swap3A_2643 = arith.constant 224 : index
    %swap3A_2644 = tpu.vector_load %arg5[%swap3A_2643] {strides = array<i32>} : memref<256xf32, #tpu.memory_space<vmem>>, vector<16xf32>,
    %swap3A_2645 = vector.shape_cast %swap3A_2644 : vector<16xf32> to vector<16xf32>
    %swap3A_2646 = vector.shape_cast %add3A_2573 : vector<16xf32> to vector<16xf32>
    tpu.vector_store %arg5[%swap3A_2643], %swap3A_2646 {strides = array<i32>} : memref<256xf32, #tpu.memory_space<vmem>>, vector<16xf32>,
    %swap3A_2647 = arith.constant 240 : index
    %swap3A_2648 = tpu.vector_load %arg5[%swap3A_2647] {strides = array<i32>} : memref<256xf32, #tpu.memory_space<vmem>>, vector<16xf32>,
    %swap3A_2649 = vector.shape_cast %swap3A_2648 : vector<16xf32> to vector<16xf32>
    %swap3A_2650 = vector.shape_cast %add3A_2587 : vector<16xf32> to vector<16xf32>
    tpu.vector_store %arg5[%swap3A_2647], %swap3A_2650 {strides = array<i32>} : memref<256xf32, #tpu.memory_space<vmem>>, vector<16xf32>,
    "tpu.region"() ({
      %run_scoped3A = tpu.sem_alloc : memref<!tpu.dma_semaphore, #tpu.memory_space<semaphore_mem>>
      %dma_start3A_2651 = arith.constant 0 : i32
      %dma_start3A_2652 = tpu.memref_slice %arg3[%arg1, %dma_start3A_2651] : memref<16x256xf32, #tpu.memory_space<hbm>> -> memref<1x256xf32, #tpu.memory_space<hbm>>
      %dma_start3A_2653 = tpu.memref_squeeze %dma_start3A_2652 : memref<1x256xf32, #tpu.memory_space<hbm>> -> memref<256xf32, #tpu.memory_space<hbm>>
      %dma_start3A_2654 = arith.constant 0 : i32
      %dma_start3A_2655 = tpu.memref_slice %arg3[%arg1, %dma_start3A_2654] : memref<16x256xf32, #tpu.memory_space<hbm>> -> memref<1x256xf32, #tpu.memory_space<hbm>>
      %dma_start3A_2656 = tpu.memref_squeeze %dma_start3A_2655 : memref<1x256xf32, #tpu.memory_space<hbm>> -> memref<256xf32, #tpu.memory_space<hbm>>
      tpu.enqueue_dma source(%arg5 : memref<256xf32, #tpu.memory_space<vmem>>) target(%dma_start3A_2656 : memref<256xf32, #tpu.memory_space<hbm>>) target_semaphore(%run_scoped3A : memref<!tpu.dma_semaphore, #tpu.memory_space<semaphore_mem>>)
      %dma_wait3A_2657 = arith.constant 0 : i32
      %dma_wait3A_2658 = tpu.memref_slice %arg3[%arg1, %dma_wait3A_2657] : memref<16x256xf32, #tpu.memory_space<hbm>> -> memref<1x256xf32, #tpu.memory_space<hbm>>
      %dma_wait3A_2659 = tpu.memref_squeeze %dma_wait3A_2658 : memref<1x256xf32, #tpu.memory_space<hbm>> -> memref<256xf32, #tpu.memory_space<hbm>>
      %dma_wait3A_2660 = arith.constant 0 : i32
      %dma_wait3A_2661 = tpu.memref_slice %arg3[%arg1, %dma_wait3A_2660] : memref<16x256xf32, #tpu.memory_space<hbm>> -> memref<1x256xf32, #tpu.memory_space<hbm>>
      %dma_wait3A_2662 = tpu.memref_squeeze %dma_wait3A_2661 : memref<1x256xf32, #tpu.memory_space<hbm>> -> memref<256xf32, #tpu.memory_space<hbm>>
      tpu.wait_dma2 semaphore(%run_scoped3A : memref<!tpu.dma_semaphore, #tpu.memory_space<semaphore_mem>>) src(%arg5 : memref<256xf32, #tpu.memory_space<vmem>>) dst(%dma_wait3A_2662 : memref<256xf32, #tpu.memory_space<hbm>>)
      tpu.yield
    }) : () -> ()
    return
  }
}

module attributes {stable_mosaic.version = 14 : i64} {
  func.func @_combine_kernel(%arg0: memref<16x256xf32, #tpu.memory_space<vmem>>, %arg1: memref<8x1024xf32, #tpu.memory_space<vmem>>, %arg2: memref<2x1024xf32, #tpu.memory_space<vmem>>) attributes {dimension_semantics = [], scalar_prefetch = 0 : i64, scratch_operands = 0 : i64, tpu.core_type = #tpu.core_type<tc>} {
    %get3A = arith.constant 0 : index
    %get3A_0 = arith.constant 0 : index
    %get3A_1 = vector.load %arg0[%get3A, %get3A_0] : memref<16x256xf32, #tpu.memory_space<vmem>>, vector<16x256xf32>
    %reduce_sum3A = arith.constant dense<0.000000e+00> : vector<256xf32>
    %reduce_sum3A_2 = vector.multi_reduction <add>, %get3A_1, %reduce_sum3A [0] : vector<16x256xf32> to vector<256xf32>
    %broadcast_in_dim3A = vector.shape_cast %reduce_sum3A_2 : vector<256xf32> to vector<1x256xf32>
    %get3A_3 = arith.constant 0 : index
    %get3A_4 = arith.constant 0 : index
    %get3A_5 = vector.load %arg1[%get3A_3, %get3A_4] : memref<8x1024xf32, #tpu.memory_space<vmem>>, vector<8x1024xf32>
    %broadcast_in_dim3A_6 = arith.constant 0.000000e+00 : f32
    %broadcast_in_dim3A_7 = vector.broadcast %broadcast_in_dim3A_6 : f32 to vector<1x1024xf32>
    %slice3A = vector.extract_strided_slice %broadcast_in_dim3A {offsets = [0, 0], sizes = [1, 16], strides = [1, 1]} : vector<1x256xf32> to vector<1x16xf32>
    %reduce_sum3A_8 = vector.shape_cast %slice3A : vector<1x16xf32> to vector<1x1x16xf32>
    %reduce_sum3A_9 = arith.constant dense<0.000000e+00> : vector<1xf32>
    %reduce_sum3A_10 = vector.multi_reduction <add>, %reduce_sum3A_8, %reduce_sum3A_9 [1, 2] : vector<1x1x16xf32> to vector<1xf32>
    %reduce_sum3A_11 = vector.shape_cast %reduce_sum3A_10 : vector<1xf32> to vector<1x1x1xf32>
    %reduce_sum3A_12 = vector.extract %reduce_sum3A_11[0, 0, 0] : f32 from vector<1x1x1xf32>
    %slice3A_13 = vector.extract_strided_slice %get3A_5 {offsets = [0, 0], sizes = [1, 1024], strides = [1, 1]} : vector<8x1024xf32> to vector<1x1024xf32>
    %mul3A = vector.broadcast %reduce_sum3A_12 : f32 to vector<1x1024xf32>
    %mul3A_14 = arith.mulf %mul3A, %slice3A_13 : vector<1x1024xf32>
    %add3A = arith.addf %broadcast_in_dim3A_7, %mul3A_14 : vector<1x1024xf32>
    %slice3A_15 = vector.extract_strided_slice %broadcast_in_dim3A {offsets = [0, 16], sizes = [1, 16], strides = [1, 1]} : vector<1x256xf32> to vector<1x16xf32>
    %reduce_sum3A_16 = vector.shape_cast %slice3A_15 : vector<1x16xf32> to vector<1x1x16xf32>
    %reduce_sum3A_17 = arith.constant dense<0.000000e+00> : vector<1xf32>
    %reduce_sum3A_18 = vector.multi_reduction <add>, %reduce_sum3A_16, %reduce_sum3A_17 [1, 2] : vector<1x1x16xf32> to vector<1xf32>
    %reduce_sum3A_19 = vector.shape_cast %reduce_sum3A_18 : vector<1xf32> to vector<1x1x1xf32>
    %reduce_sum3A_20 = vector.extract %reduce_sum3A_19[0, 0, 0] : f32 from vector<1x1x1xf32>
    %slice3A_21 = vector.extract_strided_slice %get3A_5 {offsets = [1, 0], sizes = [1, 1024], strides = [1, 1]} : vector<8x1024xf32> to vector<1x1024xf32>
    %mul3A_22 = vector.broadcast %reduce_sum3A_20 : f32 to vector<1x1024xf32>
    %mul3A_23 = arith.mulf %mul3A_22, %slice3A_21 : vector<1x1024xf32>
    %add3A_24 = arith.addf %add3A, %mul3A_23 : vector<1x1024xf32>
    %slice3A_25 = vector.extract_strided_slice %broadcast_in_dim3A {offsets = [0, 32], sizes = [1, 16], strides = [1, 1]} : vector<1x256xf32> to vector<1x16xf32>
    %reduce_sum3A_26 = vector.shape_cast %slice3A_25 : vector<1x16xf32> to vector<1x1x16xf32>
    %reduce_sum3A_27 = arith.constant dense<0.000000e+00> : vector<1xf32>
    %reduce_sum3A_28 = vector.multi_reduction <add>, %reduce_sum3A_26, %reduce_sum3A_27 [1, 2] : vector<1x1x16xf32> to vector<1xf32>
    %reduce_sum3A_29 = vector.shape_cast %reduce_sum3A_28 : vector<1xf32> to vector<1x1x1xf32>
    %reduce_sum3A_30 = vector.extract %reduce_sum3A_29[0, 0, 0] : f32 from vector<1x1x1xf32>
    %slice3A_31 = vector.extract_strided_slice %get3A_5 {offsets = [2, 0], sizes = [1, 1024], strides = [1, 1]} : vector<8x1024xf32> to vector<1x1024xf32>
    %mul3A_32 = vector.broadcast %reduce_sum3A_30 : f32 to vector<1x1024xf32>
    %mul3A_33 = arith.mulf %mul3A_32, %slice3A_31 : vector<1x1024xf32>
    %add3A_34 = arith.addf %add3A_24, %mul3A_33 : vector<1x1024xf32>
    %slice3A_35 = vector.extract_strided_slice %broadcast_in_dim3A {offsets = [0, 48], sizes = [1, 16], strides = [1, 1]} : vector<1x256xf32> to vector<1x16xf32>
    %reduce_sum3A_36 = vector.shape_cast %slice3A_35 : vector<1x16xf32> to vector<1x1x16xf32>
    %reduce_sum3A_37 = arith.constant dense<0.000000e+00> : vector<1xf32>
    %reduce_sum3A_38 = vector.multi_reduction <add>, %reduce_sum3A_36, %reduce_sum3A_37 [1, 2] : vector<1x1x16xf32> to vector<1xf32>
    %reduce_sum3A_39 = vector.shape_cast %reduce_sum3A_38 : vector<1xf32> to vector<1x1x1xf32>
    %reduce_sum3A_40 = vector.extract %reduce_sum3A_39[0, 0, 0] : f32 from vector<1x1x1xf32>
    %slice3A_41 = vector.extract_strided_slice %get3A_5 {offsets = [3, 0], sizes = [1, 1024], strides = [1, 1]} : vector<8x1024xf32> to vector<1x1024xf32>
    %mul3A_42 = vector.broadcast %reduce_sum3A_40 : f32 to vector<1x1024xf32>
    %mul3A_43 = arith.mulf %mul3A_42, %slice3A_41 : vector<1x1024xf32>
    %add3A_44 = arith.addf %add3A_34, %mul3A_43 : vector<1x1024xf32>
    %slice3A_45 = vector.extract_strided_slice %broadcast_in_dim3A {offsets = [0, 64], sizes = [1, 16], strides = [1, 1]} : vector<1x256xf32> to vector<1x16xf32>
    %reduce_sum3A_46 = vector.shape_cast %slice3A_45 : vector<1x16xf32> to vector<1x1x16xf32>
    %reduce_sum3A_47 = arith.constant dense<0.000000e+00> : vector<1xf32>
    %reduce_sum3A_48 = vector.multi_reduction <add>, %reduce_sum3A_46, %reduce_sum3A_47 [1, 2] : vector<1x1x16xf32> to vector<1xf32>
    %reduce_sum3A_49 = vector.shape_cast %reduce_sum3A_48 : vector<1xf32> to vector<1x1x1xf32>
    %reduce_sum3A_50 = vector.extract %reduce_sum3A_49[0, 0, 0] : f32 from vector<1x1x1xf32>
    %slice3A_51 = vector.extract_strided_slice %get3A_5 {offsets = [4, 0], sizes = [1, 1024], strides = [1, 1]} : vector<8x1024xf32> to vector<1x1024xf32>
    %mul3A_52 = vector.broadcast %reduce_sum3A_50 : f32 to vector<1x1024xf32>
    %mul3A_53 = arith.mulf %mul3A_52, %slice3A_51 : vector<1x1024xf32>
    %add3A_54 = arith.addf %add3A_44, %mul3A_53 : vector<1x1024xf32>
    %slice3A_55 = vector.extract_strided_slice %broadcast_in_dim3A {offsets = [0, 80], sizes = [1, 16], strides = [1, 1]} : vector<1x256xf32> to vector<1x16xf32>
    %reduce_sum3A_56 = vector.shape_cast %slice3A_55 : vector<1x16xf32> to vector<1x1x16xf32>
    %reduce_sum3A_57 = arith.constant dense<0.000000e+00> : vector<1xf32>
    %reduce_sum3A_58 = vector.multi_reduction <add>, %reduce_sum3A_56, %reduce_sum3A_57 [1, 2] : vector<1x1x16xf32> to vector<1xf32>
    %reduce_sum3A_59 = vector.shape_cast %reduce_sum3A_58 : vector<1xf32> to vector<1x1x1xf32>
    %reduce_sum3A_60 = vector.extract %reduce_sum3A_59[0, 0, 0] : f32 from vector<1x1x1xf32>
    %slice3A_61 = vector.extract_strided_slice %get3A_5 {offsets = [5, 0], sizes = [1, 1024], strides = [1, 1]} : vector<8x1024xf32> to vector<1x1024xf32>
    %mul3A_62 = vector.broadcast %reduce_sum3A_60 : f32 to vector<1x1024xf32>
    %mul3A_63 = arith.mulf %mul3A_62, %slice3A_61 : vector<1x1024xf32>
    %add3A_64 = arith.addf %add3A_54, %mul3A_63 : vector<1x1024xf32>
    %slice3A_65 = vector.extract_strided_slice %broadcast_in_dim3A {offsets = [0, 96], sizes = [1, 16], strides = [1, 1]} : vector<1x256xf32> to vector<1x16xf32>
    %reduce_sum3A_66 = vector.shape_cast %slice3A_65 : vector<1x16xf32> to vector<1x1x16xf32>
    %reduce_sum3A_67 = arith.constant dense<0.000000e+00> : vector<1xf32>
    %reduce_sum3A_68 = vector.multi_reduction <add>, %reduce_sum3A_66, %reduce_sum3A_67 [1, 2] : vector<1x1x16xf32> to vector<1xf32>
    %reduce_sum3A_69 = vector.shape_cast %reduce_sum3A_68 : vector<1xf32> to vector<1x1x1xf32>
    %reduce_sum3A_70 = vector.extract %reduce_sum3A_69[0, 0, 0] : f32 from vector<1x1x1xf32>
    %slice3A_71 = vector.extract_strided_slice %get3A_5 {offsets = [6, 0], sizes = [1, 1024], strides = [1, 1]} : vector<8x1024xf32> to vector<1x1024xf32>
    %mul3A_72 = vector.broadcast %reduce_sum3A_70 : f32 to vector<1x1024xf32>
    %mul3A_73 = arith.mulf %mul3A_72, %slice3A_71 : vector<1x1024xf32>
    %add3A_74 = arith.addf %add3A_64, %mul3A_73 : vector<1x1024xf32>
    %slice3A_75 = vector.extract_strided_slice %broadcast_in_dim3A {offsets = [0, 112], sizes = [1, 16], strides = [1, 1]} : vector<1x256xf32> to vector<1x16xf32>
    %reduce_sum3A_76 = vector.shape_cast %slice3A_75 : vector<1x16xf32> to vector<1x1x16xf32>
    %reduce_sum3A_77 = arith.constant dense<0.000000e+00> : vector<1xf32>
    %reduce_sum3A_78 = vector.multi_reduction <add>, %reduce_sum3A_76, %reduce_sum3A_77 [1, 2] : vector<1x1x16xf32> to vector<1xf32>
    %reduce_sum3A_79 = vector.shape_cast %reduce_sum3A_78 : vector<1xf32> to vector<1x1x1xf32>
    %reduce_sum3A_80 = vector.extract %reduce_sum3A_79[0, 0, 0] : f32 from vector<1x1x1xf32>
    %slice3A_81 = vector.extract_strided_slice %get3A_5 {offsets = [7, 0], sizes = [1, 1024], strides = [1, 1]} : vector<8x1024xf32> to vector<1x1024xf32>
    %mul3A_82 = vector.broadcast %reduce_sum3A_80 : f32 to vector<1x1024xf32>
    %mul3A_83 = arith.mulf %mul3A_82, %slice3A_81 : vector<1x1024xf32>
    %add3A_84 = arith.addf %add3A_74, %mul3A_83 : vector<1x1024xf32>
    %swap3A = arith.constant 0 : index
    %swap3A_85 = arith.constant 0 : index
    %swap3A_86 = vector.load %arg2[%swap3A, %swap3A_85] : memref<2x1024xf32, #tpu.memory_space<vmem>>, vector<1x1024xf32>
    tpu.vector_store %arg2[%swap3A, %swap3A_85], %add3A_84 {strides = array<i32>} : memref<2x1024xf32, #tpu.memory_space<vmem>>, vector<1x1024xf32>,
    %broadcast_in_dim3A_87 = arith.constant 0.000000e+00 : f32
    %broadcast_in_dim3A_88 = vector.broadcast %broadcast_in_dim3A_87 : f32 to vector<1x1024xf32>
    %slice3A_89 = vector.extract_strided_slice %broadcast_in_dim3A {offsets = [0, 128], sizes = [1, 16], strides = [1, 1]} : vector<1x256xf32> to vector<1x16xf32>
    %reduce_sum3A_90 = vector.shape_cast %slice3A_89 : vector<1x16xf32> to vector<1x1x16xf32>
    %reduce_sum3A_91 = arith.constant dense<0.000000e+00> : vector<1xf32>
    %reduce_sum3A_92 = vector.multi_reduction <add>, %reduce_sum3A_90, %reduce_sum3A_91 [1, 2] : vector<1x1x16xf32> to vector<1xf32>
    %reduce_sum3A_93 = vector.shape_cast %reduce_sum3A_92 : vector<1xf32> to vector<1x1x1xf32>
    %reduce_sum3A_94 = vector.extract %reduce_sum3A_93[0, 0, 0] : f32 from vector<1x1x1xf32>
    %slice3A_95 = vector.extract_strided_slice %get3A_5 {offsets = [0, 0], sizes = [1, 1024], strides = [1, 1]} : vector<8x1024xf32> to vector<1x1024xf32>
    %mul3A_96 = vector.broadcast %reduce_sum3A_94 : f32 to vector<1x1024xf32>
    %mul3A_97 = arith.mulf %mul3A_96, %slice3A_95 : vector<1x1024xf32>
    %add3A_98 = arith.addf %broadcast_in_dim3A_88, %mul3A_97 : vector<1x1024xf32>
    %slice3A_99 = vector.extract_strided_slice %broadcast_in_dim3A {offsets = [0, 144], sizes = [1, 16], strides = [1, 1]} : vector<1x256xf32> to vector<1x16xf32>
    %reduce_sum3A_100 = vector.shape_cast %slice3A_99 : vector<1x16xf32> to vector<1x1x16xf32>
    %reduce_sum3A_101 = arith.constant dense<0.000000e+00> : vector<1xf32>
    %reduce_sum3A_102 = vector.multi_reduction <add>, %reduce_sum3A_100, %reduce_sum3A_101 [1, 2] : vector<1x1x16xf32> to vector<1xf32>
    %reduce_sum3A_103 = vector.shape_cast %reduce_sum3A_102 : vector<1xf32> to vector<1x1x1xf32>
    %reduce_sum3A_104 = vector.extract %reduce_sum3A_103[0, 0, 0] : f32 from vector<1x1x1xf32>
    %slice3A_105 = vector.extract_strided_slice %get3A_5 {offsets = [1, 0], sizes = [1, 1024], strides = [1, 1]} : vector<8x1024xf32> to vector<1x1024xf32>
    %mul3A_106 = vector.broadcast %reduce_sum3A_104 : f32 to vector<1x1024xf32>
    %mul3A_107 = arith.mulf %mul3A_106, %slice3A_105 : vector<1x1024xf32>
    %add3A_108 = arith.addf %add3A_98, %mul3A_107 : vector<1x1024xf32>
    %slice3A_109 = vector.extract_strided_slice %broadcast_in_dim3A {offsets = [0, 160], sizes = [1, 16], strides = [1, 1]} : vector<1x256xf32> to vector<1x16xf32>
    %reduce_sum3A_110 = vector.shape_cast %slice3A_109 : vector<1x16xf32> to vector<1x1x16xf32>
    %reduce_sum3A_111 = arith.constant dense<0.000000e+00> : vector<1xf32>
    %reduce_sum3A_112 = vector.multi_reduction <add>, %reduce_sum3A_110, %reduce_sum3A_111 [1, 2] : vector<1x1x16xf32> to vector<1xf32>
    %reduce_sum3A_113 = vector.shape_cast %reduce_sum3A_112 : vector<1xf32> to vector<1x1x1xf32>
    %reduce_sum3A_114 = vector.extract %reduce_sum3A_113[0, 0, 0] : f32 from vector<1x1x1xf32>
    %slice3A_115 = vector.extract_strided_slice %get3A_5 {offsets = [2, 0], sizes = [1, 1024], strides = [1, 1]} : vector<8x1024xf32> to vector<1x1024xf32>
    %mul3A_116 = vector.broadcast %reduce_sum3A_114 : f32 to vector<1x1024xf32>
    %mul3A_117 = arith.mulf %mul3A_116, %slice3A_115 : vector<1x1024xf32>
    %add3A_118 = arith.addf %add3A_108, %mul3A_117 : vector<1x1024xf32>
    %slice3A_119 = vector.extract_strided_slice %broadcast_in_dim3A {offsets = [0, 176], sizes = [1, 16], strides = [1, 1]} : vector<1x256xf32> to vector<1x16xf32>
    %reduce_sum3A_120 = vector.shape_cast %slice3A_119 : vector<1x16xf32> to vector<1x1x16xf32>
    %reduce_sum3A_121 = arith.constant dense<0.000000e+00> : vector<1xf32>
    %reduce_sum3A_122 = vector.multi_reduction <add>, %reduce_sum3A_120, %reduce_sum3A_121 [1, 2] : vector<1x1x16xf32> to vector<1xf32>
    %reduce_sum3A_123 = vector.shape_cast %reduce_sum3A_122 : vector<1xf32> to vector<1x1x1xf32>
    %reduce_sum3A_124 = vector.extract %reduce_sum3A_123[0, 0, 0] : f32 from vector<1x1x1xf32>
    %slice3A_125 = vector.extract_strided_slice %get3A_5 {offsets = [3, 0], sizes = [1, 1024], strides = [1, 1]} : vector<8x1024xf32> to vector<1x1024xf32>
    %mul3A_126 = vector.broadcast %reduce_sum3A_124 : f32 to vector<1x1024xf32>
    %mul3A_127 = arith.mulf %mul3A_126, %slice3A_125 : vector<1x1024xf32>
    %add3A_128 = arith.addf %add3A_118, %mul3A_127 : vector<1x1024xf32>
    %slice3A_129 = vector.extract_strided_slice %broadcast_in_dim3A {offsets = [0, 192], sizes = [1, 16], strides = [1, 1]} : vector<1x256xf32> to vector<1x16xf32>
    %reduce_sum3A_130 = vector.shape_cast %slice3A_129 : vector<1x16xf32> to vector<1x1x16xf32>
    %reduce_sum3A_131 = arith.constant dense<0.000000e+00> : vector<1xf32>
    %reduce_sum3A_132 = vector.multi_reduction <add>, %reduce_sum3A_130, %reduce_sum3A_131 [1, 2] : vector<1x1x16xf32> to vector<1xf32>
    %reduce_sum3A_133 = vector.shape_cast %reduce_sum3A_132 : vector<1xf32> to vector<1x1x1xf32>
    %reduce_sum3A_134 = vector.extract %reduce_sum3A_133[0, 0, 0] : f32 from vector<1x1x1xf32>
    %slice3A_135 = vector.extract_strided_slice %get3A_5 {offsets = [4, 0], sizes = [1, 1024], strides = [1, 1]} : vector<8x1024xf32> to vector<1x1024xf32>
    %mul3A_136 = vector.broadcast %reduce_sum3A_134 : f32 to vector<1x1024xf32>
    %mul3A_137 = arith.mulf %mul3A_136, %slice3A_135 : vector<1x1024xf32>
    %add3A_138 = arith.addf %add3A_128, %mul3A_137 : vector<1x1024xf32>
    %slice3A_139 = vector.extract_strided_slice %broadcast_in_dim3A {offsets = [0, 208], sizes = [1, 16], strides = [1, 1]} : vector<1x256xf32> to vector<1x16xf32>
    %reduce_sum3A_140 = vector.shape_cast %slice3A_139 : vector<1x16xf32> to vector<1x1x16xf32>
    %reduce_sum3A_141 = arith.constant dense<0.000000e+00> : vector<1xf32>
    %reduce_sum3A_142 = vector.multi_reduction <add>, %reduce_sum3A_140, %reduce_sum3A_141 [1, 2] : vector<1x1x16xf32> to vector<1xf32>
    %reduce_sum3A_143 = vector.shape_cast %reduce_sum3A_142 : vector<1xf32> to vector<1x1x1xf32>
    %reduce_sum3A_144 = vector.extract %reduce_sum3A_143[0, 0, 0] : f32 from vector<1x1x1xf32>
    %slice3A_145 = vector.extract_strided_slice %get3A_5 {offsets = [5, 0], sizes = [1, 1024], strides = [1, 1]} : vector<8x1024xf32> to vector<1x1024xf32>
    %mul3A_146 = vector.broadcast %reduce_sum3A_144 : f32 to vector<1x1024xf32>
    %mul3A_147 = arith.mulf %mul3A_146, %slice3A_145 : vector<1x1024xf32>
    %add3A_148 = arith.addf %add3A_138, %mul3A_147 : vector<1x1024xf32>
    %slice3A_149 = vector.extract_strided_slice %broadcast_in_dim3A {offsets = [0, 224], sizes = [1, 16], strides = [1, 1]} : vector<1x256xf32> to vector<1x16xf32>
    %reduce_sum3A_150 = vector.shape_cast %slice3A_149 : vector<1x16xf32> to vector<1x1x16xf32>
    %reduce_sum3A_151 = arith.constant dense<0.000000e+00> : vector<1xf32>
    %reduce_sum3A_152 = vector.multi_reduction <add>, %reduce_sum3A_150, %reduce_sum3A_151 [1, 2] : vector<1x1x16xf32> to vector<1xf32>
    %reduce_sum3A_153 = vector.shape_cast %reduce_sum3A_152 : vector<1xf32> to vector<1x1x1xf32>
    %reduce_sum3A_154 = vector.extract %reduce_sum3A_153[0, 0, 0] : f32 from vector<1x1x1xf32>
    %slice3A_155 = vector.extract_strided_slice %get3A_5 {offsets = [6, 0], sizes = [1, 1024], strides = [1, 1]} : vector<8x1024xf32> to vector<1x1024xf32>
    %mul3A_156 = vector.broadcast %reduce_sum3A_154 : f32 to vector<1x1024xf32>
    %mul3A_157 = arith.mulf %mul3A_156, %slice3A_155 : vector<1x1024xf32>
    %add3A_158 = arith.addf %add3A_148, %mul3A_157 : vector<1x1024xf32>
    %slice3A_159 = vector.extract_strided_slice %broadcast_in_dim3A {offsets = [0, 240], sizes = [1, 16], strides = [1, 1]} : vector<1x256xf32> to vector<1x16xf32>
    %reduce_sum3A_160 = vector.shape_cast %slice3A_159 : vector<1x16xf32> to vector<1x1x16xf32>
    %reduce_sum3A_161 = arith.constant dense<0.000000e+00> : vector<1xf32>
    %reduce_sum3A_162 = vector.multi_reduction <add>, %reduce_sum3A_160, %reduce_sum3A_161 [1, 2] : vector<1x1x16xf32> to vector<1xf32>
    %reduce_sum3A_163 = vector.shape_cast %reduce_sum3A_162 : vector<1xf32> to vector<1x1x1xf32>
    %reduce_sum3A_164 = vector.extract %reduce_sum3A_163[0, 0, 0] : f32 from vector<1x1x1xf32>
    %slice3A_165 = vector.extract_strided_slice %get3A_5 {offsets = [7, 0], sizes = [1, 1024], strides = [1, 1]} : vector<8x1024xf32> to vector<1x1024xf32>
    %mul3A_166 = vector.broadcast %reduce_sum3A_164 : f32 to vector<1x1024xf32>
    %mul3A_167 = arith.mulf %mul3A_166, %slice3A_165 : vector<1x1024xf32>
    %add3A_168 = arith.addf %add3A_158, %mul3A_167 : vector<1x1024xf32>
    %swap3A_169 = arith.constant 1 : index
    %swap3A_170 = arith.constant 0 : index
    %swap3A_171 = vector.load %arg2[%swap3A_169, %swap3A_170] : memref<2x1024xf32, #tpu.memory_space<vmem>>, vector<1x1024xf32>
    tpu.vector_store %arg2[%swap3A_169, %swap3A_170], %add3A_168 {strides = array<i32>} : memref<2x1024xf32, #tpu.memory_space<vmem>>, vector<1x1024xf32>,
    return
  }
}

module attributes {stable_mosaic.version = 14 : i64} {
  func.func @_logits_kernel(%arg0: memref<2048x1024xf32, #tpu.memory_space<vmem>>, %arg1: memref<1024x8xf32, #tpu.memory_space<vmem>>, %arg2: memref<8x2048xf32, #tpu.memory_space<vmem>>, %arg3: memref<8x2048xf32, #tpu.memory_space<vmem>>) attributes {dimension_semantics = [], scalar_prefetch = 0 : i64, scratch_operands = 0 : i64, tpu.core_type = #tpu.core_type<tc>} {
    %get3A = arith.constant 0 : index
    %get3A_0 = arith.constant 0 : index
    %get3A_1 = vector.load %arg0[%get3A, %get3A_0] : memref<2048x1024xf32, #tpu.memory_space<vmem>>, vector<2048x1024xf32>
    %get3A_2 = arith.constant 0 : index
    %get3A_3 = arith.constant 0 : index
    %get3A_4 = vector.load %arg1[%get3A_2, %get3A_3] : memref<1024x8xf32, #tpu.memory_space<vmem>>, vector<1024x8xf32>
    %dot_general3A = arith.constant dense<0.000000e+00> : vector<2048x8xf32>
    %dot_general3A_5 = tpu.matmul %get3A_1, %get3A_4, %dot_general3A {dimension_numbers = #tpu.dot_dimension_numbers<[1], [0], [0], [1], [0, 0, 1, 1], [], []>, transpose_lhs_hint = false} : vector<2048x1024xf32>, vector<1024x8xf32>, vector<2048x8xf32> -> vector<2048x8xf32>
    %transpose3A = tpu.transpose %dot_general3A_5, [1, 0] : vector<2048x8xf32> -> vector<8x2048xf32>
    %get3A_6 = arith.constant 0 : index
    %get3A_7 = arith.constant 0 : index
    %get3A_8 = vector.load %arg2[%get3A_6, %get3A_7] : memref<8x2048xf32, #tpu.memory_space<vmem>>, vector<8x2048xf32>
    %add3A = arith.addf %transpose3A, %get3A_8 : vector<8x2048xf32>
    %swap3A = arith.constant 0 : index
    %swap3A_9 = arith.constant 0 : index
    %swap3A_10 = vector.load %arg3[%swap3A, %swap3A_9] : memref<8x2048xf32, #tpu.memory_space<vmem>>, vector<8x2048xf32>
    tpu.vector_store %arg3[%swap3A, %swap3A_9], %add3A {strides = array<i32>} : memref<8x2048xf32, #tpu.memory_space<vmem>>, vector<8x2048xf32>,
    return
  }
}

</mosaic_0001>

<sc_bundles>
// kernel: kernel.5.cloned.1.call-start
scs
__scs_entry_jumppad:
0x0: {  	(pc) =	sbr.rel $0x88, $3  }
0x1: {  	(tag) =	ssettag $0x0;
	lr =	simm.s32 $0x1  }
0x2: {  	[smem:$0x3F9F] =	sst lr;
	_ =	strace $0xD0000000  }
0x3: {  	_ = 	snop  }
0x4: {  	_ = 	snop  }
0x5: {  	_ = 	snop  }
0x6: {  	_ = 	snop  }
0x7: {  	_ = 	snop  }
__scs_overlays_trampoline_lowered:
0x8: {  	[smem:$0x3FAE] =	sst s0  }
0x9: {  	[smem:$0x3FAF] =	sst s1  }
0xa: {  	[smem:$0x3FB0] =	sst s2  }
0xb: {  	[smem:$0x3FB1] =	sst s3  }
0xc: {  	[smem:$0x3FB2] =	sst s4  }
0xd: {  	[smem:$0x3FB3] =	sst s5  }
0xe: {  	[smem:$0x3FB4] =	sst s6  }
0xf: {  	[smem:$0x3FB5] =	sst s7  }
0x10: {  	[smem:$0x3FB6] =	sst s8  }
0x11: {  	[smem:$0x3FB7] =	sst s9;
	s0 =	simm.s32 @!p0 $0x0  }
0x12: {  	s1 =	sld [smem:$0x3F9D];
	s0 =	simm.s32 @p0 $0x1  }
0x13: {  	[smem:$0x3FB8] =	sst s0;
	s0 =	simm.s32 @!p1 $0x0  }
0x14: {  	s2 =	sld [smem:$0x3F9C];
	s0 =	simm.s32 @p1 $0x1  }
0x15: {  	[smem:$0x3FB9] =	sst s0;
	s0 =	simm.s32 @!p2 $0x0  }
0x16: {  	s3 =	sld [smem:$0x3FDB];
	s0 =	simm.s32 @p2 $0x1  }
0x17: {  	s4 =	simm.s32 $0x1BF5;
	[smem:$0x3FBB] =	sst s0  }
0x18: {  	s0 =	sld [smem:$0x3F9E];
	_ =	swait.ge [sflag:s4], $0x0  }
0x19: {  	s7 =	sld [smem:$0x3F9F]  }
0x1a: {  	s8 =	sadd.s32 $0xFFFFE003, lr  }
0x1b: {  	s9 =	sadd.s32 $0xFFFFFEF7, lr;
	s5 =	simm.s32 $0xFFFFFFFF;
	p2 =	slt.u32 s8, $0xFFFFF086  }
0x1c: {  	p1 =	slt.u32 s9, $0xF7A;
	s5 =	simm.s32 @!p2 $0x0  }
0x1d: {  	s5 =	simm.s32 @p1 $0x1;
	p0 =	seq.s32 s7, s2  }
0x1e: {  	s7 =	smul.u32 @!p0 $0xF7A, s2;
	p2 =	seq.s32 @!p0 s5, $0x0  }
0x1f: {  	s9 =	smul.u32 $0xF7A, s1;
	s8 =	simm.s32 @!p0 $0x1BF5;
	p2 =	por !p2, p0  }
0x20: {  	[sflag:s8] =	ssyncset.s32 @!p0 $0xFFFFF086;
	s6 =	sadd.s32 @!p0 s3, s7;
	s7 =	simm.s32 @!p0 $0x108  }
0x21: {  	s3 =	sadd.s32 s3, s9;
	s6 =	sadd.s32 @!p0 $0x88, s6;
	s7 =	simm.s32 @p2 $0x1082  }
0x22: {  	[simem:s7], [sflag:s8] =	dma.local @!p0 [hbm:s6], $0xF7A  }
0x23: {  	s9 =	sor.u32 $0xD0000000, s2;
	s6 =	simm.s32 $0x108;
	_ =	swait.ge @!p0 [sflag:s8], $0x0  }
0x24: {  	s3 =	sadd.s32 $0x88, s3;
	s6 =	simm.s32 @!p1 $0x1082;
	[sflag:s4] =	ssyncset.s32 $0xFFFFF086  }
0x25: {  	[simem:s6], [sflag:s4] =	dma.local [hbm:s3], $0xF7A  }
0x26: {  	[smem:$0x3F9F] =	sst s1;
	(tag) =	ssettag s2;
	_ =	strace s9  }
0x27: {  	s1 =	sld [smem:$0x3FAF]  }
0x28: {  	s2 =	sld [smem:$0x3FB0]  }
0x29: {  	s4 =	sld [smem:$0x3FB2]  }
0x2a: {  	p0 =	seq.s32 s5, $0x0;
	s5 =	sld [smem:$0x3FB3]  }
0x2b: {  	s6 =	sld [smem:$0x3FB4]  }
0x2c: {  	s7 =	sld [smem:$0x3FB5]  }
0x2d: {  	s3 =	simm.s32 $0x108;
	s8 =	sld [smem:$0x3FB6]  }
0x2e: {  	s3 =	simm.s32 @!p0 $0x1082;
	s9 =	sld [smem:$0x3FB7]  }
0x2f: {  	lr =	sadd.s32 s0, s3;
	s0 =	sld [smem:$0x3FAE]  }
0x30: {  	s3 =	sld [smem:$0x3FB1]  }
0x31: {  	[smem:$0x3FBA] =	sst s10  }
0x32: {  	s10 =	sld [smem:$0x3FB8];
	_ =	sdelay $0x3  }
0x33: {  	p0 =	seq.s32 s10, $0x1;
	s10 =	sld [smem:$0x3FBA];
	_ =	sdelay $0x3  }
0x34: {  	[smem:$0x3FBA] =	sst s10  }
0x35: {  	s10 =	sld [smem:$0x3FB9];
	_ =	sdelay $0x3  }
0x36: {  	p1 =	seq.s32 s10, $0x1;
	s10 =	sld [smem:$0x3FBA];
	_ =	sdelay $0x3  }
0x37: {  	[smem:$0x3FBA] =	sst s10  }
0x38: {  	s10 =	sld [smem:$0x3FBB]  }
0x39: {  	_ = 	snop;
	(pc) =	sbr.ind lr, $3  }
0x3a: {  	_ = 	snop  }
0x3b: {  	_ = 	snop  }
0x3c: {  	p2 =	seq.s32 s10, $0x1;
	s10 =	sld [smem:$0x3FBA]  }
0x3d: {  	_ =	shalt  }
0x3e: {  	_ =	shalt  }
0x3f: {  	_ =	shalt  }
0x40: {  	_ =	shalt  }
0x41: {  	_ =	shalt  }
0x42: {  	_ =	shalt  }
0x43: {  	_ =	shalt  }
0x44: {  	_ =	shalt  }
0x45: {  	_ =	shalt  }
0x46: {  	_ =	shalt  }
0x47: {  	_ =	shalt  }
0x48: {  	_ =	shalt  }
0x49: {  	_ =	shalt  }
0x4a: {  	_ =	shalt  }
0x4b: {  	_ =	shalt  }
0x4c: {  	_ =	shalt  }
0x4d: {  	_ =	shalt  }
0x4e: {  	_ =	shalt  }
0x4f: {  	_ =	shalt  }
0x50: {  	_ =	shalt  }
0x51: {  	_ =	shalt  }
0x52: {  	_ =	shalt  }
0x53: {  	_ =	shalt  }
0x54: {  	_ =	shalt  }
0x55: {  	_ =	shalt  }
0x56: {  	_ =	shalt  }
0x57: {  	_ =	shalt  }
0x58: {  	_ =	shalt  }
0x59: {  	_ =	shalt  }
0x5a: {  	_ =	shalt  }
0x5b: {  	_ =	shalt  }
0x5c: {  	_ =	shalt  }
0x5d: {  	_ =	shalt  }
0x5e: {  	_ =	shalt  }
0x5f: {  	_ =	shalt  }
0x60: {  	_ =	shalt  }
0x61: {  	_ =	shalt  }
0x62: {  	_ =	shalt  }
0x63: {  	_ =	shalt  }
0x64: {  	_ =	shalt  }
0x65: {  	_ =	shalt  }
0x66: {  	_ =	shalt  }
0x67: {  	_ =	shalt  }
0x68: {  	_ =	shalt  }
0x69: {  	_ =	shalt  }
0x6a: {  	_ =	shalt  }
0x6b: {  	_ =	shalt  }
0x6c: {  	_ =	shalt  }
0x6d: {  	_ =	shalt  }
0x6e: {  	_ =	shalt  }
0x6f: {  	_ =	shalt  }
0x70: {  	_ =	shalt  }
0x71: {  	_ =	shalt  }
0x72: {  	_ =	shalt  }
0x73: {  	_ =	shalt  }
0x74: {  	_ =	shalt  }
0x75: {  	_ =	shalt  }
0x76: {  	_ =	shalt  }
0x77: {  	_ =	shalt  }
0x78: {  	_ =	shalt  }
0x79: {  	_ =	shalt  }
0x7a: {  	_ =	shalt  }
0x7b: {  	_ =	shalt  }
0x7c: {  	_ =	shalt  }
0x7d: {  	_ =	shalt  }
0x7e: {  	_ =	shalt  }
0x7f: {  	_ =	shalt  }
0x80: {  	_ =	shalt  }
0x81: {  	_ =	shalt  }
0x82: {  	_ =	shalt  }
0x83: {  	_ =	shalt  }
0x84: {  	_ =	shalt  }
0x85: {  	_ =	shalt  }
0x86: {  	_ =	shalt  }
0x87: {  	_ =	shalt  }
.Lfunc_end0:
.L_simem_size_0:
called_computation_lowered:
.L_overlay_start_0:
0x88: {  	s0 =	sld [smem:$0x3FD9]  }
0x89: {  	s1 =	sld [smem:$0x3FFE];
	_ =	sdelay $0x3  }
0x8a: {  	s0 =	sadd.s32 s1, s0  }
0x8b: {  	[smem:$0x3FC6] =	sst s0  }
0x8c: {  	_ = 	snop  }
0x8d: {  	(tm) =	ssettm $0x1  }
0x8e: {  	s15 =	sld [smem:$0x3FFB];
	_ =	sdelay $0x3  }
0x8f: {  	_ =	strace s15  }
0x90: {  	s0 =	sld [smem:$0x3FFC];
	_ =	sdelay $0x3  }
0x91: {  	_ =	strace s0  }
0x92: {  	s0 =	sld [smem:$0x3FFD];
	_ =	sdelay $0x3  }
0x93: {  	_ =	strace s0  }
0x94: {  	_ =	strace $0x8FFFFFFF  }
0x95: {  	s16 =	sld [smem:$0x3FDB];
	_ =	sdelay $0x1  }
0x96: {  	s17 =	simm.s32 $_scs_section_size  }
0x97: {  	s2 =	simm.s32 $_size__tile_overlayer_lowered;
	s3 =	simm.s32 $_tile_overlayer_lowered  }
0x98: {  	s20 =	simm.s32 $0x1BFF;
	s19 =	sshll.u32 s3, $0x1;
	s0 =	sadd.s32 s17, s16  }
0x99: {  	s4 =	simm.s32 $0x0;
	s18 =	sshll.u32 s2, $0x1;
	s2 =	sadd.s32 s19, s0  }
0x9a: {  	[timem:s4], [sflag:s20] =	dma.local [hbm:s2], s18  }
0x9b: {  	_ =	swait.ge [sflag:s20], s18  }
0x9c: {  	s1 =	ssub.s32 $0x0, s18;
	[sflag:s20] =	ssyncset.done $0x0  }
0x9d: {  	[sflag:s20] =	ssyncadd.s32 s1;
	_ =	sdelay $0x1  }
0x9e: {  	s21 =	simm.s32 $0x1B8B  }
0x9f: {  	_ =	swait.ge [sflag:s21], $0x1  }
0xa0: {  	[sflag:s21] =	ssyncset.done $0x0  }
0xa1: {  	s23 =	simm.s32 $0x1B8E;
	s22 =	sld [smem:$0x3FFE];
	[sflag:s21] =	ssyncadd.s32 $0xFFFFFFFF  }
0xa2: {  	s24 =	simm.s32 $execute0_lowered;
	[smem:$0x3FD2] =	sst s23  }
0xa3: {  	s2 =	sshll.u32 s24, $0x1;
	_ =	strace $0x80000046;
	[dreg:$0x1] =	wrdreg $0xFFFFFFFF  }
0xa4: {  	s25 =	simm.s32 $_size_execute0_lowered;
	s0 =	sadd.s32 s0, s2;
	[dreg:$0x0] =	wrdreg $0x0  }
0xa5: {  	s2 =	sshll.u32 s25, $0x1;
	[dreg:$0x2] =	wrdreg s0  }
0xa6: {  	[dreg:$0x3] =	wrdreg s2  }
0xa7: {  	[dreg:$0x4] =	wrdreg $0xC0  }
0xa8: {  	_ =	task [dreg:s4], $0x5FFFF  }
0xa9: {  	[dreg:$0x1] =	wrdreg $0xFFFFFFFF  }
0xaa: {  	[dreg:$0x0] =	wrdreg $0x60  }
0xab: {  	[dreg:$0x2] =	wrdreg s22  }
0xac: {  	[dreg:$0x3] =	wrdreg $0x9  }
0xad: {  	_ =	task.clear_ibuf [dreg:s4], $0x4FFFF;
	_ =	strace $0x90000046  }
0xae: {  	s26 =	simm.s32 $0x9;
	_ =	strace $0x80000048  }
0xaf: {  	_ =	swait.ge [sflag:s26], $0x1  }
0xb0: {  	[sflag:s26] =	ssyncadd.s32 $0xFFFFFFFF  }
0xb1: {  	_ =	strace $0x90000048  }
0xb2: {  	_ =	sfence  }
0xb3: {  	s28 =	sld [smem:$0x0];
	_ =	sdelay $0x1  }
0xb4: {  	s29 =	srdreg.scid  }
0xb5: {  	s30 =	sshll.u32 s29, $0xD;
	s31 =	sshrl.u32 s29, $0x2  }
0xb6: {  	s1 =	sand.u32 $0x1, s29;
	s2 =	sand.u32 $0x4000, s30;
	s0 =	sadd.s32 s31, s28  }
0xb7: {  	s1 =	sor.u32 s2, s1;
	s0 =	sshll.u32 s0, $0x11  }
0xb8: {  	s0 =	sor.u32 s0, s1  }
0xb9: {  	s0 =	sadd.s32 $0x8F2B, s0  }
0xba: {  	[sflag:s0] =	ssyncadd.remote.s32 $0x1  }
0xbb: {  	_ =	sfence.sel $0xFFFF  }
0xbc: {  	[dreg:$0x0] =	wrdreg $0xFFFFFFFF;
	(pc) =	sbr.abs _section_cstart, $3  }
0xbd: {  	[dreg:$0x1] =	wrdreg $0xFFFFFFFF  }
0xbe: {  	_ =	task.clear_ibuf [dreg:s4], $0x2FFFF;
	_ =	strace $0x9FFFFFFF  }
0xbf: {  	(tm) =	ssettm $0x7FFFFFFF  }
tec
execute0_lowered:
.L_overlay_start_1:
0x0: {  	(tag) =	ssettag $0x1  }
0x1: {  	s1 =	stileid.u32  }
0x2: {  	s2 =	rddreg [dreg:$0x0];
	s5 =	simm.s32 $0x0;
	s4 =	sshll.u32 s1, $0x7  }
0x3: {  	[smem:$0x7FF] =	sst s5;
	s6 =	sadd.s32 s4, s2  }
0x4: {  	s0 =	rddreg [dreg:$0x1];
	_ =	strace $0x80000047;
	s3 =	sadd.s32 $0xC00, s6  }
0x5: {  	[tilespmem:s5], [sflag:$0x1] =	stream.linear.gather [hbm4b:s3+s5], $0x80, $0x38;
	[tilespmem:$0x500] =	vst v63  }
0x6: {  	s16 =	simm.s32 $0x80;
	s7 =	sadd.s32 $0xC10, s6  }
0x7: {  	[tilespmem:s16], [sflag:$0x1] =	stream.linear.gather [hbm4b:s7+s5], $0x80, $0x38;
	[tilespmem:$0x500] =	vst v63  }
0x8: {  	s8 =	simm.s32 $0x100;
	s17 =	sadd.s32 $0xC20, s6  }
0x9: {  	[tilespmem:s8], [sflag:$0x1] =	stream.linear.gather [hbm4b:s17+s5], $0x80, $0x38;
	[tilespmem:$0x500] =	vst v63  }
0xa: {  	s19 =	simm.s32 $0x180;
	s18 =	sadd.s32 $0xC30, s6  }
0xb: {  	[tilespmem:s19], [sflag:$0x1] =	stream.linear.gather [hbm4b:s18+s5], $0x80, $0x38;
	[tilespmem:$0x500] =	vst v63  }
0xc: {  	s21 =	simm.s32 $0x200;
	s20 =	sadd.s32 $0xC40, s6  }
0xd: {  	[tilespmem:s21], [sflag:$0x1] =	stream.linear.gather [hbm4b:s20+s5], $0x80, $0x38;
	[tilespmem:$0x500] =	vst v63  }
0xe: {  	s23 =	simm.s32 $0x280;
	s22 =	sadd.s32 $0xC50, s6  }
0xf: {  	[tilespmem:s23], [sflag:$0x1] =	stream.linear.gather [hbm4b:s22+s5], $0x80, $0x38;
	[tilespmem:$0x500] =	vst v63  }
0x10: {  	s25 =	simm.s32 $0x300;
	s24 =	sadd.s32 $0xC60, s6  }
0x11: {  	[tilespmem:s25], [sflag:$0x1] =	stream.linear.gather [hbm4b:s24+s5], $0x80, $0x38;
	[tilespmem:$0x500] =	vst v63  }
0x12: {  	s26 =	simm.s32 $0x380;
	s28 =	simm.s32 $0x1;
	s6 =	sadd.s32 $0xC70, s6  }
0x13: {  	[tilespmem:s26], [sflag:$0x1] =	stream.linear.gather [hbm4b:s6+s5], $0x80, $0x38;
	[tilespmem:$0x500] =	vst v63  }
0x14: {  	_ =	swait.ge [sflag:s28], $0x80  }
0x15: {  	[sflag:s28] =	ssyncset.done $0x0  }
0x16: {  	[sflag:s28] =	ssyncadd.s32 $0xFFFFFF80  }
0x17: {  	_ =	swait.ge [sflag:s28], $0x80  }
0x18: {  	[sflag:s28] =	ssyncset.done $0x0  }
0x19: {  	[sflag:s28] =	ssyncadd.s32 $0xFFFFFF80  }
0x1a: {  	_ =	swait.ge [sflag:s28], $0x80  }
0x1b: {  	[sflag:s28] =	ssyncset.done $0x0  }
0x1c: {  	[sflag:s28] =	ssyncadd.s32 $0xFFFFFF80  }
0x1d: {  	_ =	swait.ge [sflag:s28], $0x80  }
0x1e: {  	[sflag:s28] =	ssyncset.done $0x0  }
0x1f: {  	[sflag:s28] =	ssyncadd.s32 $0xFFFFFF80  }
0x20: {  	_ =	swait.ge [sflag:s28], $0x80  }
0x21: {  	[sflag:s28] =	ssyncset.done $0x0  }
0x22: {  	[sflag:s28] =	ssyncadd.s32 $0xFFFFFF80  }
0x23: {  	_ =	swait.ge [sflag:s28], $0x80  }
0x24: {  	[sflag:s28] =	ssyncset.done $0x0  }
0x25: {  	[sflag:s28] =	ssyncadd.s32 $0xFFFFFF80  }
0x26: {  	_ =	swait.ge [sflag:s28], $0x80  }
0x27: {  	[sflag:s28] =	ssyncset.done $0x0  }
0x28: {  	[sflag:s28] =	ssyncadd.s32 $0xFFFFFF80  }
0x29: {  	_ =	swait.ge [sflag:s28], $0x80  }
0x2a: {  	[sflag:s28] =	ssyncset.done $0x0  }
0x2b: {  	[sflag:s28] =	ssyncadd.s32 $0xFFFFFF80  }
0x2c: {  	v0 =	vld [tilespmem:$0x0]  }
0x2d: {  	v1 =	vld [tilespmem:$0x80]  }
0x2e: {  	v2 =	vld [tilespmem:$0x100]  }
0x2f: {  	v3 =	vld [tilespmem:$0x180]  }
0x30: {  	v4 =	vld [tilespmem:$0x200]  }
0x31: {  	v5 =	vld [tilespmem:$0x280]  }
0x32: {  	v6 =	vld [tilespmem:$0x300];
	v7 =	vmax.f32 v0, v1  }
0x33: {  	v8 =	vld [tilespmem:$0x380];
	v7 =	vmax.f32 v7, v2  }
0x34: {  	v7 =	vmax.f32 v7, v3  }
0x35: {  	v7 =	vmax.f32 v7, v4  }
0x36: {  	v7 =	vmax.f32 v7, v5  }
0x37: {  	v7 =	vmax.f32 v7, v6  }
0x38: {  	v7 =	vmax.f32 v7, v8  }
0x39: {  	v0 =	vsub.f32 v0, v7  }
0x3a: {  	v1 =	vsub.f32 v1, v7  }
0x3b: {  	v0 =	vmul.f32 $1.442695020e+00, v0  }
0x3c: {  	v2 =	vsub.f32 v2, v7;
	v1 =	vmul.f32 $1.442695020e+00, v1  }
0x3d: {  	(erf) = vpow2.f32 v0  }
0x3e: {  	v32 =	vsub.f32 v3, v7;
	v31 =	vmul.f32 $1.442695020e+00, v2;
	(erf) = vpow2.f32 v1;
	_ =	sdelay $0x1  }
0x3f: {  	v34 =	vsub.f32 v4, v7;
	v33 =	vmul.f32 $1.442695020e+00, v32;
	(erf) = vpow2.f32 v31;
	_ =	sdelay $0x1  }
0x40: {  	v36 =	vsub.f32 v5, v7;
	v35 =	vmul.f32 $1.442695020e+00, v34;
	(erf) = vpow2.f32 v33;
	_ =	sdelay $0x1  }
0x41: {  	v38 =	vsub.f32 v6, v7;
	v37 =	vmul.f32 $1.442695020e+00, v36;
	(erf) = vpow2.f32 v35;
	_ =	sdelay $0x1  }
0x42: {  	v41 =	vsub.f32 v8, v7;
	v40 =	vmul.f32 $1.442695020e+00, v38;
	v39 =	vpop (erf);
	(erf) = vpow2.f32 v37  }
0x43: {  	v42 =	vpop (erf)  }
0x44: {  	v43 =	vmul.f32 $1.442695020e+00, v41;
	(erf) = vpow2.f32 v40;
	v44 =	vadd.f32 v42, v39  }
0x45: {  	v45 =	vpop (erf)  }
0x46: {  	(erf) = vpow2.f32 v43;
	v46 =	vadd.f32 v44, v45  }
0x47: {  	v52 =	vld [tilespmem:$0x10];
	v47 =	vpop (erf)  }
0x48: {  	v9 =	vld [tilespmem:$0x90];
	v0 =	vadd.f32 v46, v47  }
0x49: {  	v10 =	vld [tilespmem:$0x110];
	v48 =	vpop (erf)  }
0x4a: {  	v11 =	vld [tilespmem:$0x190];
	v0 =	vadd.f32 v0, v48  }
0x4b: {  	v12 =	vld [tilespmem:$0x210];
	v49 =	vpop (erf)  }
0x4c: {  	v13 =	vld [tilespmem:$0x290];
	v0 =	vadd.f32 v0, v49  }
0x4d: {  	v15 =	vld [tilespmem:$0x310];
	v16 =	vmax.f32 v52, v9;
	v50 =	vpop (erf)  }
0x4e: {  	v18 =	vld [tilespmem:$0x390];
	v53 =	vmax.f32 v16, v10;
	v0 =	vadd.f32 v0, v50  }
0x4f: {  	v3 =	vmax.f32 v53, v11;
	v51 =	vpop (erf)  }
0x50: {  	v3 =	vmax.f32 v3, v12;
	v0 =	vadd.f32 v0, v51  }
0x51: {  	v3 =	vmax.f32 v3, v13  }
0x52: {  	v55 =	vmax.f32 v3, v15;
	(erf) = vrcp.f32 v0  }
0x53: {  	v57 =	vmax.f32 v55, v18  }
0x54: {  	v1 =	vsub.f32 v52, v57  }
0x55: {  	v9 =	vsub.f32 v9, v57  }
0x56: {  	v1 =	vmul.f32 $1.442695020e+00, v1  }
0x57: {  	v59 =	vsub.f32 v10, v57;
	v58 =	vmul.f32 $1.442695020e+00, v9  }
0x58: {  	(erf) = vpow2.f32 v1  }
0x59: {  	v62 =	vsub.f32 v11, v57;
	v61 =	vmul.f32 $1.442695020e+00, v59;
	(erf) = vpow2.f32 v58;
	_ =	sdelay $0x1  }
0x5a: {  	v23 =	vsub.f32 v12, v57;
	v22 =	vmul.f32 $1.442695020e+00, v62;
	v14 =	vpop (erf);
	(erf) = vpow2.f32 v61  }
0x5b: {  	v2 =	vmul.f32 v14, v39;
	v17 =	vmul.f32 v14, v42  }
0x5c: {  	v24 =	vsub.f32 v13, v57;
	v9 =	vmul.f32 $1.442695020e+00, v23;
	(erf) = vpow2.f32 v22  }
0x5d: {  	v27 =	vsub.f32 v15, v57;
	v4 =	vmul.f32 v14, v45;
	vm0 =	vgt.f32 v17, v2  }
0x5e: {  	v26 =	vmul.f32 $1.442695020e+00, v24;
	(erf) = vpow2.f32 v9;
	v54 =	vsel vm0, v17, v2  }
0x5f: {  	v30 =	vsub.f32 v18, v57;
	v19 =	vmul.f32 v14, v47;
	vm1 =	vgt.f32 v4, v54  }
0x60: {  	v29 =	vmul.f32 $1.442695020e+00, v27;
	v28 =	vpop (erf);
	(erf) = vpow2.f32 v26;
	v56 =	vsel vm1, v4, v54  }
0x61: {  	v32 =	vmul.f32 $1.442695020e+00, v30;
	v5 =	vmul.f32 v14, v48;
	v31 =	vpop (erf);
	vm2 =	vgt.f32 v19, v56  }
0x62: {  	v33 =	vadd.f32 v31, v28;
	(erf) = vpow2.f32 v29;
	v3 =	vsel vm2, v19, v56  }
0x63: {  	v0 =	vimm.s32 $0x0;
	v6 =	vmul.f32 v14, v49;
	vm3 =	vgt.f32 v5, v3;
	v34 =	vpop (erf)  }
0x64: {  	(erf) = vpow2.f32 v32;
	v20 =	vsel vm3, v5, v3;
	v35 =	vadd.f32 v33, v34  }
0x65: {  	v24 =	vld [tilespmem:$0xA0];
	v60 =	vsel vm0, $0x1, v0;
	v3 =	vmul.f32 v14, v50;
	v36 =	vpop (erf);
	vm11 =	vgt.f32 v6, v20  }
0x66: {  	v63 =	vsel vm1, $0x2, v60;
	v60 =	vld [tilespmem:$0x20];
	v21 =	vsel vm11, v6, v20;
	v9 =	vadd.f32 v35, v36  }
0x67: {  	v1 =	vmul.f32 v14, v51;
	v7 =	vsel vm2, $0x3, v63;
	v38 =	vpop (erf);
	vm1 =	vgt.f32 v3, v21  }
0x68: {  	v7 =	vsel vm3, $0x4, v7;
	v25 =	vsel vm1, v3, v21;
	v9 =	vadd.f32 v9, v38  }
0x69: {  	v7 =	vsel vm11, $0x5, v7;
	v39 =	vpop (erf);
	vm12 =	vgt.f32 v1, v25  }
0x6a: {  	v7 =	vsel vm1, $0x6, v7;
	vm0 =	vmneg vm12;
	v9 =	vadd.f32 v9, v39  }
0x6b: {  	v62 =	vmax.f32 v60, v24;
	v41 =	vpop (erf);
	v7 =	vnsel vm0, $0x7, v7  }
0x6c: {  	vm4 =	vmand vm1, vm0;
	vm7 =	veq.s32 v7, $0x0;
	v9 =	vadd.f32 v9, v41  }
0x6d: {  	v59 =	vsel vm0, v25, v1;
	vm9 =	veq.s32 v7, $0x1;
	v43 =	vpop (erf);
	v2 =	vsel vm7, $0xBF800000, v2  }
0x6e: {  	vm8 =	veq.s32 v7, $0x2;
	vm13 =	vgt.f32 v2, $-1.000000000e+00;
	v44 =	vadd.f32 v9, v43  }
0x6f: {  	vm2 =	veq.s32 v7, $0x3;
	v37 =	vsel vm9, $0xBF800000, v17;
	v2 =	vnsel vm13, $0xBF800000, v2  }
0x70: {  	vm6 =	veq.s32 v7, $0x4;
	vm3 =	vgt.f32 v37, v2;
	(erf) = vrcp.f32 v44  }
0x71: {  	vm5 =	veq.s32 v7, $0x5;
	v4 =	vsel vm8, $0xBF800000, v4;
	v2 =	vsel vm3, v37, v2  }
0x72: {  	v47 =	vsel vm4, $0xBF800000, v3;
	v7 =	vnsel vm0, $0xBF800000, v1;
	vm10 =	vgt.f32 v4, v2  }
0x73: {  	v3 =	vadd.f32 $0.0e+00, v3;
	v40 =	vsel vm2, $0xBF800000, v19;
	v2 =	vsel vm10, v4, v2  }
0x74: {  	v1 =	vadd.f32 $0.0e+00, v1;
	v42 =	vsel vm6, $0xBF800000, v5;
	vm11 =	vgt.f32 v40, v2  }
0x75: {  	v45 =	vsel vm5, $0xBF800000, v6;
	v6 =	vadd.f32 $0.0e+00, v59;
	v2 =	vsel vm11, v40, v2  }
0x76: {  	v11 =	vadd.f32 $0.0e+00, v47;
	v46 =	vsel vm3, $0x1, v0;
	vm12 =	vgt.f32 v42, v2  }
0x77: {  	v10 =	vnsel vm7, $0x0, v6;
	v58 =	vsel vm10, $0x2, v46;
	v2 =	vsel vm12, v42, v2  }
0x78: {  	v8 =	vnsel vm9, $0x0, v6;
	v4 =	vsel vm11, $0x3, v58;
	vm13 =	vgt.f32 v45, v2  }
0x79: {  	v21 =	vnsel vm8, $0x0, v6;
	v4 =	vsel vm12, $0x4, v4;
	v2 =	vsel vm13, v45, v2;
	v61 =	vpop (erf)  }
0x7a: {  	v25 =	vld [tilespmem:$0x120];
	v4 =	vsel vm13, $0x5, v4;
	v12 =	vmul.f32 v61, v28;
	v13 =	vmul.f32 v61, v31  }
0x7b: {  	vm3 =	vgt.f32 v47, v2;
	v29 =	vmul.f32 v61, v34;
	v15 =	vmul.f32 v61, v36  }
0x7c: {  	v16 =	vmul.f32 v61, v38;
	v33 =	vmul.f32 v61, v39;
	v2 =	vsel vm3, v47, v2  }
0x7d: {  	v26 =	vld [tilespmem:$0x1A0];
	v4 =	vsel vm3, $0x6, v4;
	vm14 =	vgt.f32 v7, v2;
	vm13 =	vgt.f32 v13, v12  }
0x7e: {  	v27 =	vld [tilespmem:$0x220];
	vm1 =	vmneg vm14;
	v31 =	vsel vm13, v13, v12;
	v36 =	vsel vm13, $0x1, v0  }
0x7f: {  	v28 =	vld [tilespmem:$0x2A0];
	v2 =	vsel vm1, v2, v7;
	v22 =	vnsel vm1, $0x7, v4;
	v4 =	vmax.f32 v62, v25  }
0x80: {  	v30 =	vld [tilespmem:$0x320];
	vm14 =	vgt.f32 v29, v31;
	v7 =	vadd.f32 $0.0e+00, v7;
	v23 =	vadd.f32 $0.0e+00, v2  }
0x81: {  	v32 =	vld [tilespmem:$0x3A0];
	vm15 =	veq.s32 v22, $0x0;
	vm11 =	veq.s32 v22, $0x1;
	vm12 =	veq.s32 v22, $0x2  }
0x82: {  	v4 =	vmax.f32 v4, v26;
	v31 =	vsel vm14, v29, v31;
	v2 =	vmul.f32 v61, v43  }
0x83: {  	v4 =	vmax.f32 v4, v27;
	v9 =	vnsel vm15, $0x0, v23;
	v17 =	vnsel vm11, $0x0, v23  }
0x84: {  	v14 =	vnsel vm12, $0x0, v23;
	vm15 =	vgt.f32 v15, v31;
	v63 =	vmax.f32 v4, v28  }
0x85: {  	v4 =	vmul.f32 v61, v41;
	v34 =	vsel vm15, v15, v31;
	v18 =	vmax.f32 v63, v30  }
0x86: {  	vm12 =	vgt.f32 v16, v34;
	v35 =	vmax.f32 v18, v32;
	v18 =	vsel vm14, $0x2, v36  }
0x87: {  	v19 =	vsel vm12, v16, v34;
	v20 =	vsub.f32 v60, v35;
	v24 =	vsub.f32 v24, v35  }
0x88: {  	v18 =	vsel vm15, $0x3, v18;
	v25 =	vsub.f32 v25, v35;
	v49 =	vsub.f32 v26, v35  }
0x89: {  	v51 =	vsub.f32 v27, v35;
	vm15 =	veq.s32 v22, $0x3;
	v53 =	vsub.f32 v28, v35  }
0x8a: {  	v55 =	vsub.f32 v30, v35;
	v5 =	vsub.f32 v32, v35;
	vm13 =	vgt.f32 v33, v19  }
0x8b: {  	v18 =	vsel vm12, $0x4, v18;
	vm12 =	veq.s32 v22, $0x4;
	v20 =	vmul.f32 $1.442695020e+00, v20  }
0x8c: {  	v19 =	vsel vm13, v33, v19;
	v24 =	vmul.f32 $1.442695020e+00, v24;
	v48 =	vmul.f32 $1.442695020e+00, v25  }
0x8d: {  	v18 =	vsel vm13, $0x5, v18;
	v50 =	vmul.f32 $1.442695020e+00, v49;
	(erf) = vpow2.f32 v20  }
0x8e: {  	v52 =	vmul.f32 $1.442695020e+00, v51;
	v25 =	vnsel vm15, $0x0, v23;
	(erf) = vpow2.f32 v24  }
0x8f: {  	v27 =	vmul.f32 $1.442695020e+00, v55;
	vm13 =	veq.s32 v22, $0x5;
	v38 =	vmul.f32 $1.442695020e+00, v5  }
0x90: {  	vm7 =	vgt.f32 v4, v19;
	v5 =	vnsel vm13, $0x0, v23;
	(erf) = vpow2.f32 v48  }
0x91: {  	v37 =	vsel vm7, v4, v19;
	v18 =	vsel vm7, $0x6, v18;
	v20 =	vmul.f32 $1.442695020e+00, v53  }
0x92: {  	v19 =	vnsel vm12, $0x0, v23;
	vm14 =	vgt.f32 v2, v37;
	(erf) = vpow2.f32 v50  }
0x93: {  	vm12 =	vmand vm3, vm1;
	v24 =	vnsel vm2, $0x0, v6;
	vm2 =	vmneg vm14  }
0x94: {  	v11 =	vnsel vm12, $0x0, v11;
	v54 =	vnsel vm2, $0x7, v18;
	(erf) = vpow2.f32 v52  }
0x95: {  	v18 =	vnsel vm6, $0x0, v6;
	v34 =	vnsel vm2, $0xBF800000, v2;
	v31 =	vsel vm2, v37, v2  }
0x96: {  	v2 =	vsel vm2, $0x0, v2;
	vm8 =	veq.s32 v54, $0x0;
	v56 =	vpop (erf);
	(erf) = vpow2.f32 v20  }
0x97: {  	vm10 =	veq.s32 v54, $0x1;
	vm11 =	veq.s32 v54, $0x2;
	vm9 =	veq.s32 v54, $0x3;
	v57 =	vpop (erf)  }
0x98: {  	vm6 =	veq.s32 v54, $0x4;
	(erf) = vpow2.f32 v27;
	v39 =	vadd.f32 v57, v56  }
0x99: {  	v12 =	vsel vm8, $0xBF800000, v12;
	v41 =	vsel vm10, $0xBF800000, v13;
	v43 =	vsel vm11, $0xBF800000, v29;
	v23 =	vpop (erf)  }
0x9a: {  	vm14 =	vgt.f32 v12, $-1.000000000e+00;
	(erf) = vpow2.f32 v38;
	v27 =	vadd.f32 v39, v23  }
0x9b: {  	v59 =	vsel vm9, $0xBF800000, v15;
	v40 =	vnsel vm14, $0xBF800000, v12;
	v20 =	vnsel vm5, $0x0, v6;
	v30 =	vpop (erf)  }
0x9c: {  	v6 =	vnsel vm4, $0x0, v3;
	vm4 =	vgt.f32 v41, v40;
	v42 =	vadd.f32 v27, v30  }
0x9d: {  	v61 =	vsel vm6, $0xBF800000, v16;
	v48 =	vnsel vm8, $0x0, v31;
	v3 =	vsel vm4, v41, v40;
	v44 =	vpop (erf)  }
0x9e: {  	v50 =	vnsel vm10, $0x0, v31;
	vm15 =	vgt.f32 v43, v3;
	v13 =	vadd.f32 v42, v44  }
0x9f: {  	v52 =	vnsel vm11, $0x0, v31;
	v16 =	vadd.f32 v48, v10;
	v3 =	vsel vm15, v43, v3;
	v32 =	vpop (erf)  }
0xa0: {  	v48 =	vnsel vm6, $0x0, v31;
	vm13 =	vgt.f32 v59, v3;
	v13 =	vadd.f32 v13, v32  }
0xa1: {  	vm5 =	veq.s32 v54, $0x5;
	v58 =	vsel vm4, $0x1, v0;
	v3 =	vsel vm13, v59, v3;
	v29 =	vpop (erf)  }
0xa2: {  	v62 =	vsel vm5, $0xBF800000, v33;
	vm3 =	vgt.f32 v61, v3;
	v13 =	vadd.f32 v13, v29  }
0xa3: {  	vm4 =	vmand vm7, vm2;
	v60 =	vsel vm15, $0x2, v58;
	v3 =	vsel vm3, v61, v3;
	v63 =	vpop (erf)  }
0xa4: {  	v37 =	vld [tilespmem:$0x30];
	v15 =	vsel vm13, $0x3, v60;
	vm13 =	vgt.f32 v62, v3;
	v13 =	vadd.f32 v13, v63  }
0xa5: {  	v12 =	vsel vm0, $0x0, v1;
	v54 =	vld [tilespmem:$0xB0];
	v33 =	vsel vm4, $0xBF800000, v4;
	v3 =	vsel vm13, v62, v3  }
0xa6: {  	v45 =	vsel vm3, $0x4, v15;
	vm3 =	vgt.f32 v33, v3;
	(erf) = vrcp.f32 v13  }
0xa7: {  	v18 =	vadd.f32 v48, v18;
	v12 =	vadd.f32 v2, v12;
	v3 =	vsel vm3, v33, v3  }
0xa8: {  	v4 =	vnsel vm4, $0x0, v4;
	v46 =	vsel vm13, $0x5, v45;
	vm14 =	vgt.f32 v34, v3  }
0xa9: {  	v6 =	vadd.f32 v4, v6;
	v47 =	vsel vm3, $0x6, v46;
	vm0 =	vmneg vm14  }
0xaa: {  	v41 =	vmax.f32 v37, v54;
	v15 =	vsel vm1, $0x0, v7;
	v35 =	vnsel vm0, $0x7, v47  }
0xab: {  	v36 =	vsel vm0, v3, v34;
	vm3 =	vmand vm3, vm0;
	vm15 =	veq.s32 v35, $0x0  }
0xac: {  	vm8 =	veq.s32 v35, $0x1;
	vm10 =	veq.s32 v35, $0x2;
	v33 =	vnsel vm3, $0x0, v33  }
0xad: {  	vm11 =	veq.s32 v35, $0x3;
	v49 =	vnsel vm15, $0x0, v36;
	v11 =	vadd.f32 v33, v11  }
0xae: {  	v38 =	vld [tilespmem:$0x130];
	v51 =	vnsel vm8, $0x0, v36;
	v13 =	vadd.f32 v49, v9;
	v9 =	vadd.f32 v50, v8  }
0xaf: {  	v55 =	vnsel vm10, $0x0, v36;
	v10 =	vadd.f32 v51, v17;
	v8 =	vadd.f32 v52, v21;
	v53 =	vpop (erf)  }
0xb0: {  	v39 =	vld [tilespmem:$0x1B0];
	v17 =	vadd.f32 v55, v14;
	v28 =	vmul.f32 v53, v56;
	v22 =	vmul.f32 v53, v57  }
0xb1: {  	v40 =	vld [tilespmem:$0x230];
	v56 =	vnsel vm9, $0x0, v31;
	v23 =	vmul.f32 v53, v23;
	v60 =	vmul.f32 v53, v30  }
0xb2: {  	v59 =	vld [tilespmem:$0x2B0];
	v57 =	vnsel vm11, $0x0, v36;
	v27 =	vmul.f32 v53, v44;
	v32 =	vmul.f32 v53, v32  }
0xb3: {  	v61 =	vld [tilespmem:$0x330];
	v44 =	vmax.f32 v41, v38;
	v3 =	vmul.f32 v53, v29;
	v1 =	vmul.f32 v53, v63  }
0xb4: {  	v43 =	vld [tilespmem:$0x3B0];
	v31 =	vnsel vm5, $0x0, v31;
	v14 =	vadd.f32 v56, v24;
	v7 =	vadd.f32 v57, v25  }
0xb5: {  	v41 =	vmax.f32 v44, v39;
	v20 =	vadd.f32 v31, v20;
	vm12 =	vgt.f32 v22, v28  }
0xb6: {  	v57 =	vsel vm0, $0x0, v34;
	v41 =	vmax.f32 v41, v40;
	v58 =	vsel vm12, v22, v28  }
0xb7: {  	v46 =	vmax.f32 v41, v59;
	v47 =	vsel vm12, $0x1, v0;
	vm12 =	veq.s32 v35, $0x4  }
0xb8: {  	v15 =	vadd.f32 v57, v15;
	v26 =	vmax.f32 v46, v61;
	v50 =	vnsel vm12, $0x0, v36  }
0xb9: {  	vm13 =	vgt.f32 v23, v58;
	v26 =	vmax.f32 v26, v43;
	v19 =	vadd.f32 v50, v19  }
0xba: {  	v42 =	vsel vm13, v23, v58;
	v37 =	vsub.f32 v37, v26;
	v21 =	vsub.f32 v54, v26  }
0xbb: {  	v41 =	vsel vm13, $0x2, v47;
	v49 =	vsub.f32 v38, v26;
	v52 =	vsub.f32 v39, v26  }
0xbc: {  	vm14 =	vgt.f32 v60, v42;
	v63 =	vsub.f32 v40, v26;
	v24 =	vsub.f32 v59, v26  }
0xbd: {  	v44 =	vsub.f32 v61, v26;
	v45 =	vsel vm14, v60, v42;
	v37 =	vmul.f32 $1.442695020e+00, v37  }
0xbe: {  	v46 =	vsub.f32 v43, v26;
	vm15 =	vgt.f32 v27, v45;
	v21 =	vmul.f32 $1.442695020e+00, v21  }
0xbf: {  	v41 =	vsel vm14, $0x3, v41;
	v29 =	vsel vm15, v27, v45;
	(erf) = vpow2.f32 v37  }
0xc0: {  	v51 =	vmul.f32 $1.442695020e+00, v49;
	vm11 =	vgt.f32 v32, v29;
	(erf) = vpow2.f32 v21  }
0xc1: {  	vm14 =	veq.s32 v35, $0x5;
	v62 =	vmul.f32 $1.442695020e+00, v52;
	v29 =	vsel vm11, v32, v29  }
0xc2: {  	v39 =	vmul.f32 $1.442695020e+00, v63;
	vm6 =	vgt.f32 v3, v29;
	(erf) = vpow2.f32 v51  }
0xc3: {  	v40 =	vnsel vm14, $0x0, v36;
	v41 =	vsel vm15, $0x4, v41;
	v29 =	vsel vm6, v3, v29  }
0xc4: {  	v41 =	vsel vm11, $0x5, v41;
	(erf) = vpow2.f32 v62;
	vm13 =	vgt.f32 v1, v29  }
0xc5: {  	v42 =	vmul.f32 $1.442695020e+00, v24;
	v41 =	vsel vm6, $0x6, v41;
	vm1 =	vmneg vm13  }
0xc6: {  	v54 =	vmul.f32 $1.442695020e+00, v46;
	(erf) = vpow2.f32 v39;
	v53 =	vnsel vm1, $0x7, v41  }
0xc7: {  	v45 =	vmul.f32 $1.442695020e+00, v44;
	vm3 =	vmand vm6, vm1;
	vm7 =	veq.s32 v53, $0x0  }
0xc8: {  	vm8 =	veq.s32 v53, $0x1;
	v28 =	vsel vm7, $0xBF800000, v28;
	v30 =	vpop (erf);
	(erf) = vpow2.f32 v42  }
0xc9: {  	vm9 =	veq.s32 v53, $0x2;
	v22 =	vsel vm8, $0xBF800000, v22;
	vm15 =	vgt.f32 v28, $-1.000000000e+00;
	v48 =	vpop (erf)  }
0xca: {  	v47 =	vnsel vm15, $0xBF800000, v28;
	(erf) = vpow2.f32 v45;
	v55 =	vadd.f32 v48, v30  }
0xcb: {  	v38 =	vnsel vm1, $0xBF800000, v1;
	v23 =	vsel vm9, $0xBF800000, v23;
	vm12 =	vgt.f32 v22, v47;
	v35 =	vpop (erf)  }
0xcc: {  	(erf) = vpow2.f32 v54;
	v22 =	vsel vm12, v22, v47;
	v56 =	vadd.f32 v55, v35  }
0xcd: {  	v29 =	vsel vm1, v29, v1;
	vm10 =	veq.s32 v53, $0x3;
	v34 =	vpop (erf);
	vm13 =	vgt.f32 v23, v22  }
0xce: {  	v59 =	vsel vm10, $0xBF800000, v60;
	v22 =	vsel vm13, v23, v22;
	v21 =	vadd.f32 v56, v34  }
0xcf: {  	v1 =	vsel vm1, $0x0, v1;
	vm0 =	veq.s32 v53, $0x4;
	v36 =	vpop (erf);
	vm14 =	vgt.f32 v59, v22  }
0xd0: {  	v61 =	vsel vm0, $0xBF800000, v27;
	v22 =	vsel vm14, v59, v22;
	v21 =	vadd.f32 v21, v36  }
0xd1: {  	vm5 =	veq.s32 v53, $0x5;
	v31 =	vsel vm3, $0xBF800000, v3;
	vm15 =	vgt.f32 v61, v22;
	v27 =	vpop (erf)  }
0xd2: {  	v62 =	vsel vm5, $0xBF800000, v32;
	v22 =	vsel vm15, v61, v22;
	v21 =	vadd.f32 v21, v27  }
0xd3: {  	v3 =	vnsel vm3, $0x0, v3;
	v58 =	vsel vm12, $0x1, v0;
	v63 =	vpop (erf);
	vm11 =	vgt.f32 v62, v22  }
0xd4: {  	v60 =	vsel vm13, $0x2, v58;
	v42 =	vsel vm11, v62, v22;
	v41 =	vadd.f32 v21, v63  }
0xd5: {  	v49 =	vnsel vm7, $0x0, v29;
	v25 =	vsel vm14, $0x3, v60;
	v37 =	vpop (erf);
	vm4 =	vgt.f32 v31, v42  }
0xd6: {  	v39 =	vld [tilespmem:$0xC0];
	v43 =	vsel vm15, $0x4, v25;
	v45 =	vsel vm4, v31, v42;
	v44 =	vadd.f32 v41, v37  }
0xd7: {  	v47 =	vld [tilespmem:$0x40];
	v46 =	vsel vm11, $0x5, v43;
	v21 =	vadd.f32 v40, v5;
	vm12 =	vgt.f32 v38, v45  }
0xd8: {  	v51 =	vld [tilespmem:$0x140];
	v5 =	vsel vm4, $0x6, v46;
	vm2 =	vmneg vm12;
	(erf) = vrcp.f32 v44  }
0xd9: {  	v52 =	vnsel vm8, $0x0, v29;
	v16 =	vadd.f32 v49, v16;
	v5 =	vnsel vm2, $0x7, v5  }
0xda: {  	v9 =	vadd.f32 v52, v9;
	v33 =	vsel vm2, v45, v38;
	vm13 =	veq.s32 v5, $0x0  }
0xdb: {  	v55 =	vnsel vm9, $0x0, v29;
	v59 =	vnsel vm10, $0x0, v29;
	v50 =	vnsel vm13, $0x0, v33  }
0xdc: {  	v58 =	vmax.f32 v47, v39;
	v26 =	vadd.f32 v59, v14;
	v22 =	vadd.f32 v50, v13;
	v13 =	vld [tilespmem:$0x1C0]  }
0xdd: {  	v54 =	vld [tilespmem:$0x240];
	v25 =	vadd.f32 v55, v8;
	v4 =	vmax.f32 v58, v51;
	v55 =	vnsel vm5, $0x0, v29  }
0xde: {  	v45 =	vnsel vm0, $0x0, v29;
	vm14 =	veq.s32 v5, $0x1;
	vm15 =	veq.s32 v5, $0x2  }
0xdf: {  	v57 =	vld [tilespmem:$0x2C0];
	vm4 =	vmand vm4, vm2;
	v53 =	vnsel vm14, $0x0, v33;
	v56 =	vnsel vm15, $0x0, v33  }
0xe0: {  	vm11 =	veq.s32 v5, $0x3;
	v23 =	vadd.f32 v53, v10;
	v10 =	vadd.f32 v56, v17;
	v17 =	vld [tilespmem:$0x340]  }
0xe1: {  	v43 =	vld [tilespmem:$0x3C0];
	vm10 =	veq.s32 v5, $0x4;
	v40 =	vnsel vm4, $0x0, v31;
	v4 =	vmax.f32 v4, v13;
	v60 =	vpop (erf)  }
0xe2: {  	v4 =	vmax.f32 v4, v54;
	v30 =	vmul.f32 v60, v30;
	v28 =	vmul.f32 v60, v48  }
0xe3: {  	v48 =	vnsel vm11, $0x0, v33;
	v49 =	vmul.f32 v60, v35;
	v34 =	vmul.f32 v60, v34  }
0xe4: {  	v4 =	vmax.f32 v4, v57;
	v36 =	vmul.f32 v60, v36;
	v27 =	vmul.f32 v60, v27  }
0xe5: {  	v7 =	vadd.f32 v48, v7;
	v4 =	vmax.f32 v4, v17;
	vm12 =	vgt.f32 v28, v30  }
0xe6: {  	v62 =	vmax.f32 v4, v43;
	v4 =	vmul.f32 v60, v63;
	v61 =	vsel vm12, v28, v30  }
0xe7: {  	v2 =	vsub.f32 v47, v62;
	v63 =	vsel vm12, $0x1, v0;
	v50 =	vsub.f32 v51, v62  }
0xe8: {  	v51 =	vnsel vm10, $0x0, v33;
	v13 =	vsub.f32 v13, v62;
	v54 =	vsub.f32 v54, v62  }
0xe9: {  	vm12 =	veq.s32 v5, $0x5;
	v57 =	vsub.f32 v57, v62;
	v5 =	vadd.f32 v55, v20  }
0xea: {  	v17 =	vsub.f32 v17, v62;
	vm13 =	vgt.f32 v49, v61;
	v58 =	vnsel vm12, $0x0, v33  }
0xeb: {  	v8 =	vsel vm13, v49, v61;
	v44 =	vmul.f32 $1.442695020e+00, v2;
	v2 =	vmul.f32 v60, v37  }
0xec: {  	v32 =	vsel vm13, $0x2, v63;
	v52 =	vmul.f32 $1.442695020e+00, v50;
	v13 =	vmul.f32 $1.442695020e+00, v13  }
0xed: {  	v56 =	vmul.f32 $1.442695020e+00, v54;
	v60 =	vmul.f32 $1.442695020e+00, v57;
	vm14 =	vgt.f32 v34, v8  }
0xee: {  	v8 =	vsel vm14, v34, v8;
	(erf) = vpow2.f32 v44;
	v44 =	vsub.f32 v39, v62  }
0xef: {  	v61 =	vmul.f32 $1.442695020e+00, v17;
	v21 =	vadd.f32 v58, v21;
	vm15 =	vgt.f32 v36, v8  }
0xf0: {  	v32 =	vsel vm14, $0x3, v32;
	v8 =	vsel vm15, v36, v8;
	v37 =	vmul.f32 $1.442695020e+00, v44  }
0xf1: {  	v39 =	vadd.f32 v45, v18;
	v62 =	vsub.f32 v43, v62;
	vm9 =	vgt.f32 v27, v8  }
0xf2: {  	v43 =	vsel vm2, $0x0, v38;
	v8 =	vsel vm9, v27, v8;
	(erf) = vpow2.f32 v37  }
0xf3: {  	v15 =	vadd.f32 v43, v15;
	v32 =	vsel vm15, $0x4, v32;
	vm7 =	vgt.f32 v4, v8  }
0xf4: {  	v35 =	vmul.f32 $1.442695020e+00, v62;
	(erf) = vpow2.f32 v52;
	v46 =	vsel vm7, v4, v8  }
0xf5: {  	v32 =	vsel vm9, $0x5, v32;
	(erf) = vpow2.f32 v13;
	vm11 =	vgt.f32 v2, v46  }
0xf6: {  	v32 =	vsel vm7, $0x6, v32;
	(erf) = vpow2.f32 v56;
	vm0 =	vmneg vm11  }
0xf7: {  	v8 =	vadd.f32 v51, v19;
	v53 =	vnsel vm0, $0x7, v32;
	v29 =	vpop (erf);
	(erf) = vpow2.f32 v60  }
0xf8: {  	vm2 =	vmand vm7, vm0;
	v20 =	vnsel vm0, $0xBF800000, v2;
	vm6 =	veq.s32 v53, $0x0  }
0xf9: {  	vm8 =	veq.s32 v53, $0x1;
	vm1 =	veq.s32 v53, $0x2;
	vm10 =	veq.s32 v53, $0x3  }
0xfa: {  	vm9 =	veq.s32 v53, $0x4;
	vm4 =	veq.s32 v53, $0x5;
	v59 =	vsel vm6, $0xBF800000, v30  }
0xfb: {  	v33 =	vsel vm8, $0xBF800000, v28;
	v14 =	vsel vm1, $0xBF800000, v49;
	v48 =	vsel vm10, $0xBF800000, v34;
	v28 =	vpop (erf)  }
0xfc: {  	v49 =	vsel vm9, $0xBF800000, v36;
	(erf) = vpow2.f32 v61;
	v37 =	vadd.f32 v28, v29  }
0xfd: {  	v51 =	vsel vm4, $0xBF800000, v27;
	v30 =	vsel vm0, v46, v2;
	vm13 =	vgt.f32 v59, $-1.000000000e+00;
	v31 =	vpop (erf)  }
0xfe: {  	v63 =	vnsel vm13, $0xBF800000, v59;
	(erf) = vpow2.f32 v35;
	v41 =	vadd.f32 v37, v31  }
0xff: {  	v2 =	vsel vm0, $0x0, v2;
	v54 =	vnsel vm6, $0x0, v30;
	vm3 =	vgt.f32 v33, v63;
	v44 =	vpop (erf)  }
0x100: {  	v56 =	vnsel vm8, $0x0, v30;
	v19 =	vsel vm3, v33, v63;
	v13 =	vadd.f32 v41, v44  }
0x101: {  	v58 =	vnsel vm1, $0x0, v30;
	v62 =	vnsel vm10, $0x0, v30;
	vm14 =	vgt.f32 v14, v19;
	v33 =	vpop (erf)  }
0x102: {  	v9 =	vadd.f32 v56, v9;
	v14 =	vsel vm14, v14, v19;
	v13 =	vadd.f32 v13, v33  }
0x103: {  	v35 =	vsel vm2, $0xBF800000, v4;
	v47 =	vsel vm3, $0x1, v0;
	vm15 =	vgt.f32 v48, v14;
	v34 =	vpop (erf)  }
0x104: {  	v24 =	vsel vm14, $0x2, v47;
	v14 =	vsel vm15, v48, v14;
	v13 =	vadd.f32 v13, v34  }
0x105: {  	v4 =	vnsel vm2, $0x0, v4;
	v50 =	vsel vm15, $0x3, v24;
	vm12 =	vgt.f32 v49, v14;
	v27 =	vpop (erf)  }
0x106: {  	v24 =	vadd.f32 v1, v12;
	v14 =	vsel vm12, v49, v14;
	v13 =	vadd.f32 v13, v27  }
0x107: {  	v48 =	vnsel vm9, $0x0, v30;
	v30 =	vnsel vm4, $0x0, v30;
	vm13 =	vgt.f32 v51, v14;
	v36 =	vpop (erf)  }
0x108: {  	v60 =	vld [tilespmem:$0xD0];
	v1 =	vadd.f32 v48, v39;
	v19 =	vsel vm13, v51, v14;
	v13 =	vadd.f32 v13, v36  }
0x109: {  	v59 =	vld [tilespmem:$0x50];
	v18 =	vsel vm12, $0x4, v50;
	v14 =	vadd.f32 v3, v6;
	vm5 =	vgt.f32 v35, v19  }
0x10a: {  	v53 =	vsel vm13, $0x5, v18;
	v52 =	vsel vm5, v35, v19;
	(erf) = vrcp.f32 v13  }
0x10b: {  	v18 =	vadd.f32 v40, v11;
	v11 =	vadd.f32 v58, v25;
	vm14 =	vgt.f32 v20, v52  }
0x10c: {  	v63 =	vld [tilespmem:$0x150];
	v6 =	vsel vm5, $0x6, v53;
	v19 =	vadd.f32 v62, v26;
	vm3 =	vmneg vm14  }
0x10d: {  	v47 =	vld [tilespmem:$0x1D0];
	v37 =	vnsel vm3, $0x7, v6;
	v38 =	vsel vm3, v52, v20;
	v13 =	vadd.f32 v54, v16  }
0x10e: {  	v49 =	vld [tilespmem:$0x250];
	v52 =	vmax.f32 v59, v60;
	vm15 =	veq.s32 v37, $0x0;
	vm11 =	veq.s32 v37, $0x1  }
0x10f: {  	v50 =	vld [tilespmem:$0x2D0];
	vm12 =	veq.s32 v37, $0x2;
	vm13 =	veq.s32 v37, $0x3;
	v55 =	vnsel vm15, $0x0, v38  }
0x110: {  	v51 =	vld [tilespmem:$0x350];
	v57 =	vnsel vm11, $0x0, v38;
	v61 =	vnsel vm12, $0x0, v38;
	v45 =	vnsel vm13, $0x0, v38  }
0x111: {  	v54 =	vld [tilespmem:$0x3D0];
	v6 =	vadd.f32 v55, v22;
	v22 =	vadd.f32 v45, v7;
	v7 =	vmax.f32 v52, v63  }
0x112: {  	vm12 =	veq.s32 v37, $0x4;
	v17 =	vadd.f32 v57, v23;
	v7 =	vmax.f32 v7, v47  }
0x113: {  	v12 =	vadd.f32 v61, v10;
	v52 =	vsel vm3, $0x0, v20;
	v55 =	vmax.f32 v7, v49;
	v46 =	vpop (erf)  }
0x114: {  	v15 =	vadd.f32 v52, v15;
	v56 =	vmax.f32 v55, v50;
	v29 =	vmul.f32 v46, v29  }
0x115: {  	v28 =	vmul.f32 v46, v28;
	v7 =	vmul.f32 v46, v27;
	v27 =	vmax.f32 v56, v51  }
0x116: {  	v31 =	vmul.f32 v46, v31;
	v32 =	vmul.f32 v46, v44;
	v27 =	vmax.f32 v27, v54  }
0x117: {  	v33 =	vmul.f32 v46, v33;
	v34 =	vmul.f32 v46, v34;
	v16 =	vsub.f32 v59, v27  }
0x118: {  	v3 =	vmul.f32 v46, v36;
	v23 =	vsub.f32 v60, v27;
	v25 =	vsub.f32 v63, v27  }
0x119: {  	vm14 =	vgt.f32 v28, v29;
	v10 =	vsub.f32 v47, v27;
	v62 =	vsub.f32 v49, v27  }
0x11a: {  	v60 =	vnsel vm12, $0x0, v38;
	v26 =	vsub.f32 v50, v27;
	v39 =	vsub.f32 v51, v27  }
0x11b: {  	v44 =	vsub.f32 v54, v27;
	v53 =	vsel vm14, v28, v29;
	v58 =	vsel vm14, $0x1, v0  }
0x11c: {  	v40 =	vadd.f32 v60, v8;
	vm14 =	veq.s32 v37, $0x5;
	v16 =	vmul.f32 $1.442695020e+00, v16  }
0x11d: {  	vm15 =	vgt.f32 v31, v53;
	v23 =	vmul.f32 $1.442695020e+00, v23;
	v59 =	vmul.f32 $1.442695020e+00, v25  }
0x11e: {  	v10 =	vmul.f32 $1.442695020e+00, v10;
	v25 =	vmul.f32 $1.442695020e+00, v62;
	v41 =	vsel vm15, v31, v53  }
0x11f: {  	v37 =	vmul.f32 $1.442695020e+00, v26;
	vm9 =	vgt.f32 v32, v41;
	(erf) = vpow2.f32 v16  }
0x120: {  	v43 =	vmul.f32 $1.442695020e+00, v39;
	v57 =	vsel vm9, v32, v41;
	(erf) = vpow2.f32 v23  }
0x121: {  	v46 =	vmul.f32 $1.442695020e+00, v44;
	v41 =	vsel vm15, $0x2, v58;
	vm10 =	vgt.f32 v33, v57  }
0x122: {  	vm15 =	vmand vm5, vm3;
	(erf) = vpow2.f32 v59;
	v36 =	vsel vm10, v33, v57  }
0x123: {  	v41 =	vsel vm9, $0x3, v41;
	v48 =	vnsel vm15, $0x0, v35;
	vm11 =	vgt.f32 v34, v36  }
0x124: {  	v41 =	vsel vm10, $0x4, v41;
	(erf) = vpow2.f32 v10;
	v36 =	vsel vm11, v34, v36  }
0x125: {  	(erf) = vpow2.f32 v25;
	v25 =	vadd.f32 v30, v5;
	vm6 =	vgt.f32 v7, v36  }
0x126: {  	v61 =	vsel vm11, $0x5, v41;
	v41 =	vnsel vm14, $0x0, v38;
	v36 =	vsel vm6, v7, v36  }
0x127: {  	v23 =	vadd.f32 v41, v21;
	v21 =	vadd.f32 v4, v14;
	vm13 =	vgt.f32 v3, v36  }
0x128: {  	v63 =	vsel vm6, $0x6, v61;
	vm1 =	vmneg vm13;
	v26 =	vpop (erf);
	(erf) = vpow2.f32 v37  }
0x129: {  	v8 =	vnsel vm1, $0x7, v63;
	v27 =	vpop (erf);
	(erf) = vpow2.f32 v43;
	vm3 =	vmand vm6, vm1  }
0x12a: {  	v63 =	vsel vm1, v36, v3;
	vm7 =	veq.s32 v8, $0x0;
	v47 =	vadd.f32 v27, v26  }
0x12b: {  	v49 =	vpop (erf);
	vm8 =	veq.s32 v8, $0x1;
	(erf) = vpow2.f32 v46;
	vm9 =	veq.s32 v8, $0x2  }
0x12c: {  	vm10 =	veq.s32 v8, $0x3;
	v45 =	vsel vm7, $0xBF800000, v29;
	v50 =	vadd.f32 v47, v49  }
0x12d: {  	vm0 =	veq.s32 v8, $0x5;
	v51 =	vsel vm8, $0xBF800000, v28;
	v28 =	vpop (erf);
	vm5 =	vgt.f32 v45, $-1.000000000e+00  }
0x12e: {  	v37 =	vsel vm3, $0xBF800000, v7;
	v5 =	vnsel vm5, $0xBF800000, v45;
	v10 =	vadd.f32 v50, v28  }
0x12f: {  	v7 =	vnsel vm3, $0x0, v7;
	v53 =	vsel vm9, $0xBF800000, v31;
	v31 =	vpop (erf);
	vm12 =	vgt.f32 v51, v5  }
0x130: {  	v55 =	vsel vm10, $0xBF800000, v32;
	v5 =	vsel vm12, v51, v5;
	v10 =	vadd.f32 v10, v31  }
0x131: {  	v59 =	vsel vm0, $0xBF800000, v34;
	v29 =	vnsel vm1, $0xBF800000, v3;
	vm13 =	vgt.f32 v53, v5;
	v32 =	vpop (erf)  }
0x132: {  	vm5 =	veq.s32 v8, $0x4;
	v5 =	vsel vm13, v53, v5;
	v10 =	vadd.f32 v10, v32  }
0x133: {  	v41 =	vnsel vm8, $0x0, v63;
	v56 =	vsel vm5, $0xBF800000, v33;
	vm14 =	vgt.f32 v55, v5;
	v33 =	vpop (erf)  }
0x134: {  	v43 =	vnsel vm9, $0x0, v63;
	v5 =	vsel vm14, v55, v5;
	v57 =	vadd.f32 v10, v33  }
0x135: {  	v14 =	vadd.f32 v41, v9;
	v11 =	vadd.f32 v43, v11;
	v34 =	vpop (erf);
	vm15 =	vgt.f32 v56, v5  }
0x136: {  	v45 =	vnsel vm10, $0x0, v63;
	v5 =	vsel vm15, v56, v5;
	v8 =	vadd.f32 v57, v34  }
0x137: {  	v50 =	vnsel vm5, $0x0, v63;
	v54 =	vsel vm12, $0x1, v0;
	vm12 =	vgt.f32 v59, v5  }
0x138: {  	v20 =	vsel vm13, $0x2, v54;
	v60 =	vsel vm12, v59, v5;
	(erf) = vrcp.f32 v8  }
0x139: {  	v58 =	vsel vm14, $0x3, v20;
	v20 =	vadd.f32 v48, v18;
	vm4 =	vgt.f32 v37, v60  }
0x13a: {  	v18 =	vnsel vm7, $0x0, v63;
	v61 =	vsel vm15, $0x4, v58;
	v4 =	vsel vm4, v37, v60  }
0x13b: {  	v10 =	vadd.f32 v2, v24;
	v62 =	vsel vm12, $0x5, v61;
	vm13 =	vgt.f32 v29, v4  }
0x13c: {  	v16 =	vadd.f32 v18, v13;
	v2 =	vsel vm4, $0x6, v62;
	vm2 =	vmneg vm13  }
0x13d: {  	v24 =	vnsel vm0, $0x0, v63;
	v8 =	vadd.f32 v50, v1;
	v35 =	vnsel vm2, $0x7, v2  }
0x13e: {  	v36 =	vsel vm2, v4, v29;
	v2 =	vadd.f32 v24, v25;
	vm4 =	vmand vm4, vm2  }
0x13f: {  	vm14 =	veq.s32 v35, $0x0;
	vm15 =	veq.s32 v35, $0x1;
	vm9 =	veq.s32 v35, $0x2  }
0x140: {  	vm11 =	veq.s32 v35, $0x3;
	vm13 =	veq.s32 v35, $0x4;
	v39 =	vnsel vm14, $0x0, v36  }
0x141: {  	v42 =	vnsel vm15, $0x0, v36;
	v44 =	vnsel vm9, $0x0, v36;
	v47 =	vnsel vm11, $0x0, v36;
	v46 =	vpop (erf)  }
0x142: {  	v48 =	vld [tilespmem:$0x60];
	v18 =	vadd.f32 v39, v6;
	v13 =	vadd.f32 v42, v17;
	v26 =	vmul.f32 v46, v26  }
0x143: {  	v9 =	vadd.f32 v47, v22;
	v27 =	vmul.f32 v46, v27;
	v22 =	vmul.f32 v46, v49;
	v49 =	vld [tilespmem:$0xE0]  }
0x144: {  	v52 =	vld [tilespmem:$0x160];
	v53 =	vnsel vm13, $0x0, v36;
	v17 =	vadd.f32 v44, v12;
	v12 =	vadd.f32 v45, v19  }
0x145: {  	v54 =	vld [tilespmem:$0x1E0];
	v5 =	vadd.f32 v53, v40;
	v28 =	vmul.f32 v46, v28;
	vm12 =	vgt.f32 v27, v26  }
0x146: {  	v56 =	vld [tilespmem:$0x260];
	v31 =	vmul.f32 v46, v31;
	v32 =	vmul.f32 v46, v32;
	v51 =	vsel vm12, v27, v26  }
0x147: {  	v57 =	vld [tilespmem:$0x2E0];
	v4 =	vmul.f32 v46, v33;
	v1 =	vmul.f32 v46, v34;
	vm14 =	vgt.f32 v22, v51  }
0x148: {  	v59 =	vld [tilespmem:$0x360];
	v45 =	vsel vm12, $0x1, v0;
	v55 =	vsel vm14, v22, v51;
	v60 =	vmax.f32 v48, v49  }
0x149: {  	v61 =	vld [tilespmem:$0x3E0];
	vm12 =	veq.s32 v35, $0x5;
	vm15 =	vgt.f32 v28, v55;
	v62 =	vmax.f32 v60, v52  }
0x14a: {  	v53 =	vnsel vm12, $0x0, v36;
	v58 =	vsel vm15, v28, v55;
	v44 =	vmax.f32 v62, v54  }
0x14b: {  	v41 =	vsel vm14, $0x2, v45;
	vm9 =	vgt.f32 v31, v58;
	v34 =	vmax.f32 v44, v56  }
0x14c: {  	v41 =	vsel vm15, $0x3, v41;
	v63 =	vsel vm9, v31, v58;
	v34 =	vmax.f32 v34, v57  }
0x14d: {  	v62 =	vnsel vm4, $0x0, v37;
	vm10 =	vgt.f32 v32, v63;
	v34 =	vmax.f32 v34, v59  }
0x14e: {  	v41 =	vsel vm9, $0x4, v41;
	v6 =	vsel vm10, v32, v63;
	v34 =	vmax.f32 v34, v61  }
0x14f: {  	v46 =	vsel vm10, $0x5, v41;
	v19 =	vsub.f32 v48, v34;
	v47 =	vsub.f32 v49, v34  }
0x150: {  	v63 =	vsel vm1, $0x0, v3;
	v50 =	vsub.f32 v52, v34;
	v52 =	vsub.f32 v54, v34  }
0x151: {  	vm5 =	vgt.f32 v4, v6;
	v30 =	vsub.f32 v56, v34;
	v57 =	vsub.f32 v57, v34  }
0x152: {  	v59 =	vsub.f32 v59, v34;
	v61 =	vsub.f32 v61, v34;
	v43 =	vsel vm5, v4, v6  }
0x153: {  	v6 =	vsel vm5, $0x6, v46;
	v48 =	vmul.f32 $1.442695020e+00, v19;
	v49 =	vmul.f32 $1.442695020e+00, v47  }
0x154: {  	v46 =	vsel vm2, $0x0, v29;
	v51 =	vmul.f32 $1.442695020e+00, v50;
	v19 =	vmul.f32 $1.442695020e+00, v52  }
0x155: {  	vm11 =	vgt.f32 v1, v43;
	v56 =	vmul.f32 $1.442695020e+00, v30;
	v58 =	vmul.f32 $1.442695020e+00, v57  }
0x156: {  	v60 =	vmul.f32 $1.442695020e+00, v59;
	v44 =	vmul.f32 $1.442695020e+00, v61;
	vm0 =	vmneg vm11  }
0x157: {  	v24 =	vnsel vm0, $0x7, v6;
	(erf) = vpow2.f32 v48;
	v6 =	vadd.f32 v53, v23  }
0x158: {  	vm4 =	vmand vm5, vm0;
	v38 =	vsel vm0, v43, v1;
	(erf) = vpow2.f32 v49  }
0x159: {  	vm7 =	veq.s32 v24, $0x0;
	vm6 =	veq.s32 v24, $0x1;
	vm8 =	veq.s32 v24, $0x2  }
0x15a: {  	vm9 =	veq.s32 v24, $0x3;
	v26 =	vsel vm7, $0xBF800000, v26;
	(erf) = vpow2.f32 v51  }
0x15b: {  	vm1 =	veq.s32 v24, $0x4;
	vm3 =	veq.s32 v24, $0x5;
	vm13 =	vgt.f32 v26, $-1.000000000e+00  }
0x15c: {  	v55 =	vsel vm6, $0xBF800000, v27;
	(erf) = vpow2.f32 v19;
	v54 =	vnsel vm13, $0xBF800000, v26  }
0x15d: {  	v24 =	vnsel vm0, $0xBF800000, v1;
	v1 =	vsel vm0, $0x0, v1;
	vm14 =	vgt.f32 v55, v54  }
0x15e: {  	v22 =	vsel vm8, $0xBF800000, v22;
	(erf) = vpow2.f32 v56;
	v23 =	vsel vm14, v55, v54  }
0x15f: {  	v57 =	vld [tilespmem:$0xF0];
	v47 =	vsel vm9, $0xBF800000, v28;
	v50 =	vsel vm1, $0xBF800000, v31;
	vm15 =	vgt.f32 v22, v23  }
0x160: {  	v51 =	vsel vm3, $0xBF800000, v32;
	v56 =	vld [tilespmem:$0x70];
	v22 =	vsel vm15, v22, v23;
	v25 =	vpop (erf);
	(erf) = vpow2.f32 v58  }
0x161: {  	v59 =	vnsel vm7, $0x0, v38;
	v49 =	vsel vm14, $0x1, v0;
	vm12 =	vgt.f32 v47, v22;
	v33 =	vpop (erf)  }
0x162: {  	v19 =	vsel vm15, $0x2, v49;
	v22 =	vsel vm12, v47, v22;
	v45 =	vadd.f32 v33, v25  }
0x163: {  	v23 =	vsel vm4, $0xBF800000, v4;
	v4 =	vnsel vm4, $0x0, v4;
	v29 =	vpop (erf);
	vm13 =	vgt.f32 v50, v22  }
0x164: {  	(erf) = vpow2.f32 v60;
	v22 =	vsel vm13, v50, v22;
	v48 =	vadd.f32 v45, v29  }
0x165: {  	v61 =	vmax.f32 v56, v57;
	v19 =	vsel vm12, $0x3, v19;
	v28 =	vpop (erf);
	vm14 =	vgt.f32 v51, v22  }
0x166: {  	(erf) = vpow2.f32 v44;
	v22 =	vsel vm14, v51, v22;
	v3 =	vadd.f32 v48, v28  }
0x167: {  	v53 =	vsel vm13, $0x4, v19;
	v19 =	vadd.f32 v62, v20;
	v31 =	vpop (erf);
	vm5 =	vgt.f32 v23, v22  }
0x168: {  	v20 =	vadd.f32 v59, v16;
	v54 =	vsel vm5, v23, v22;
	v3 =	vadd.f32 v3, v31  }
0x169: {  	v62 =	vnsel vm6, $0x0, v38;
	v16 =	vnsel vm8, $0x0, v38;
	vm15 =	vgt.f32 v24, v54;
	v32 =	vpop (erf)  }
0x16a: {  	v52 =	vadd.f32 v3, v32;
	v3 =	vadd.f32 v7, v21;
	v7 =	vsel vm14, $0x5, v53  }
0x16b: {  	v37 =	vld [tilespmem:$0x170];
	v14 =	vadd.f32 v62, v14;
	vm2 =	vmneg vm15;
	v7 =	vsel vm5, $0x6, v7  }
0x16c: {  	v41 =	vld [tilespmem:$0x1F0];
	v16 =	vadd.f32 v16, v11;
	v51 =	vnsel vm9, $0x0, v38;
	v40 =	vnsel vm2, $0x7, v7  }
0x16d: {  	v42 =	vld [tilespmem:$0x270];
	v22 =	vadd.f32 v63, v10;
	v35 =	vpop (erf);
	v39 =	vsel vm2, v54, v24;
	vm10 =	veq.s32 v40, $0x0  }
0x16e: {  	v26 =	vld [tilespmem:$0x2F0];
	v10 =	vadd.f32 v51, v12;
	v55 =	vadd.f32 v52, v35;
	v60 =	vnsel vm10, $0x0, v39  }
0x16f: {  	v62 =	vnsel vm1, $0x0, v38;
	v21 =	vadd.f32 v46, v15;
	v27 =	vpop (erf);
	v15 =	vadd.f32 v60, v18;
	v18 =	vld [tilespmem:$0x370]  }
0x170: {  	v30 =	vld [tilespmem:$0x3F0];
	v12 =	vadd.f32 v62, v8;
	v7 =	vmax.f32 v61, v37;
	v58 =	vadd.f32 v55, v27  }
0x171: {  	v22 =	vadd.f32 v1, v22;
	v24 =	vsel vm2, $0x0, v24;
	v7 =	vmax.f32 v7, v41  }
0x172: {  	v3 =	vadd.f32 v4, v3;
	v7 =	vmax.f32 v7, v42;
	(erf) = vrcp.f32 v58  }
0x173: {  	v1 =	vadd.f32 v24, v21;
	vm11 =	veq.s32 v40, $0x1;
	v49 =	vmax.f32 v7, v26  }
0x174: {  	vm12 =	veq.s32 v40, $0x2;
	v63 =	vnsel vm11, $0x0, v39;
	v50 =	vmax.f32 v49, v18  }
0x175: {  	v48 =	vnsel vm12, $0x0, v39;
	v13 =	vadd.f32 v63, v13;
	v52 =	vmax.f32 v50, v30  }
0x176: {  	v7 =	vadd.f32 v48, v17;
	v55 =	vsub.f32 v56, v52  }
0x177: {  	vm13 =	veq.s32 v40, $0x3;
	v56 =	vsub.f32 v57, v52;
	v60 =	vsub.f32 v37, v52  }
0x178: {  	v53 =	vnsel vm13, $0x0, v39;
	v61 =	vsub.f32 v41, v52;
	v42 =	vsub.f32 v42, v52  }
0x179: {  	v26 =	vsub.f32 v26, v52;
	v57 =	vmul.f32 $1.442695020e+00, v55;
	v58 =	vmul.f32 $1.442695020e+00, v56  }
0x17a: {  	v18 =	vsub.f32 v18, v52;
	v34 =	vmul.f32 $1.442695020e+00, v60;
	v63 =	vmul.f32 $1.442695020e+00, v61  }
0x17b: {  	v9 =	vadd.f32 v53, v9;
	v45 =	vmul.f32 $1.442695020e+00, v42;
	v26 =	vmul.f32 $1.442695020e+00, v26;
	v54 =	vpop (erf)  }
0x17c: {  	v17 =	vsub.f32 v30, v52;
	v18 =	vmul.f32 $1.442695020e+00, v18;
	v25 =	vmul.f32 v54, v25  }
0x17d: {  	v56 =	vnsel vm3, $0x0, v38;
	v33 =	vmul.f32 v54, v33;
	(erf) = vpow2.f32 v57  }
0x17e: {  	v17 =	vmul.f32 $1.442695020e+00, v17;
	v2 =	vadd.f32 v56, v2;
	(erf) = vpow2.f32 v58  }
0x17f: {  	v29 =	vmul.f32 v54, v29;
	v28 =	vmul.f32 v54, v28;
	vm14 =	vgt.f32 v33, v25  }
0x180: {  	v31 =	vmul.f32 v54, v31;
	(erf) = vpow2.f32 v34;
	v59 =	vsel vm14, v33, v25  }
0x181: {  	v32 =	vmul.f32 v54, v32;
	(erf) = vpow2.f32 v63;
	vm15 =	vgt.f32 v29, v59  }
0x182: {  	v41 =	vsel vm14, $0x1, v0;
	(erf) = vpow2.f32 v45;
	v11 =	vsel vm15, v29, v59  }
0x183: {  	v34 =	vsel vm15, $0x2, v41;
	vm15 =	veq.s32 v40, $0x4;
	vm12 =	vgt.f32 v28, v11  }
0x184: {  	v49 =	vnsel vm15, $0x0, v39;
	v36 =	vsel vm12, v28, v11;
	v11 =	vmul.f32 v54, v35  }
0x185: {  	v34 =	vsel vm12, $0x3, v34;
	v5 =	vadd.f32 v49, v5;
	vm13 =	vgt.f32 v31, v36  }
0x186: {  	vm12 =	veq.s32 v40, $0x5;
	v8 =	vsel vm13, v31, v36;
	v48 =	vpop (erf);
	(erf) = vpow2.f32 v26  }
0x187: {  	v57 =	vnsel vm12, $0x0, v39;
	v46 =	vsel vm13, $0x4, v34;
	vm14 =	vgt.f32 v32, v8;
	v50 =	vpop (erf)  }
0x188: {  	(erf) = vpow2.f32 v18;
	v44 =	vsel vm14, v32, v8;
	v51 =	vadd.f32 v50, v48  }
0x189: {  	v6 =	vadd.f32 v57, v6;
	v8 =	vmul.f32 v54, v27;
	v53 =	vpop (erf);
	vm6 =	vgt.f32 v11, v44  }
0x18a: {  	(erf) = vpow2.f32 v17;
	v47 =	vsel vm6, v11, v44;
	v54 =	vadd.f32 v51, v53  }
0x18b: {  	v27 =	vsel vm14, $0x5, v46;
	vm14 =	vmand vm5, vm2;
	v55 =	vpop (erf);
	vm11 =	vgt.f32 v8, v47  }
0x18c: {  	v52 =	vsel vm6, $0x6, v27;
	vm1 =	vmneg vm11;
	v17 =	vadd.f32 v54, v55  }
0x18d: {  	v23 =	vnsel vm14, $0x0, v23;
	v58 =	vpop (erf);
	v26 =	vnsel vm1, $0x7, v52;
	vm3 =	vmand vm6, vm1  }
0x18e: {  	v40 =	vsel vm1, v47, v8;
	vm10 =	veq.s32 v26, $0x0;
	v17 =	vadd.f32 v17, v58  }
0x18f: {  	vm9 =	veq.s32 v26, $0x1;
	vm8 =	veq.s32 v26, $0x2;
	vm7 =	veq.s32 v26, $0x3;
	v59 =	vpop (erf)  }
0x190: {  	vm5 =	veq.s32 v26, $0x4;
	v25 =	vsel vm10, $0xBF800000, v25;
	v17 =	vadd.f32 v17, v59  }
0x191: {  	vm0 =	veq.s32 v26, $0x5;
	v26 =	vsel vm3, $0xBF800000, v11;
	vm13 =	vgt.f32 v25, $-1.000000000e+00;
	v60 =	vpop (erf)  }
0x192: {  	v33 =	vsel vm9, $0xBF800000, v33;
	v25 =	vnsel vm13, $0xBF800000, v25;
	v17 =	vadd.f32 v17, v60  }
0x193: {  	v29 =	vsel vm8, $0xBF800000, v29;
	v28 =	vsel vm7, $0xBF800000, v28;
	v61 =	vpop (erf);
	vm15 =	vgt.f32 v33, v25  }
0x194: {  	v63 =	vsel vm5, $0xBF800000, v31;
	v25 =	vsel vm15, v33, v25;
	v17 =	vadd.f32 v17, v61  }
0x195: {  	v31 =	vsel vm0, $0xBF800000, v32;
	v43 =	vnsel vm10, $0x0, v40;
	vm12 =	vgt.f32 v29, v25  }
0x196: {  	v47 =	vnsel vm9, $0x0, v40;
	v25 =	vsel vm12, v29, v25;
	(erf) = vrcp.f32 v17  }
0x197: {  	v34 =	vnsel vm7, $0x0, v40;
	v4 =	vnsel vm0, $0x0, v40;
	vm13 =	vgt.f32 v28, v25  }
0x198: {  	v20 =	vadd.f32 v43, v20;
	v14 =	vadd.f32 v47, v14;
	v25 =	vsel vm13, v28, v25  }
0x199: {  	v10 =	vadd.f32 v34, v10;
	v62 =	vsel vm15, $0x1, v0;
	vm14 =	vgt.f32 v63, v25  }
0x19a: {  	v2 =	vadd.f32 v4, v2;
	v28 =	vsel vm12, $0x2, v62;
	v25 =	vsel vm14, v63, v25  }
0x19b: {  	v62 =	vnsel vm3, $0x0, v11;
	v17 =	vsel vm13, $0x3, v28;
	vm15 =	vgt.f32 v31, v25  }
0x19c: {  	v3 =	vadd.f32 v62, v3;
	v32 =	vsel vm14, $0x4, v17;
	v25 =	vsel vm15, v31, v25  }
0x19d: {  	v17 =	vadd.f32 v23, v19;
	v23 =	vnsel vm1, $0xBF800000, v8;
	vm2 =	vgt.f32 v26, v25  }
0x19e: {  	v8 =	vsel vm1, $0x0, v8;
	v37 =	vsel vm15, $0x5, v32;
	v36 =	vsel vm2, v26, v25  }
0x19f: {  	v8 =	vadd.f32 v8, v22;
	v41 =	vsel vm2, $0x6, v37;
	vm12 =	vgt.f32 v23, v36;
	v44 =	vpop (erf)  }
0x1a0: {  	vm4 =	vmneg vm12;
	v46 =	vmul.f32 v44, v48;
	v30 =	vmul.f32 v44, v50  }
0x1a1: {  	v42 =	vnsel vm4, $0x7, v41;
	v27 =	vmul.f32 v44, v53;
	v18 =	vmul.f32 v44, v55  }
0x1a2: {  	v19 =	vsel vm4, v36, v23;
	v52 =	vmul.f32 v44, v58;
	v54 =	vmul.f32 v44, v59  }
0x1a3: {  	v50 =	vnsel vm8, $0x0, v40;
	v55 =	vmul.f32 v44, v60;
	v24 =	vmul.f32 v44, v61  }
0x1a4: {  	v58 =	vnsel vm5, $0x0, v40;
	vm2 =	vmand vm2, vm4;
	vm6 =	vgt.f32 v30, v46  }
0x1a5: {  	v35 =	vsel vm4, $0x0, v23;
	vm13 =	veq.s32 v42, $0x0;
	v49 =	vsel vm6, v30, v46  }
0x1a6: {  	vm14 =	veq.s32 v42, $0x1;
	v16 =	vadd.f32 v50, v16;
	vm8 =	vgt.f32 v27, v49  }
0x1a7: {  	vm15 =	veq.s32 v42, $0x2;
	vm9 =	veq.s32 v42, $0x4;
	v25 =	vsel vm8, v27, v49  }
0x1a8: {  	v12 =	vadd.f32 v58, v12;
	v1 =	vadd.f32 v35, v1;
	vm12 =	vgt.f32 v18, v25  }
0x1a9: {  	v45 =	vnsel vm13, $0x0, v19;
	v48 =	vnsel vm14, $0x0, v19;
	v25 =	vsel vm12, v18, v25  }
0x1aa: {  	v51 =	vnsel vm15, $0x0, v19;
	vm13 =	veq.s32 v42, $0x3;
	vm14 =	vgt.f32 v52, v25  }
0x1ab: {  	v59 =	vnsel vm9, $0x0, v19;
	v15 =	vadd.f32 v45, v15;
	v25 =	vsel vm14, v52, v25  }
0x1ac: {  	v13 =	vadd.f32 v48, v13;
	v56 =	vsel vm6, $0x1, v0;
	vm15 =	vgt.f32 v54, v25  }
0x1ad: {  	v53 =	vnsel vm13, $0x0, v19;
	v33 =	vsel vm8, $0x2, v56;
	v25 =	vsel vm15, v54, v25  }
0x1ae: {  	v7 =	vadd.f32 v51, v7;
	v57 =	vsel vm12, $0x3, v33;
	vm6 =	vgt.f32 v55, v25  }
0x1af: {  	v5 =	vadd.f32 v59, v5;
	v29 =	vsel vm14, $0x4, v57;
	v25 =	vsel vm6, v55, v25  }
0x1b0: {  	v9 =	vadd.f32 v53, v9;
	v29 =	vsel vm15, $0x5, v29;
	vm11 =	vgt.f32 v24, v25  }
0x1b1: {  	vm12 =	veq.s32 v42, $0x5;
	v29 =	vsel vm6, $0x6, v29;
	vm5 =	vmneg vm11  }
0x1b2: {  	v33 =	vnsel vm2, $0x0, v26;
	v60 =	vnsel vm12, $0x0, v19;
	v29 =	vnsel vm5, $0x7, v29  }
0x1b3: {  	v17 =	vadd.f32 v33, v17;
	v4 =	vadd.f32 v60, v6;
	vm7 =	veq.s32 v29, $0x0  }
0x1b4: {  	vm6 =	vmand vm6, vm5;
	v40 =	vsel vm5, v25, v24;
	v61 =	vsel vm7, $0xBF800000, v46  }
0x1b5: {  	v43 =	vnsel vm5, $0xBF800000, v24;
	vm8 =	veq.s32 v29, $0x1;
	vm13 =	vgt.f32 v61, $-1.000000000e+00  }
0x1b6: {  	v49 =	vsel vm5, $0x0, v24;
	v21 =	vsel vm8, $0xBF800000, v30;
	v63 =	vnsel vm13, $0xBF800000, v61  }
0x1b7: {  	vm3 =	veq.s32 v29, $0x2;
	vm2 =	veq.s32 v29, $0x3;
	vm0 =	vgt.f32 v21, v63  }
0x1b8: {  	vm12 =	veq.s32 v29, $0x4;
	v30 =	vsel vm3, $0xBF800000, v27;
	v28 =	vsel vm0, v21, v63  }
0x1b9: {  	v39 =	vsel vm6, $0xBF800000, v55;
	v48 =	vnsel vm6, $0x0, v55;
	vm14 =	vgt.f32 v30, v28  }
0x1ba: {  	v8 =	vadd.f32 v49, v8;
	v34 =	vsel vm2, $0xBF800000, v18;
	v6 =	vsel vm14, v30, v28  }
0x1bb: {  	v37 =	vsel vm12, $0xBF800000, v52;
	v41 =	vnsel vm7, $0x0, v40;
	vm15 =	vgt.f32 v34, v6  }
0x1bc: {  	v42 =	vnsel vm8, $0x0, v40;
	v0 =	vsel vm0, $0x1, v0;
	v6 =	vsel vm15, v34, v6  }
0x1bd: {  	v0 =	vsel vm14, $0x2, v0;
	vm14 =	veq.s32 v29, $0x5;
	vm13 =	vgt.f32 v37, v6  }
0x1be: {  	v44 =	vnsel vm3, $0x0, v40;
	v38 =	vsel vm14, $0xBF800000, v54;
	v6 =	vsel vm13, v37, v6  }
0x1bf: {  	v45 =	vnsel vm2, $0x0, v40;
	v0 =	vsel vm15, $0x3, v0;
	vm15 =	vgt.f32 v38, v6  }
0x1c0: {  	v46 =	vnsel vm12, $0x0, v40;
	v3 =	vadd.f32 v48, v3;
	v6 =	vsel vm15, v38, v6  }
0x1c1: {  	v20 =	vadd.f32 v41, v20;
	v14 =	vadd.f32 v42, v14;
	[tilespmem:$0x470] =	vst v8;
	vm0 =	vgt.f32 v39, v6  }
0x1c2: {  	v16 =	vadd.f32 v44, v16;
	v10 =	vadd.f32 v45, v10;
	[tilespmem:$0x460] =	vst v3;
	v6 =	vsel vm0, v39, v6  }
0x1c3: {  	v12 =	vadd.f32 v46, v12;
	[tilespmem:$0x400] =	vst v20;
	v0 =	vsel vm13, $0x4, v0;
	vm8 =	vgt.f32 v43, v6  }
0x1c4: {  	[tilespmem:$0x410] =	vst v14;
	v47 =	vnsel vm14, $0x0, v40;
	v0 =	vsel vm15, $0x5, v0;
	vm1 =	vmneg vm8  }
0x1c5: {  	[tilespmem:$0x420] =	vst v16;
	v2 =	vadd.f32 v47, v2;
	v0 =	vsel vm0, $0x6, v0;
	v6 =	vsel vm1, v6, v43  }
0x1c6: {  	[tilespmem:$0x430] =	vst v10;
	v0 =	vnsel vm1, $0x7, v0;
	vm0 =	vmand vm0, vm1;
	v62 =	vsel vm1, $0x0, v43  }
0x1c7: {  	[tilespmem:$0x440] =	vst v12;
	vm10 =	veq.s32 v0, $0x0;
	v60 =	vnsel vm0, $0x0, v39;
	v63 =	vadd.f32 v62, v1  }
0x1c8: {  	[tilespmem:$0x450] =	vst v2;
	vm11 =	veq.s32 v0, $0x1;
	v50 =	vnsel vm10, $0x0, v6;
	v61 =	vadd.f32 v60, v17  }
0x1c9: {  	vm12 =	veq.s32 v0, $0x2;
	v52 =	vnsel vm11, $0x0, v6;
	v51 =	vadd.f32 v50, v15;
	[tilespmem:$0x4F0] =	vst v63  }
0x1ca: {  	vm13 =	veq.s32 v0, $0x3;
	v54 =	vnsel vm12, $0x0, v6;
	v53 =	vadd.f32 v52, v13;
	[tilespmem:$0x4E0] =	vst v61  }
0x1cb: {  	s29 =	sshll.u32 s1, $0x8;
	vm14 =	veq.s32 v0, $0x4;
	v55 =	vnsel vm13, $0x0, v6;
	v7 =	vadd.f32 v54, v7;
	[tilespmem:$0x480] =	vst v51  }
0x1cc: {  	s4 =	sand.u32 $0x380, s4;
	s5 =	sand.u32 $0x800, s29;
	vm15 =	veq.s32 v0, $0x5;
	v57 =	vnsel vm14, $0x0, v6;
	v56 =	vadd.f32 v55, v9;
	[tilespmem:$0x490] =	vst v53  }
0x1cd: {  	s4 =	sor.u32 s4, s5;
	v59 =	vnsel vm15, $0x0, v6;
	v58 =	vadd.f32 v57, v5;
	[tilespmem:$0x4A0] =	vst v7  }
0x1ce: {  	s4 =	sshrl.u32 s4, $0x3;
	v3 =	vadd.f32 v59, v4;
	[tilespmem:$0x4B0] =	vst v56  }
0x1cf: {  	s2 =	sadd.s32 s4, s2;
	[tilespmem:$0x4C0] =	vst v58  }
0x1d0: {  	s30 =	simm.s32 $0x400;
	s31 =	simm.s32 $0x2;
	s2 =	sadd.s32 $0x1400, s2;
	[tilespmem:$0x4D0] =	vst v3  }
0x1d1: {  	[hbm4b:s2+s16] =	stream.strided.scatter [tilespmem:s30], [sflag:$0x2], $0x100, s30, s16, $0x38;
	[tilespmem:$0x500] =	vst v63  }
0x1d2: {  	_ =	swait.ge [sflag:s31], $0x100  }
0x1d3: {  	[sflag:s31] =	ssyncset.done $0x0  }
0x1d4: {  	[sflag:s31] =	ssyncadd.s32 $0xFFFFFF00  }
0x1d5: {  	_ =	sfence.sel $0x180000  }
0x1d6: {  	[bflag:$0x0] =	sbarrier.arrive $0xFFFF  }
0x1d7: {  	p0 =	sne.s32 s1, $0x0;
	_ =	strace $0x90000047  }
0x1d8: {  	s0 =	sadd.s32 @!p0 $0x100000, s0;
	[bflag:$0x2] =	sbarrier.arrive $0xFFFF  }
0x1d9: {  	[sflag:s0] =	ssyncadd.tile.s32 @!p0 $0x1;
	_ =	shalt  }
.Lfunc_end2:
_tile_overlayer_lowered:
.L_overlay_start_2:
0x1da: {  	(tag) =	ssettag $0x2  }
0x1db: {  	s0 =	rddreg [dreg:$0x0];
	s2 =	stileid.u32  }
0x1dc: {  	s1 =	rddreg [dreg:$0x1];
	p0 =	sne.s32 s2, $0x0  }
0x1dd: {  	s3 =	rddreg [dreg:$0x2];
	[bflag:$0x3] =	sbarrier.arrive $0xFFFF;
	s2 =	simm.s32 @!p0 $0x1C02  }
0x1de: {  	[timem:s3], [sflag:s2] =	dma.local @!p0 [hbm:s0], s1  }
0x1df: {  	s0 =	simm.s32 @!p0 $0x2  }
0x1e0: {  	_ =	swait.ge @!p0 [sflag:s0], s1  }
0x1e1: {  	s1 =	ssub.s32 @!p0 $0x0, s1;
	[sflag:s0] =	ssyncset.done @!p0 $0x0  }
0x1e2: {  	[sflag:s0] =	ssyncadd.s32 @!p0 s1  }
0x1e3: {  	[bflag:$0x3] =	sbarrier.arrive $0xFFFF  }
0x1e4: {  	_ =	shalt  }

</sc_bundles>
